<compile_context>
chip_gen: v7x
topology: tpu7x:2x2x1
jax: 0.10.2.dev20260603
libtpu: 0.0.44.dev20260713+nightly
codegen_flags: <defaults>
</compile_context>

<pallas_src>
import functools

import jax
import jax.numpy as jnp
from jax import lax
from jax.experimental import pallas as pl
from jax.experimental.pallas import tpu as pltpu
from jax.experimental.pallas import tpu_sc as plsc

N_CHARS = 9
DIM = 1024
MULT_DIM = 8
ROWS = N_CHARS * MULT_DIM
RDIM = DIM * MULT_DIM
HDIM = RDIM // 2

NC = 2
NS = 16
NW = NC * NS
K = 8


def _fuse_body(ce_ref, ne_ref, sep_ref, out_ref):
    sep3 = jnp.broadcast_to(sep_ref[...][:, None, :], (N_CHARS, MULT_DIM, DIM))
    out_ref[0:N_CHARS] = ne_ref[...].reshape(N_CHARS, MULT_DIM, DIM) + sep3
    out_ref[N_CHARS:2 * N_CHARS] = ce_ref[...].reshape(N_CHARS, MULT_DIM, DIM) + sep3


def _build_table(char_emb, not_char_emb, sep_emb):
    return pl.pallas_call(
        _fuse_body,
        out_shape=jax.ShapeDtypeStruct((2 * N_CHARS, MULT_DIM, DIM), jnp.float32),
    )(char_emb, not_char_emb, sep_emb)


def _sc_lookup(table, labels_flat, n_rows, n_rows_total):
    n_half = n_rows * 2
    hr_off = (n_rows_total - n_rows) * 2
    hr_per_w = n_half // NW
    nch = hr_per_w // K

    @functools.partial(
        pl.kernel,
        out_type=jax.ShapeDtypeStruct((n_rows_total * 2, 32, 128), jnp.float32),
        mesh=plsc.VectorSubcoreMesh(core_axis_name="c", subcore_axis_name="s"),
        scratch_types=[
            pltpu.VMEM((hr_per_w,), jnp.int32),
            pltpu.VMEM((hr_per_w,), jnp.int32),
            pltpu.VMEM((K, 32, 128), jnp.float32),
            pltpu.VMEM((K, 32, 128), jnp.float32),
            pltpu.VMEM((K, 32, 128), jnp.float32),
            pltpu.VMEM_SHARED((4 * N_CHARS, 32, 128), jnp.float32),
            pltpu.SemaphoreType.DMA,
            pltpu.SemaphoreType.DMA,
            pltpu.SemaphoreType.DMA,
            pltpu.SemaphoreType.DMA,
            pltpu.SemaphoreType.DMA,
            pltpu.SemaphoreType.DMA,
        ],
    )
    def body(tbl_hbm, lbl_hbm, out_hbm, lbl_v, idx_v, buf0, buf1, buf2, spm,
             sg0, sg1, sg2, so0, so1, so2):
        cid = lax.axis_index("c")
        sid = lax.axis_index("s")
        wid = sid * NC + cid
        lbase = wid * hr_per_w
        base = hr_off + lbase

        @pl.when(sid == 0)
        def _stage():
            pltpu.sync_copy(tbl_hbm, spm)

        pltpu.sync_copy(lbl_hbm.at[pl.ds(lbase, hr_per_w)], lbl_v)
        lane = lax.iota(jnp.int32, 16)
        two = jnp.int32(2)
        for i in range(hr_per_w // 16):
            hr = base + i * 16 + lane
            h = hr % 2
            c = lax.div(hr, two) % N_CHARS
            lbl = lbl_v[pl.ds(i * 16, 16)]
            idx_v[pl.ds(i * 16, 16)] = (lbl * N_CHARS + c) * 2 + h
        plsc.subcore_barrier()

        bufs = (buf0, buf1, buf2)
        sgs = (sg0, sg1, sg2)
        sos = (so0, so1, so2)

        def gather(c, slot):
            pltpu.async_copy(spm.at[idx_v.at[pl.ds(c * K, K)]], bufs[slot], sgs[slot])

        def wait_g(slot):
            pltpu.make_async_copy(
                spm.at[idx_v.at[pl.ds(0, K)]], bufs[slot], sgs[slot]).wait()

        def write(c, slot):
            pltpu.async_copy(bufs[slot], out_hbm.at[pl.ds(base + c * K, K)], sos[slot])

        def wait_o(slot):
            pltpu.make_async_copy(
                bufs[slot], out_hbm.at[pl.ds(base, K)], sos[slot]).wait()

        ngrp = nch // 3

        def group(c0, prefetch):
            wait_g(0)
            write(c0, 0)
            wait_g(1)
            write(c0 + 1, 1)
            wait_g(2)
            write(c0 + 2, 2)
            if prefetch:
                wait_o(0)
                gather(c0 + 3, 0)
                wait_o(1)
                gather(c0 + 4, 1)
                wait_o(2)
                gather(c0 + 5, 2)

        gather(0, 0)
        gather(1, 1)
        gather(2, 2)

        def mid(g, carry):
            group(g * 3, True)
            return carry

        lax.fori_loop(0, ngrp - 1, mid, 0)
        group((ngrp - 1) * 3, False)
        wait_o(0)
        wait_o(1)
        wait_o(2)

    return body(table, labels_flat)


def kernel(character_labels, char_emb, not_char_emb, sep_emb):
    b = character_labels.shape[0]
    labels = character_labels.astype(jnp.int32)
    table3 = _build_table(char_emb, not_char_emb, sep_emb)
    table_sc = table3.reshape(4 * N_CHARS, 32, 128)
    labels_half = jnp.repeat(labels.reshape(b * N_CHARS), 2)
    out = _sc_lookup(table_sc, labels_half, b * N_CHARS, b * N_CHARS)
    return out.reshape(b, ROWS, DIM)

# --- scband reference (transcript-rebuilt; emitter-appended) ---
"""Pipeline reference for scband-character-embeddings-12859132084877 (READ-ONLY COPY).

The authoritative reference and input builder live on the scoring server;
editing this copy changes nothing except your own understanding.
"""

import jax, jax.numpy as jnp
import numpy as np

N_CHARS = 9
DIM = 1024
MULT_DIM = 8
BATCH = 1024


def setup_inputs(seed: int = 0) -> dict:
    key = jax.random.key(seed)
    k1, k2, k3, k4 = jax.random.split(key, 4)
    character_labels = jax.random.randint(k1, (BATCH, N_CHARS), 0, 2, dtype=jnp.int64 if jax.config.jax_enable_x64 else jnp.int32)
    char_emb = jax.random.normal(k2, (N_CHARS, DIM * MULT_DIM), dtype=jnp.float32)
    not_char_emb = jax.random.normal(k3, (N_CHARS, DIM * MULT_DIM), dtype=jnp.float32)
    sep_emb = jax.random.normal(k4, (N_CHARS, DIM), dtype=jnp.float32)
    return {"character_labels": character_labels, "char_emb": char_emb, "not_char_emb": not_char_emb, "sep_emb": sep_emb}


def reference(character_labels, char_emb, not_char_emb, sep_emb):
    b = character_labels.shape[0]
    # character_indices = arange(n_chars) repeated over batch
    idx = jnp.tile(jnp.arange(N_CHARS)[None, :], (b, 1))  # [b, n_chars]
    character_embs = jnp.take(char_emb, idx, axis=0)       # [b, n_chars, dim*mult_dim]
    not_character_embs = jnp.take(not_char_emb, idx, axis=0)
    character_embs = jnp.where(character_labels[..., None] == 1, character_embs, not_character_embs)
    # rearrange '... (mult_dim dim) -> ... mult_dim dim'
    character_embs = character_embs.reshape(b, N_CHARS, MULT_DIM, DIM)
    seperators = jnp.take(sep_emb, idx, axis=0)            # [b, n_chars, dim]
    seperators = jnp.repeat(seperators[:, :, None, :], MULT_DIM, axis=2)  # [b, n_chars, mult_dim, dim]
    character_embs = character_embs + seperators
    # rearrange 'b n_char n_tok ... -> b (n_char n_tok) ...'
    out = character_embs.reshape(b, N_CHARS * MULT_DIM, DIM)
    return out

if __name__ == "__main__":
    import jax
    _d = setup_inputs()
    print(jax.jit(kernel)(*tuple(_d.values())))

</pallas_src>

<mosaic_0001>
#map = affine_map<(d0, d1) -> (0, 0, 0)>
#map1 = affine_map<(d0, d1) -> (0)>
module attributes {stable_mosaic.version = 14 : i64} {
  func.func @body(%arg0: i32, %arg1: i32, %arg2: memref<36x32x128xf32, #tpu.memory_space<hbm>>, %arg3: memref<18432xi32, #tpu.memory_space<hbm>>, %arg4: memref<18432x32x128xf32, #tpu.memory_space<hbm>>, %arg5: memref<576xi32, #tpu.memory_space<vmem>>, %arg6: memref<576xi32, #tpu.memory_space<vmem>>, %arg7: memref<8x32x128xf32, #tpu.memory_space<vmem>>, %arg8: memref<8x32x128xf32, #tpu.memory_space<vmem>>, %arg9: memref<8x32x128xf32, #tpu.memory_space<vmem>>, %arg10: memref<36x32x128xf32, #tpu.memory_space<vmem_shared>>, %arg11: memref<!tpu.dma_semaphore, #tpu.memory_space<semaphore_mem>>, %arg12: memref<!tpu.dma_semaphore, #tpu.memory_space<semaphore_mem>>, %arg13: memref<!tpu.dma_semaphore, #tpu.memory_space<semaphore_mem>>, %arg14: memref<!tpu.dma_semaphore, #tpu.memory_space<semaphore_mem>>, %arg15: memref<!tpu.dma_semaphore, #tpu.memory_space<semaphore_mem>>, %arg16: memref<!tpu.dma_semaphore, #tpu.memory_space<semaphore_mem>>) attributes {dimension_semantics = [#tpu.dimension_semantics<core_parallel>, #tpu.dimension_semantics<subcore_parallel>], iteration_bounds = array<i64: 2, 16>, scalar_prefetch = 0 : i64, scratch_operands = 12 : i64, tpu.core_type = #tpu.core_type<sc_vector_subcore>, window_params = [{transform_indices = #map}, {transform_indices = #map1}, {transform_indices = #map}]} {
    %mul3A = arith.constant 2 : i32
    %mul3A_0 = arith.muli %arg1, %mul3A : i32
    %add3A = arith.addi %mul3A_0, %arg0 : i32
    %mul3A_1 = arith.constant 576 : i32
    %mul3A_2 = arith.muli %add3A, %mul3A_1 : i32
    %add3A_3 = arith.constant 0 : i32
    %add3A_4 = arith.addi %add3A_3, %mul3A_2 : i32
    %eq3A = arith.constant 0 : i32
    %eq3A_5 = arith.cmpi eq, %arg1, %eq3A : i32
    %convert_element_type3A = arith.extui %eq3A_5 : i1 to i32
    %cond3A = arith.constant 0 : i32
    %cond3A_6 = arith.cmpi ne, %convert_element_type3A, %cond3A : i32
    scf.if %cond3A_6 {
      "tpu.region"() ({
        %run_scoped3A = tpu.sem_alloc : memref<!tpu.dma_semaphore, #tpu.memory_space<semaphore_mem>>
        tpu.enqueue_dma source(%arg2 : memref<36x32x128xf32, #tpu.memory_space<hbm>>) target(%arg10 : memref<36x32x128xf32, #tpu.memory_space<vmem_shared>>) target_semaphore(%run_scoped3A : memref<!tpu.dma_semaphore, #tpu.memory_space<semaphore_mem>>)
        tpu.wait_dma2 semaphore(%run_scoped3A : memref<!tpu.dma_semaphore, #tpu.memory_space<semaphore_mem>>) src(%arg2 : memref<36x32x128xf32, #tpu.memory_space<hbm>>) dst(%arg10 : memref<36x32x128xf32, #tpu.memory_space<vmem_shared>>)
        tpu.yield
      }) : () -> ()
    } else {
    }
    "tpu.region"() ({
      %run_scoped3A = tpu.sem_alloc : memref<!tpu.dma_semaphore, #tpu.memory_space<semaphore_mem>>
      %dma_start3A_2455 = tpu.memref_slice %arg3[%mul3A_2] : memref<18432xi32, #tpu.memory_space<hbm>> -> memref<576xi32, #tpu.memory_space<hbm>>
      %dma_start3A_2456 = tpu.memref_slice %arg3[%mul3A_2] : memref<18432xi32, #tpu.memory_space<hbm>> -> memref<576xi32, #tpu.memory_space<hbm>>
      tpu.enqueue_dma source(%dma_start3A_2456 : memref<576xi32, #tpu.memory_space<hbm>>) target(%arg5 : memref<576xi32, #tpu.memory_space<vmem>>) target_semaphore(%run_scoped3A : memref<!tpu.dma_semaphore, #tpu.memory_space<semaphore_mem>>)
      %dma_wait3A_2457 = tpu.memref_slice %arg3[%mul3A_2] : memref<18432xi32, #tpu.memory_space<hbm>> -> memref<576xi32, #tpu.memory_space<hbm>>
      %dma_wait3A_2458 = tpu.memref_slice %arg3[%mul3A_2] : memref<18432xi32, #tpu.memory_space<hbm>> -> memref<576xi32, #tpu.memory_space<hbm>>
      tpu.wait_dma2 semaphore(%run_scoped3A : memref<!tpu.dma_semaphore, #tpu.memory_space<semaphore_mem>>) src(%dma_wait3A_2458 : memref<576xi32, #tpu.memory_space<hbm>>) dst(%arg5 : memref<576xi32, #tpu.memory_space<vmem>>)
      tpu.yield
    }) : () -> ()
    %iota3A = tpu.iota {dimensions = array<i32: 0>} : vector<16xi32>
    %add3A_7 = arith.constant 0 : i32
    %add3A_8 = arith.addi %add3A_4, %add3A_7 : i32
    %add3A_9 = vector.broadcast %add3A_8 : i32 to vector<16xi32>
    %add3A_10 = arith.addi %add3A_9, %iota3A : vector<16xi32>
    %jit3A = arith.constant 2 : i32
    %eq3A_11 = arith.constant 0 : i32
    %eq3A_12 = arith.cmpi eq, %jit3A, %eq3A_11 : i32
    %jit3A_13 = arith.constant 1 : i32
    %select_n3A = arith.select %eq3A_12, %jit3A_13, %jit3A : i32
    %rem3A = vector.broadcast %select_n3A : i32 to vector<16xi32>
    %rem3A_14 = arith.remsi %add3A_10, %rem3A : vector<16xi32>
    %ne3A = arith.constant 0 : i32
    %ne3A_15 = vector.broadcast %ne3A : i32 to vector<16xi32>
    %ne3A_16 = arith.cmpi ne, %rem3A_14, %ne3A_15 : vector<16xi32>
    %lt3A = arith.constant 0 : i32
    %lt3A_17 = vector.broadcast %lt3A : i32 to vector<16xi32>
    %lt3A_18 = arith.cmpi slt, %rem3A_14, %lt3A_17 : vector<16xi32>
    %lt3A_19 = arith.constant 0 : i32
    %lt3A_20 = arith.cmpi slt, %select_n3A, %lt3A_19 : i32
    %ne3A_21 = vector.broadcast %lt3A_20 : i1 to vector<16xi1>
    %ne3A_22 = vector.broadcast %ne3A_21 : vector<16xi1> to vector<16xi1>
    %ne3A_23 = arith.xori %lt3A_18, %ne3A_22 : vector<16xi1>
    %and3A = arith.andi %ne3A_23, %ne3A_16 : vector<16xi1>
    %add3A_24 = vector.broadcast %select_n3A : i32 to vector<16xi32>
    %add3A_25 = arith.addi %rem3A_14, %add3A_24 : vector<16xi32>
    %select_n3A_26 = arith.select %and3A, %add3A_25, %rem3A_14 : vector<16xi1>, vector<16xi32>
    %div3A = arith.constant 2 : i32
    %div3A_27 = vector.broadcast %div3A : i32 to vector<16xi32>
    %div3A_28 = arith.divsi %add3A_10, %div3A_27 : vector<16xi32>
    %jit3A_29 = arith.constant 9 : i32
    %eq3A_30 = arith.constant 0 : i32
    %eq3A_31 = arith.cmpi eq, %jit3A_29, %eq3A_30 : i32
    %jit3A_32 = arith.constant 1 : i32
    %select_n3A_33 = arith.select %eq3A_31, %jit3A_32, %jit3A_29 : i32
    %rem3A_34 = vector.broadcast %select_n3A_33 : i32 to vector<16xi32>
    %rem3A_35 = arith.remsi %div3A_28, %rem3A_34 : vector<16xi32>
    %ne3A_36 = arith.constant 0 : i32
    %ne3A_37 = vector.broadcast %ne3A_36 : i32 to vector<16xi32>
    %ne3A_38 = arith.cmpi ne, %rem3A_35, %ne3A_37 : vector<16xi32>
    %lt3A_39 = arith.constant 0 : i32
    %lt3A_40 = vector.broadcast %lt3A_39 : i32 to vector<16xi32>
    %lt3A_41 = arith.cmpi slt, %rem3A_35, %lt3A_40 : vector<16xi32>
    %lt3A_42 = arith.constant 0 : i32
    %lt3A_43 = arith.cmpi slt, %select_n3A_33, %lt3A_42 : i32
    %ne3A_44 = vector.broadcast %lt3A_43 : i1 to vector<16xi1>
    %ne3A_45 = vector.broadcast %ne3A_44 : vector<16xi1> to vector<16xi1>
    %ne3A_46 = arith.xori %lt3A_41, %ne3A_45 : vector<16xi1>
    %and3A_47 = arith.andi %ne3A_46, %ne3A_38 : vector<16xi1>
    %add3A_48 = vector.broadcast %select_n3A_33 : i32 to vector<16xi32>
    %add3A_49 = arith.addi %rem3A_35, %add3A_48 : vector<16xi32>
    %select_n3A_50 = arith.select %and3A_47, %add3A_49, %rem3A_35 : vector<16xi1>, vector<16xi32>
    %get3A = arith.constant 0 : index
    %get3A_51 = tpu.vector_load %arg5[%get3A] {strides = array<i32>} : memref<576xi32, #tpu.memory_space<vmem>>, vector<16xi32>,
    %get3A_52 = vector.shape_cast %get3A_51 : vector<16xi32> to vector<16xi32>
    %mul3A_53 = arith.constant 9 : i32
    %mul3A_54 = vector.broadcast %mul3A_53 : i32 to vector<16xi32>
    %mul3A_55 = arith.muli %get3A_52, %mul3A_54 : vector<16xi32>
    %add3A_56 = arith.addi %mul3A_55, %select_n3A_50 : vector<16xi32>
    %mul3A_57 = arith.constant 2 : i32
    %mul3A_58 = vector.broadcast %mul3A_57 : i32 to vector<16xi32>
    %mul3A_59 = arith.muli %add3A_56, %mul3A_58 : vector<16xi32>
    %add3A_60 = arith.addi %mul3A_59, %select_n3A_26 : vector<16xi32>
    %swap3A = arith.constant 0 : index
    %swap3A_61 = tpu.vector_load %arg6[%swap3A] {strides = array<i32>} : memref<576xi32, #tpu.memory_space<vmem>>, vector<16xi32>,
    %swap3A_62 = vector.shape_cast %swap3A_61 : vector<16xi32> to vector<16xi32>
    %swap3A_63 = vector.shape_cast %add3A_60 : vector<16xi32> to vector<16xi32>
    tpu.vector_store %arg6[%swap3A], %swap3A_63 {strides = array<i32>} : memref<576xi32, #tpu.memory_space<vmem>>, vector<16xi32>,
    %add3A_64 = arith.constant 16 : i32
    %add3A_65 = arith.addi %add3A_4, %add3A_64 : i32
    %add3A_66 = vector.broadcast %add3A_65 : i32 to vector<16xi32>
    %add3A_67 = arith.addi %add3A_66, %iota3A : vector<16xi32>
    %jit3A_68 = arith.constant 2 : i32
    %eq3A_69 = arith.constant 0 : i32
    %eq3A_70 = arith.cmpi eq, %jit3A_68, %eq3A_69 : i32
    %jit3A_71 = arith.constant 1 : i32
    %select_n3A_72 = arith.select %eq3A_70, %jit3A_71, %jit3A_68 : i32
    %rem3A_73 = vector.broadcast %select_n3A_72 : i32 to vector<16xi32>
    %rem3A_74 = arith.remsi %add3A_67, %rem3A_73 : vector<16xi32>
    %ne3A_75 = arith.constant 0 : i32
    %ne3A_76 = vector.broadcast %ne3A_75 : i32 to vector<16xi32>
    %ne3A_77 = arith.cmpi ne, %rem3A_74, %ne3A_76 : vector<16xi32>
    %lt3A_78 = arith.constant 0 : i32
    %lt3A_79 = vector.broadcast %lt3A_78 : i32 to vector<16xi32>
    %lt3A_80 = arith.cmpi slt, %rem3A_74, %lt3A_79 : vector<16xi32>
    %lt3A_81 = arith.constant 0 : i32
    %lt3A_82 = arith.cmpi slt, %select_n3A_72, %lt3A_81 : i32
    %ne3A_83 = vector.broadcast %lt3A_82 : i1 to vector<16xi1>
    %ne3A_84 = vector.broadcast %ne3A_83 : vector<16xi1> to vector<16xi1>
    %ne3A_85 = arith.xori %lt3A_80, %ne3A_84 : vector<16xi1>
    %and3A_86 = arith.andi %ne3A_85, %ne3A_77 : vector<16xi1>
    %add3A_87 = vector.broadcast %select_n3A_72 : i32 to vector<16xi32>
    %add3A_88 = arith.addi %rem3A_74, %add3A_87 : vector<16xi32>
    %select_n3A_89 = arith.select %and3A_86, %add3A_88, %rem3A_74 : vector<16xi1>, vector<16xi32>
    %div3A_90 = arith.constant 2 : i32
    %div3A_91 = vector.broadcast %div3A_90 : i32 to vector<16xi32>
    %div3A_92 = arith.divsi %add3A_67, %div3A_91 : vector<16xi32>
    %jit3A_93 = arith.constant 9 : i32
    %eq3A_94 = arith.constant 0 : i32
    %eq3A_95 = arith.cmpi eq, %jit3A_93, %eq3A_94 : i32
    %jit3A_96 = arith.constant 1 : i32
    %select_n3A_97 = arith.select %eq3A_95, %jit3A_96, %jit3A_93 : i32
    %rem3A_98 = vector.broadcast %select_n3A_97 : i32 to vector<16xi32>
    %rem3A_99 = arith.remsi %div3A_92, %rem3A_98 : vector<16xi32>
    %ne3A_100 = arith.constant 0 : i32
    %ne3A_101 = vector.broadcast %ne3A_100 : i32 to vector<16xi32>
    %ne3A_102 = arith.cmpi ne, %rem3A_99, %ne3A_101 : vector<16xi32>
    %lt3A_103 = arith.constant 0 : i32
    %lt3A_104 = vector.broadcast %lt3A_103 : i32 to vector<16xi32>
    %lt3A_105 = arith.cmpi slt, %rem3A_99, %lt3A_104 : vector<16xi32>
    %lt3A_106 = arith.constant 0 : i32
    %lt3A_107 = arith.cmpi slt, %select_n3A_97, %lt3A_106 : i32
    %ne3A_108 = vector.broadcast %lt3A_107 : i1 to vector<16xi1>
    %ne3A_109 = vector.broadcast %ne3A_108 : vector<16xi1> to vector<16xi1>
    %ne3A_110 = arith.xori %lt3A_105, %ne3A_109 : vector<16xi1>
    %and3A_111 = arith.andi %ne3A_110, %ne3A_102 : vector<16xi1>
    %add3A_112 = vector.broadcast %select_n3A_97 : i32 to vector<16xi32>
    %add3A_113 = arith.addi %rem3A_99, %add3A_112 : vector<16xi32>
    %select_n3A_114 = arith.select %and3A_111, %add3A_113, %rem3A_99 : vector<16xi1>, vector<16xi32>
    %get3A_115 = arith.constant 16 : index
    %get3A_116 = tpu.vector_load %arg5[%get3A_115] {strides = array<i32>} : memref<576xi32, #tpu.memory_space<vmem>>, vector<16xi32>,
    %get3A_117 = vector.shape_cast %get3A_116 : vector<16xi32> to vector<16xi32>
    %mul3A_118 = arith.constant 9 : i32
    %mul3A_119 = vector.broadcast %mul3A_118 : i32 to vector<16xi32>
    %mul3A_120 = arith.muli %get3A_117, %mul3A_119 : vector<16xi32>
    %add3A_121 = arith.addi %mul3A_120, %select_n3A_114 : vector<16xi32>
    %mul3A_122 = arith.constant 2 : i32
    %mul3A_123 = vector.broadcast %mul3A_122 : i32 to vector<16xi32>
    %mul3A_124 = arith.muli %add3A_121, %mul3A_123 : vector<16xi32>
    %add3A_125 = arith.addi %mul3A_124, %select_n3A_89 : vector<16xi32>
    %swap3A_126 = arith.constant 16 : index
    %swap3A_127 = tpu.vector_load %arg6[%swap3A_126] {strides = array<i32>} : memref<576xi32, #tpu.memory_space<vmem>>, vector<16xi32>,
    %swap3A_128 = vector.shape_cast %swap3A_127 : vector<16xi32> to vector<16xi32>
    %swap3A_129 = vector.shape_cast %add3A_125 : vector<16xi32> to vector<16xi32>
    tpu.vector_store %arg6[%swap3A_126], %swap3A_129 {strides = array<i32>} : memref<576xi32, #tpu.memory_space<vmem>>, vector<16xi32>,
    %add3A_130 = arith.constant 32 : i32
    %add3A_131 = arith.addi %add3A_4, %add3A_130 : i32
    %add3A_132 = vector.broadcast %add3A_131 : i32 to vector<16xi32>
    %add3A_133 = arith.addi %add3A_132, %iota3A : vector<16xi32>
    %jit3A_134 = arith.constant 2 : i32
    %eq3A_135 = arith.constant 0 : i32
    %eq3A_136 = arith.cmpi eq, %jit3A_134, %eq3A_135 : i32
    %jit3A_137 = arith.constant 1 : i32
    %select_n3A_138 = arith.select %eq3A_136, %jit3A_137, %jit3A_134 : i32
    %rem3A_139 = vector.broadcast %select_n3A_138 : i32 to vector<16xi32>
    %rem3A_140 = arith.remsi %add3A_133, %rem3A_139 : vector<16xi32>
    %ne3A_141 = arith.constant 0 : i32
    %ne3A_142 = vector.broadcast %ne3A_141 : i32 to vector<16xi32>
    %ne3A_143 = arith.cmpi ne, %rem3A_140, %ne3A_142 : vector<16xi32>
    %lt3A_144 = arith.constant 0 : i32
    %lt3A_145 = vector.broadcast %lt3A_144 : i32 to vector<16xi32>
    %lt3A_146 = arith.cmpi slt, %rem3A_140, %lt3A_145 : vector<16xi32>
    %lt3A_147 = arith.constant 0 : i32
    %lt3A_148 = arith.cmpi slt, %select_n3A_138, %lt3A_147 : i32
    %ne3A_149 = vector.broadcast %lt3A_148 : i1 to vector<16xi1>
    %ne3A_150 = vector.broadcast %ne3A_149 : vector<16xi1> to vector<16xi1>
    %ne3A_151 = arith.xori %lt3A_146, %ne3A_150 : vector<16xi1>
    %and3A_152 = arith.andi %ne3A_151, %ne3A_143 : vector<16xi1>
    %add3A_153 = vector.broadcast %select_n3A_138 : i32 to vector<16xi32>
    %add3A_154 = arith.addi %rem3A_140, %add3A_153 : vector<16xi32>
    %select_n3A_155 = arith.select %and3A_152, %add3A_154, %rem3A_140 : vector<16xi1>, vector<16xi32>
    %div3A_156 = arith.constant 2 : i32
    %div3A_157 = vector.broadcast %div3A_156 : i32 to vector<16xi32>
    %div3A_158 = arith.divsi %add3A_133, %div3A_157 : vector<16xi32>
    %jit3A_159 = arith.constant 9 : i32
    %eq3A_160 = arith.constant 0 : i32
    %eq3A_161 = arith.cmpi eq, %jit3A_159, %eq3A_160 : i32
    %jit3A_162 = arith.constant 1 : i32
    %select_n3A_163 = arith.select %eq3A_161, %jit3A_162, %jit3A_159 : i32
    %rem3A_164 = vector.broadcast %select_n3A_163 : i32 to vector<16xi32>
    %rem3A_165 = arith.remsi %div3A_158, %rem3A_164 : vector<16xi32>
    %ne3A_166 = arith.constant 0 : i32
    %ne3A_167 = vector.broadcast %ne3A_166 : i32 to vector<16xi32>
    %ne3A_168 = arith.cmpi ne, %rem3A_165, %ne3A_167 : vector<16xi32>
    %lt3A_169 = arith.constant 0 : i32
    %lt3A_170 = vector.broadcast %lt3A_169 : i32 to vector<16xi32>
    %lt3A_171 = arith.cmpi slt, %rem3A_165, %lt3A_170 : vector<16xi32>
    %lt3A_172 = arith.constant 0 : i32
    %lt3A_173 = arith.cmpi slt, %select_n3A_163, %lt3A_172 : i32
    %ne3A_174 = vector.broadcast %lt3A_173 : i1 to vector<16xi1>
    %ne3A_175 = vector.broadcast %ne3A_174 : vector<16xi1> to vector<16xi1>
    %ne3A_176 = arith.xori %lt3A_171, %ne3A_175 : vector<16xi1>
    %and3A_177 = arith.andi %ne3A_176, %ne3A_168 : vector<16xi1>
    %add3A_178 = vector.broadcast %select_n3A_163 : i32 to vector<16xi32>
    %add3A_179 = arith.addi %rem3A_165, %add3A_178 : vector<16xi32>
    %select_n3A_180 = arith.select %and3A_177, %add3A_179, %rem3A_165 : vector<16xi1>, vector<16xi32>
    %get3A_181 = arith.constant 32 : index
    %get3A_182 = tpu.vector_load %arg5[%get3A_181] {strides = array<i32>} : memref<576xi32, #tpu.memory_space<vmem>>, vector<16xi32>,
    %get3A_183 = vector.shape_cast %get3A_182 : vector<16xi32> to vector<16xi32>
    %mul3A_184 = arith.constant 9 : i32
    %mul3A_185 = vector.broadcast %mul3A_184 : i32 to vector<16xi32>
    %mul3A_186 = arith.muli %get3A_183, %mul3A_185 : vector<16xi32>
    %add3A_187 = arith.addi %mul3A_186, %select_n3A_180 : vector<16xi32>
    %mul3A_188 = arith.constant 2 : i32
    %mul3A_189 = vector.broadcast %mul3A_188 : i32 to vector<16xi32>
    %mul3A_190 = arith.muli %add3A_187, %mul3A_189 : vector<16xi32>
    %add3A_191 = arith.addi %mul3A_190, %select_n3A_155 : vector<16xi32>
    %swap3A_192 = arith.constant 32 : index
    %swap3A_193 = tpu.vector_load %arg6[%swap3A_192] {strides = array<i32>} : memref<576xi32, #tpu.memory_space<vmem>>, vector<16xi32>,
    %swap3A_194 = vector.shape_cast %swap3A_193 : vector<16xi32> to vector<16xi32>
    %swap3A_195 = vector.shape_cast %add3A_191 : vector<16xi32> to vector<16xi32>
    tpu.vector_store %arg6[%swap3A_192], %swap3A_195 {strides = array<i32>} : memref<576xi32, #tpu.memory_space<vmem>>, vector<16xi32>,
    %add3A_196 = arith.constant 48 : i32
    %add3A_197 = arith.addi %add3A_4, %add3A_196 : i32
    %add3A_198 = vector.broadcast %add3A_197 : i32 to vector<16xi32>
    %add3A_199 = arith.addi %add3A_198, %iota3A : vector<16xi32>
    %jit3A_200 = arith.constant 2 : i32
    %eq3A_201 = arith.constant 0 : i32
    %eq3A_202 = arith.cmpi eq, %jit3A_200, %eq3A_201 : i32
    %jit3A_203 = arith.constant 1 : i32
    %select_n3A_204 = arith.select %eq3A_202, %jit3A_203, %jit3A_200 : i32
    %rem3A_205 = vector.broadcast %select_n3A_204 : i32 to vector<16xi32>
    %rem3A_206 = arith.remsi %add3A_199, %rem3A_205 : vector<16xi32>
    %ne3A_207 = arith.constant 0 : i32
    %ne3A_208 = vector.broadcast %ne3A_207 : i32 to vector<16xi32>
    %ne3A_209 = arith.cmpi ne, %rem3A_206, %ne3A_208 : vector<16xi32>
    %lt3A_210 = arith.constant 0 : i32
    %lt3A_211 = vector.broadcast %lt3A_210 : i32 to vector<16xi32>
    %lt3A_212 = arith.cmpi slt, %rem3A_206, %lt3A_211 : vector<16xi32>
    %lt3A_213 = arith.constant 0 : i32
    %lt3A_214 = arith.cmpi slt, %select_n3A_204, %lt3A_213 : i32
    %ne3A_215 = vector.broadcast %lt3A_214 : i1 to vector<16xi1>
    %ne3A_216 = vector.broadcast %ne3A_215 : vector<16xi1> to vector<16xi1>
    %ne3A_217 = arith.xori %lt3A_212, %ne3A_216 : vector<16xi1>
    %and3A_218 = arith.andi %ne3A_217, %ne3A_209 : vector<16xi1>
    %add3A_219 = vector.broadcast %select_n3A_204 : i32 to vector<16xi32>
    %add3A_220 = arith.addi %rem3A_206, %add3A_219 : vector<16xi32>
    %select_n3A_221 = arith.select %and3A_218, %add3A_220, %rem3A_206 : vector<16xi1>, vector<16xi32>
    %div3A_222 = arith.constant 2 : i32
    %div3A_223 = vector.broadcast %div3A_222 : i32 to vector<16xi32>
    %div3A_224 = arith.divsi %add3A_199, %div3A_223 : vector<16xi32>
    %jit3A_225 = arith.constant 9 : i32
    %eq3A_226 = arith.constant 0 : i32
    %eq3A_227 = arith.cmpi eq, %jit3A_225, %eq3A_226 : i32
    %jit3A_228 = arith.constant 1 : i32
    %select_n3A_229 = arith.select %eq3A_227, %jit3A_228, %jit3A_225 : i32
    %rem3A_230 = vector.broadcast %select_n3A_229 : i32 to vector<16xi32>
    %rem3A_231 = arith.remsi %div3A_224, %rem3A_230 : vector<16xi32>
    %ne3A_232 = arith.constant 0 : i32
    %ne3A_233 = vector.broadcast %ne3A_232 : i32 to vector<16xi32>
    %ne3A_234 = arith.cmpi ne, %rem3A_231, %ne3A_233 : vector<16xi32>
    %lt3A_235 = arith.constant 0 : i32
    %lt3A_236 = vector.broadcast %lt3A_235 : i32 to vector<16xi32>
    %lt3A_237 = arith.cmpi slt, %rem3A_231, %lt3A_236 : vector<16xi32>
    %lt3A_238 = arith.constant 0 : i32
    %lt3A_239 = arith.cmpi slt, %select_n3A_229, %lt3A_238 : i32
    %ne3A_240 = vector.broadcast %lt3A_239 : i1 to vector<16xi1>
    %ne3A_241 = vector.broadcast %ne3A_240 : vector<16xi1> to vector<16xi1>
    %ne3A_242 = arith.xori %lt3A_237, %ne3A_241 : vector<16xi1>
    %and3A_243 = arith.andi %ne3A_242, %ne3A_234 : vector<16xi1>
    %add3A_244 = vector.broadcast %select_n3A_229 : i32 to vector<16xi32>
    %add3A_245 = arith.addi %rem3A_231, %add3A_244 : vector<16xi32>
    %select_n3A_246 = arith.select %and3A_243, %add3A_245, %rem3A_231 : vector<16xi1>, vector<16xi32>
    %get3A_247 = arith.constant 48 : index
    %get3A_248 = tpu.vector_load %arg5[%get3A_247] {strides = array<i32>} : memref<576xi32, #tpu.memory_space<vmem>>, vector<16xi32>,
    %get3A_249 = vector.shape_cast %get3A_248 : vector<16xi32> to vector<16xi32>
    %mul3A_250 = arith.constant 9 : i32
    %mul3A_251 = vector.broadcast %mul3A_250 : i32 to vector<16xi32>
    %mul3A_252 = arith.muli %get3A_249, %mul3A_251 : vector<16xi32>
    %add3A_253 = arith.addi %mul3A_252, %select_n3A_246 : vector<16xi32>
    %mul3A_254 = arith.constant 2 : i32
    %mul3A_255 = vector.broadcast %mul3A_254 : i32 to vector<16xi32>
    %mul3A_256 = arith.muli %add3A_253, %mul3A_255 : vector<16xi32>
    %add3A_257 = arith.addi %mul3A_256, %select_n3A_221 : vector<16xi32>
    %swap3A_258 = arith.constant 48 : index
    %swap3A_259 = tpu.vector_load %arg6[%swap3A_258] {strides = array<i32>} : memref<576xi32, #tpu.memory_space<vmem>>, vector<16xi32>,
    %swap3A_260 = vector.shape_cast %swap3A_259 : vector<16xi32> to vector<16xi32>
    %swap3A_261 = vector.shape_cast %add3A_257 : vector<16xi32> to vector<16xi32>
    tpu.vector_store %arg6[%swap3A_258], %swap3A_261 {strides = array<i32>} : memref<576xi32, #tpu.memory_space<vmem>>, vector<16xi32>,
    %add3A_262 = arith.constant 64 : i32
    %add3A_263 = arith.addi %add3A_4, %add3A_262 : i32
    %add3A_264 = vector.broadcast %add3A_263 : i32 to vector<16xi32>
    %add3A_265 = arith.addi %add3A_264, %iota3A : vector<16xi32>
    %jit3A_266 = arith.constant 2 : i32
    %eq3A_267 = arith.constant 0 : i32
    %eq3A_268 = arith.cmpi eq, %jit3A_266, %eq3A_267 : i32
    %jit3A_269 = arith.constant 1 : i32
    %select_n3A_270 = arith.select %eq3A_268, %jit3A_269, %jit3A_266 : i32
    %rem3A_271 = vector.broadcast %select_n3A_270 : i32 to vector<16xi32>
    %rem3A_272 = arith.remsi %add3A_265, %rem3A_271 : vector<16xi32>
    %ne3A_273 = arith.constant 0 : i32
    %ne3A_274 = vector.broadcast %ne3A_273 : i32 to vector<16xi32>
    %ne3A_275 = arith.cmpi ne, %rem3A_272, %ne3A_274 : vector<16xi32>
    %lt3A_276 = arith.constant 0 : i32
    %lt3A_277 = vector.broadcast %lt3A_276 : i32 to vector<16xi32>
    %lt3A_278 = arith.cmpi slt, %rem3A_272, %lt3A_277 : vector<16xi32>
    %lt3A_279 = arith.constant 0 : i32
    %lt3A_280 = arith.cmpi slt, %select_n3A_270, %lt3A_279 : i32
    %ne3A_281 = vector.broadcast %lt3A_280 : i1 to vector<16xi1>
    %ne3A_282 = vector.broadcast %ne3A_281 : vector<16xi1> to vector<16xi1>
    %ne3A_283 = arith.xori %lt3A_278, %ne3A_282 : vector<16xi1>
    %and3A_284 = arith.andi %ne3A_283, %ne3A_275 : vector<16xi1>
    %add3A_285 = vector.broadcast %select_n3A_270 : i32 to vector<16xi32>
    %add3A_286 = arith.addi %rem3A_272, %add3A_285 : vector<16xi32>
    %select_n3A_287 = arith.select %and3A_284, %add3A_286, %rem3A_272 : vector<16xi1>, vector<16xi32>
    %div3A_288 = arith.constant 2 : i32
    %div3A_289 = vector.broadcast %div3A_288 : i32 to vector<16xi32>
    %div3A_290 = arith.divsi %add3A_265, %div3A_289 : vector<16xi32>
    %jit3A_291 = arith.constant 9 : i32
    %eq3A_292 = arith.constant 0 : i32
    %eq3A_293 = arith.cmpi eq, %jit3A_291, %eq3A_292 : i32
    %jit3A_294 = arith.constant 1 : i32
    %select_n3A_295 = arith.select %eq3A_293, %jit3A_294, %jit3A_291 : i32
    %rem3A_296 = vector.broadcast %select_n3A_295 : i32 to vector<16xi32>
    %rem3A_297 = arith.remsi %div3A_290, %rem3A_296 : vector<16xi32>
    %ne3A_298 = arith.constant 0 : i32
    %ne3A_299 = vector.broadcast %ne3A_298 : i32 to vector<16xi32>
    %ne3A_300 = arith.cmpi ne, %rem3A_297, %ne3A_299 : vector<16xi32>
    %lt3A_301 = arith.constant 0 : i32
    %lt3A_302 = vector.broadcast %lt3A_301 : i32 to vector<16xi32>
    %lt3A_303 = arith.cmpi slt, %rem3A_297, %lt3A_302 : vector<16xi32>
    %lt3A_304 = arith.constant 0 : i32
    %lt3A_305 = arith.cmpi slt, %select_n3A_295, %lt3A_304 : i32
    %ne3A_306 = vector.broadcast %lt3A_305 : i1 to vector<16xi1>
    %ne3A_307 = vector.broadcast %ne3A_306 : vector<16xi1> to vector<16xi1>
    %ne3A_308 = arith.xori %lt3A_303, %ne3A_307 : vector<16xi1>
    %and3A_309 = arith.andi %ne3A_308, %ne3A_300 : vector<16xi1>
    %add3A_310 = vector.broadcast %select_n3A_295 : i32 to vector<16xi32>
    %add3A_311 = arith.addi %rem3A_297, %add3A_310 : vector<16xi32>
    %select_n3A_312 = arith.select %and3A_309, %add3A_311, %rem3A_297 : vector<16xi1>, vector<16xi32>
    %get3A_313 = arith.constant 64 : index
    %get3A_314 = tpu.vector_load %arg5[%get3A_313] {strides = array<i32>} : memref<576xi32, #tpu.memory_space<vmem>>, vector<16xi32>,
    %get3A_315 = vector.shape_cast %get3A_314 : vector<16xi32> to vector<16xi32>
    %mul3A_316 = arith.constant 9 : i32
    %mul3A_317 = vector.broadcast %mul3A_316 : i32 to vector<16xi32>
    %mul3A_318 = arith.muli %get3A_315, %mul3A_317 : vector<16xi32>
    %add3A_319 = arith.addi %mul3A_318, %select_n3A_312 : vector<16xi32>
    %mul3A_320 = arith.constant 2 : i32
    %mul3A_321 = vector.broadcast %mul3A_320 : i32 to vector<16xi32>
    %mul3A_322 = arith.muli %add3A_319, %mul3A_321 : vector<16xi32>
    %add3A_323 = arith.addi %mul3A_322, %select_n3A_287 : vector<16xi32>
    %swap3A_324 = arith.constant 64 : index
    %swap3A_325 = tpu.vector_load %arg6[%swap3A_324] {strides = array<i32>} : memref<576xi32, #tpu.memory_space<vmem>>, vector<16xi32>,
    %swap3A_326 = vector.shape_cast %swap3A_325 : vector<16xi32> to vector<16xi32>
    %swap3A_327 = vector.shape_cast %add3A_323 : vector<16xi32> to vector<16xi32>
    tpu.vector_store %arg6[%swap3A_324], %swap3A_327 {strides = array<i32>} : memref<576xi32, #tpu.memory_space<vmem>>, vector<16xi32>,
    %add3A_328 = arith.constant 80 : i32
    %add3A_329 = arith.addi %add3A_4, %add3A_328 : i32
    %add3A_330 = vector.broadcast %add3A_329 : i32 to vector<16xi32>
    %add3A_331 = arith.addi %add3A_330, %iota3A : vector<16xi32>
    %jit3A_332 = arith.constant 2 : i32
    %eq3A_333 = arith.constant 0 : i32
    %eq3A_334 = arith.cmpi eq, %jit3A_332, %eq3A_333 : i32
    %jit3A_335 = arith.constant 1 : i32
    %select_n3A_336 = arith.select %eq3A_334, %jit3A_335, %jit3A_332 : i32
    %rem3A_337 = vector.broadcast %select_n3A_336 : i32 to vector<16xi32>
    %rem3A_338 = arith.remsi %add3A_331, %rem3A_337 : vector<16xi32>
    %ne3A_339 = arith.constant 0 : i32
    %ne3A_340 = vector.broadcast %ne3A_339 : i32 to vector<16xi32>
    %ne3A_341 = arith.cmpi ne, %rem3A_338, %ne3A_340 : vector<16xi32>
    %lt3A_342 = arith.constant 0 : i32
    %lt3A_343 = vector.broadcast %lt3A_342 : i32 to vector<16xi32>
    %lt3A_344 = arith.cmpi slt, %rem3A_338, %lt3A_343 : vector<16xi32>
    %lt3A_345 = arith.constant 0 : i32
    %lt3A_346 = arith.cmpi slt, %select_n3A_336, %lt3A_345 : i32
    %ne3A_347 = vector.broadcast %lt3A_346 : i1 to vector<16xi1>
    %ne3A_348 = vector.broadcast %ne3A_347 : vector<16xi1> to vector<16xi1>
    %ne3A_349 = arith.xori %lt3A_344, %ne3A_348 : vector<16xi1>
    %and3A_350 = arith.andi %ne3A_349, %ne3A_341 : vector<16xi1>
    %add3A_351 = vector.broadcast %select_n3A_336 : i32 to vector<16xi32>
    %add3A_352 = arith.addi %rem3A_338, %add3A_351 : vector<16xi32>
    %select_n3A_353 = arith.select %and3A_350, %add3A_352, %rem3A_338 : vector<16xi1>, vector<16xi32>
    %div3A_354 = arith.constant 2 : i32
    %div3A_355 = vector.broadcast %div3A_354 : i32 to vector<16xi32>
    %div3A_356 = arith.divsi %add3A_331, %div3A_355 : vector<16xi32>
    %jit3A_357 = arith.constant 9 : i32
    %eq3A_358 = arith.constant 0 : i32
    %eq3A_359 = arith.cmpi eq, %jit3A_357, %eq3A_358 : i32
    %jit3A_360 = arith.constant 1 : i32
    %select_n3A_361 = arith.select %eq3A_359, %jit3A_360, %jit3A_357 : i32
    %rem3A_362 = vector.broadcast %select_n3A_361 : i32 to vector<16xi32>
    %rem3A_363 = arith.remsi %div3A_356, %rem3A_362 : vector<16xi32>
    %ne3A_364 = arith.constant 0 : i32
    %ne3A_365 = vector.broadcast %ne3A_364 : i32 to vector<16xi32>
    %ne3A_366 = arith.cmpi ne, %rem3A_363, %ne3A_365 : vector<16xi32>
    %lt3A_367 = arith.constant 0 : i32
    %lt3A_368 = vector.broadcast %lt3A_367 : i32 to vector<16xi32>
    %lt3A_369 = arith.cmpi slt, %rem3A_363, %lt3A_368 : vector<16xi32>
    %lt3A_370 = arith.constant 0 : i32
    %lt3A_371 = arith.cmpi slt, %select_n3A_361, %lt3A_370 : i32
    %ne3A_372 = vector.broadcast %lt3A_371 : i1 to vector<16xi1>
    %ne3A_373 = vector.broadcast %ne3A_372 : vector<16xi1> to vector<16xi1>
    %ne3A_374 = arith.xori %lt3A_369, %ne3A_373 : vector<16xi1>
    %and3A_375 = arith.andi %ne3A_374, %ne3A_366 : vector<16xi1>
    %add3A_376 = vector.broadcast %select_n3A_361 : i32 to vector<16xi32>
    %add3A_377 = arith.addi %rem3A_363, %add3A_376 : vector<16xi32>
    %select_n3A_378 = arith.select %and3A_375, %add3A_377, %rem3A_363 : vector<16xi1>, vector<16xi32>
    %get3A_379 = arith.constant 80 : index
    %get3A_380 = tpu.vector_load %arg5[%get3A_379] {strides = array<i32>} : memref<576xi32, #tpu.memory_space<vmem>>, vector<16xi32>,
    %get3A_381 = vector.shape_cast %get3A_380 : vector<16xi32> to vector<16xi32>
    %mul3A_382 = arith.constant 9 : i32
    %mul3A_383 = vector.broadcast %mul3A_382 : i32 to vector<16xi32>
    %mul3A_384 = arith.muli %get3A_381, %mul3A_383 : vector<16xi32>
    %add3A_385 = arith.addi %mul3A_384, %select_n3A_378 : vector<16xi32>
    %mul3A_386 = arith.constant 2 : i32
    %mul3A_387 = vector.broadcast %mul3A_386 : i32 to vector<16xi32>
    %mul3A_388 = arith.muli %add3A_385, %mul3A_387 : vector<16xi32>
    %add3A_389 = arith.addi %mul3A_388, %select_n3A_353 : vector<16xi32>
    %swap3A_390 = arith.constant 80 : index
    %swap3A_391 = tpu.vector_load %arg6[%swap3A_390] {strides = array<i32>} : memref<576xi32, #tpu.memory_space<vmem>>, vector<16xi32>,
    %swap3A_392 = vector.shape_cast %swap3A_391 : vector<16xi32> to vector<16xi32>
    %swap3A_393 = vector.shape_cast %add3A_389 : vector<16xi32> to vector<16xi32>
    tpu.vector_store %arg6[%swap3A_390], %swap3A_393 {strides = array<i32>} : memref<576xi32, #tpu.memory_space<vmem>>, vector<16xi32>,
    %add3A_394 = arith.constant 96 : i32
    %add3A_395 = arith.addi %add3A_4, %add3A_394 : i32
    %add3A_396 = vector.broadcast %add3A_395 : i32 to vector<16xi32>
    %add3A_397 = arith.addi %add3A_396, %iota3A : vector<16xi32>
    %jit3A_398 = arith.constant 2 : i32
    %eq3A_399 = arith.constant 0 : i32
    %eq3A_400 = arith.cmpi eq, %jit3A_398, %eq3A_399 : i32
    %jit3A_401 = arith.constant 1 : i32
    %select_n3A_402 = arith.select %eq3A_400, %jit3A_401, %jit3A_398 : i32
    %rem3A_403 = vector.broadcast %select_n3A_402 : i32 to vector<16xi32>
    %rem3A_404 = arith.remsi %add3A_397, %rem3A_403 : vector<16xi32>
    %ne3A_405 = arith.constant 0 : i32
    %ne3A_406 = vector.broadcast %ne3A_405 : i32 to vector<16xi32>
    %ne3A_407 = arith.cmpi ne, %rem3A_404, %ne3A_406 : vector<16xi32>
    %lt3A_408 = arith.constant 0 : i32
    %lt3A_409 = vector.broadcast %lt3A_408 : i32 to vector<16xi32>
    %lt3A_410 = arith.cmpi slt, %rem3A_404, %lt3A_409 : vector<16xi32>
    %lt3A_411 = arith.constant 0 : i32
    %lt3A_412 = arith.cmpi slt, %select_n3A_402, %lt3A_411 : i32
    %ne3A_413 = vector.broadcast %lt3A_412 : i1 to vector<16xi1>
    %ne3A_414 = vector.broadcast %ne3A_413 : vector<16xi1> to vector<16xi1>
    %ne3A_415 = arith.xori %lt3A_410, %ne3A_414 : vector<16xi1>
    %and3A_416 = arith.andi %ne3A_415, %ne3A_407 : vector<16xi1>
    %add3A_417 = vector.broadcast %select_n3A_402 : i32 to vector<16xi32>
    %add3A_418 = arith.addi %rem3A_404, %add3A_417 : vector<16xi32>
    %select_n3A_419 = arith.select %and3A_416, %add3A_418, %rem3A_404 : vector<16xi1>, vector<16xi32>
    %div3A_420 = arith.constant 2 : i32
    %div3A_421 = vector.broadcast %div3A_420 : i32 to vector<16xi32>
    %div3A_422 = arith.divsi %add3A_397, %div3A_421 : vector<16xi32>
    %jit3A_423 = arith.constant 9 : i32
    %eq3A_424 = arith.constant 0 : i32
    %eq3A_425 = arith.cmpi eq, %jit3A_423, %eq3A_424 : i32
    %jit3A_426 = arith.constant 1 : i32
    %select_n3A_427 = arith.select %eq3A_425, %jit3A_426, %jit3A_423 : i32
    %rem3A_428 = vector.broadcast %select_n3A_427 : i32 to vector<16xi32>
    %rem3A_429 = arith.remsi %div3A_422, %rem3A_428 : vector<16xi32>
    %ne3A_430 = arith.constant 0 : i32
    %ne3A_431 = vector.broadcast %ne3A_430 : i32 to vector<16xi32>
    %ne3A_432 = arith.cmpi ne, %rem3A_429, %ne3A_431 : vector<16xi32>
    %lt3A_433 = arith.constant 0 : i32
    %lt3A_434 = vector.broadcast %lt3A_433 : i32 to vector<16xi32>
    %lt3A_435 = arith.cmpi slt, %rem3A_429, %lt3A_434 : vector<16xi32>
    %lt3A_436 = arith.constant 0 : i32
    %lt3A_437 = arith.cmpi slt, %select_n3A_427, %lt3A_436 : i32
    %ne3A_438 = vector.broadcast %lt3A_437 : i1 to vector<16xi1>
    %ne3A_439 = vector.broadcast %ne3A_438 : vector<16xi1> to vector<16xi1>
    %ne3A_440 = arith.xori %lt3A_435, %ne3A_439 : vector<16xi1>
    %and3A_441 = arith.andi %ne3A_440, %ne3A_432 : vector<16xi1>
    %add3A_442 = vector.broadcast %select_n3A_427 : i32 to vector<16xi32>
    %add3A_443 = arith.addi %rem3A_429, %add3A_442 : vector<16xi32>
    %select_n3A_444 = arith.select %and3A_441, %add3A_443, %rem3A_429 : vector<16xi1>, vector<16xi32>
    %get3A_445 = arith.constant 96 : index
    %get3A_446 = tpu.vector_load %arg5[%get3A_445] {strides = array<i32>} : memref<576xi32, #tpu.memory_space<vmem>>, vector<16xi32>,
    %get3A_447 = vector.shape_cast %get3A_446 : vector<16xi32> to vector<16xi32>
    %mul3A_448 = arith.constant 9 : i32
    %mul3A_449 = vector.broadcast %mul3A_448 : i32 to vector<16xi32>
    %mul3A_450 = arith.muli %get3A_447, %mul3A_449 : vector<16xi32>
    %add3A_451 = arith.addi %mul3A_450, %select_n3A_444 : vector<16xi32>
    %mul3A_452 = arith.constant 2 : i32
    %mul3A_453 = vector.broadcast %mul3A_452 : i32 to vector<16xi32>
    %mul3A_454 = arith.muli %add3A_451, %mul3A_453 : vector<16xi32>
    %add3A_455 = arith.addi %mul3A_454, %select_n3A_419 : vector<16xi32>
    %swap3A_456 = arith.constant 96 : index
    %swap3A_457 = tpu.vector_load %arg6[%swap3A_456] {strides = array<i32>} : memref<576xi32, #tpu.memory_space<vmem>>, vector<16xi32>,
    %swap3A_458 = vector.shape_cast %swap3A_457 : vector<16xi32> to vector<16xi32>
    %swap3A_459 = vector.shape_cast %add3A_455 : vector<16xi32> to vector<16xi32>
    tpu.vector_store %arg6[%swap3A_456], %swap3A_459 {strides = array<i32>} : memref<576xi32, #tpu.memory_space<vmem>>, vector<16xi32>,
    %add3A_460 = arith.constant 112 : i32
    %add3A_461 = arith.addi %add3A_4, %add3A_460 : i32
    %add3A_462 = vector.broadcast %add3A_461 : i32 to vector<16xi32>
    %add3A_463 = arith.addi %add3A_462, %iota3A : vector<16xi32>
    %jit3A_464 = arith.constant 2 : i32
    %eq3A_465 = arith.constant 0 : i32
    %eq3A_466 = arith.cmpi eq, %jit3A_464, %eq3A_465 : i32
    %jit3A_467 = arith.constant 1 : i32
    %select_n3A_468 = arith.select %eq3A_466, %jit3A_467, %jit3A_464 : i32
    %rem3A_469 = vector.broadcast %select_n3A_468 : i32 to vector<16xi32>
    %rem3A_470 = arith.remsi %add3A_463, %rem3A_469 : vector<16xi32>
    %ne3A_471 = arith.constant 0 : i32
    %ne3A_472 = vector.broadcast %ne3A_471 : i32 to vector<16xi32>
    %ne3A_473 = arith.cmpi ne, %rem3A_470, %ne3A_472 : vector<16xi32>
    %lt3A_474 = arith.constant 0 : i32
    %lt3A_475 = vector.broadcast %lt3A_474 : i32 to vector<16xi32>
    %lt3A_476 = arith.cmpi slt, %rem3A_470, %lt3A_475 : vector<16xi32>
    %lt3A_477 = arith.constant 0 : i32
    %lt3A_478 = arith.cmpi slt, %select_n3A_468, %lt3A_477 : i32
    %ne3A_479 = vector.broadcast %lt3A_478 : i1 to vector<16xi1>
    %ne3A_480 = vector.broadcast %ne3A_479 : vector<16xi1> to vector<16xi1>
    %ne3A_481 = arith.xori %lt3A_476, %ne3A_480 : vector<16xi1>
    %and3A_482 = arith.andi %ne3A_481, %ne3A_473 : vector<16xi1>
    %add3A_483 = vector.broadcast %select_n3A_468 : i32 to vector<16xi32>
    %add3A_484 = arith.addi %rem3A_470, %add3A_483 : vector<16xi32>
    %select_n3A_485 = arith.select %and3A_482, %add3A_484, %rem3A_470 : vector<16xi1>, vector<16xi32>
    %div3A_486 = arith.constant 2 : i32
    %div3A_487 = vector.broadcast %div3A_486 : i32 to vector<16xi32>
    %div3A_488 = arith.divsi %add3A_463, %div3A_487 : vector<16xi32>
    %jit3A_489 = arith.constant 9 : i32
    %eq3A_490 = arith.constant 0 : i32
    %eq3A_491 = arith.cmpi eq, %jit3A_489, %eq3A_490 : i32
    %jit3A_492 = arith.constant 1 : i32
    %select_n3A_493 = arith.select %eq3A_491, %jit3A_492, %jit3A_489 : i32
    %rem3A_494 = vector.broadcast %select_n3A_493 : i32 to vector<16xi32>
    %rem3A_495 = arith.remsi %div3A_488, %rem3A_494 : vector<16xi32>
    %ne3A_496 = arith.constant 0 : i32
    %ne3A_497 = vector.broadcast %ne3A_496 : i32 to vector<16xi32>
    %ne3A_498 = arith.cmpi ne, %rem3A_495, %ne3A_497 : vector<16xi32>
    %lt3A_499 = arith.constant 0 : i32
    %lt3A_500 = vector.broadcast %lt3A_499 : i32 to vector<16xi32>
    %lt3A_501 = arith.cmpi slt, %rem3A_495, %lt3A_500 : vector<16xi32>
    %lt3A_502 = arith.constant 0 : i32
    %lt3A_503 = arith.cmpi slt, %select_n3A_493, %lt3A_502 : i32
    %ne3A_504 = vector.broadcast %lt3A_503 : i1 to vector<16xi1>
    %ne3A_505 = vector.broadcast %ne3A_504 : vector<16xi1> to vector<16xi1>
    %ne3A_506 = arith.xori %lt3A_501, %ne3A_505 : vector<16xi1>
    %and3A_507 = arith.andi %ne3A_506, %ne3A_498 : vector<16xi1>
    %add3A_508 = vector.broadcast %select_n3A_493 : i32 to vector<16xi32>
    %add3A_509 = arith.addi %rem3A_495, %add3A_508 : vector<16xi32>
    %select_n3A_510 = arith.select %and3A_507, %add3A_509, %rem3A_495 : vector<16xi1>, vector<16xi32>
    %get3A_511 = arith.constant 112 : index
    %get3A_512 = tpu.vector_load %arg5[%get3A_511] {strides = array<i32>} : memref<576xi32, #tpu.memory_space<vmem>>, vector<16xi32>,
    %get3A_513 = vector.shape_cast %get3A_512 : vector<16xi32> to vector<16xi32>
    %mul3A_514 = arith.constant 9 : i32
    %mul3A_515 = vector.broadcast %mul3A_514 : i32 to vector<16xi32>
    %mul3A_516 = arith.muli %get3A_513, %mul3A_515 : vector<16xi32>
    %add3A_517 = arith.addi %mul3A_516, %select_n3A_510 : vector<16xi32>
    %mul3A_518 = arith.constant 2 : i32
    %mul3A_519 = vector.broadcast %mul3A_518 : i32 to vector<16xi32>
    %mul3A_520 = arith.muli %add3A_517, %mul3A_519 : vector<16xi32>
    %add3A_521 = arith.addi %mul3A_520, %select_n3A_485 : vector<16xi32>
    %swap3A_522 = arith.constant 112 : index
    %swap3A_523 = tpu.vector_load %arg6[%swap3A_522] {strides = array<i32>} : memref<576xi32, #tpu.memory_space<vmem>>, vector<16xi32>,
    %swap3A_524 = vector.shape_cast %swap3A_523 : vector<16xi32> to vector<16xi32>
    %swap3A_525 = vector.shape_cast %add3A_521 : vector<16xi32> to vector<16xi32>
    tpu.vector_store %arg6[%swap3A_522], %swap3A_525 {strides = array<i32>} : memref<576xi32, #tpu.memory_space<vmem>>, vector<16xi32>,
    %add3A_526 = arith.constant 128 : i32
    %add3A_527 = arith.addi %add3A_4, %add3A_526 : i32
    %add3A_528 = vector.broadcast %add3A_527 : i32 to vector<16xi32>
    %add3A_529 = arith.addi %add3A_528, %iota3A : vector<16xi32>
    %jit3A_530 = arith.constant 2 : i32
    %eq3A_531 = arith.constant 0 : i32
    %eq3A_532 = arith.cmpi eq, %jit3A_530, %eq3A_531 : i32
    %jit3A_533 = arith.constant 1 : i32
    %select_n3A_534 = arith.select %eq3A_532, %jit3A_533, %jit3A_530 : i32
    %rem3A_535 = vector.broadcast %select_n3A_534 : i32 to vector<16xi32>
    %rem3A_536 = arith.remsi %add3A_529, %rem3A_535 : vector<16xi32>
    %ne3A_537 = arith.constant 0 : i32
    %ne3A_538 = vector.broadcast %ne3A_537 : i32 to vector<16xi32>
    %ne3A_539 = arith.cmpi ne, %rem3A_536, %ne3A_538 : vector<16xi32>
    %lt3A_540 = arith.constant 0 : i32
    %lt3A_541 = vector.broadcast %lt3A_540 : i32 to vector<16xi32>
    %lt3A_542 = arith.cmpi slt, %rem3A_536, %lt3A_541 : vector<16xi32>
    %lt3A_543 = arith.constant 0 : i32
    %lt3A_544 = arith.cmpi slt, %select_n3A_534, %lt3A_543 : i32
    %ne3A_545 = vector.broadcast %lt3A_544 : i1 to vector<16xi1>
    %ne3A_546 = vector.broadcast %ne3A_545 : vector<16xi1> to vector<16xi1>
    %ne3A_547 = arith.xori %lt3A_542, %ne3A_546 : vector<16xi1>
    %and3A_548 = arith.andi %ne3A_547, %ne3A_539 : vector<16xi1>
    %add3A_549 = vector.broadcast %select_n3A_534 : i32 to vector<16xi32>
    %add3A_550 = arith.addi %rem3A_536, %add3A_549 : vector<16xi32>
    %select_n3A_551 = arith.select %and3A_548, %add3A_550, %rem3A_536 : vector<16xi1>, vector<16xi32>
    %div3A_552 = arith.constant 2 : i32
    %div3A_553 = vector.broadcast %div3A_552 : i32 to vector<16xi32>
    %div3A_554 = arith.divsi %add3A_529, %div3A_553 : vector<16xi32>
    %jit3A_555 = arith.constant 9 : i32
    %eq3A_556 = arith.constant 0 : i32
    %eq3A_557 = arith.cmpi eq, %jit3A_555, %eq3A_556 : i32
    %jit3A_558 = arith.constant 1 : i32
    %select_n3A_559 = arith.select %eq3A_557, %jit3A_558, %jit3A_555 : i32
    %rem3A_560 = vector.broadcast %select_n3A_559 : i32 to vector<16xi32>
    %rem3A_561 = arith.remsi %div3A_554, %rem3A_560 : vector<16xi32>
    %ne3A_562 = arith.constant 0 : i32
    %ne3A_563 = vector.broadcast %ne3A_562 : i32 to vector<16xi32>
    %ne3A_564 = arith.cmpi ne, %rem3A_561, %ne3A_563 : vector<16xi32>
    %lt3A_565 = arith.constant 0 : i32
    %lt3A_566 = vector.broadcast %lt3A_565 : i32 to vector<16xi32>
    %lt3A_567 = arith.cmpi slt, %rem3A_561, %lt3A_566 : vector<16xi32>
    %lt3A_568 = arith.constant 0 : i32
    %lt3A_569 = arith.cmpi slt, %select_n3A_559, %lt3A_568 : i32
    %ne3A_570 = vector.broadcast %lt3A_569 : i1 to vector<16xi1>
    %ne3A_571 = vector.broadcast %ne3A_570 : vector<16xi1> to vector<16xi1>
    %ne3A_572 = arith.xori %lt3A_567, %ne3A_571 : vector<16xi1>
    %and3A_573 = arith.andi %ne3A_572, %ne3A_564 : vector<16xi1>
    %add3A_574 = vector.broadcast %select_n3A_559 : i32 to vector<16xi32>
    %add3A_575 = arith.addi %rem3A_561, %add3A_574 : vector<16xi32>
    %select_n3A_576 = arith.select %and3A_573, %add3A_575, %rem3A_561 : vector<16xi1>, vector<16xi32>
    %get3A_577 = arith.constant 128 : index
    %get3A_578 = tpu.vector_load %arg5[%get3A_577] {strides = array<i32>} : memref<576xi32, #tpu.memory_space<vmem>>, vector<16xi32>,
    %get3A_579 = vector.shape_cast %get3A_578 : vector<16xi32> to vector<16xi32>
    %mul3A_580 = arith.constant 9 : i32
    %mul3A_581 = vector.broadcast %mul3A_580 : i32 to vector<16xi32>
    %mul3A_582 = arith.muli %get3A_579, %mul3A_581 : vector<16xi32>
    %add3A_583 = arith.addi %mul3A_582, %select_n3A_576 : vector<16xi32>
    %mul3A_584 = arith.constant 2 : i32
    %mul3A_585 = vector.broadcast %mul3A_584 : i32 to vector<16xi32>
    %mul3A_586 = arith.muli %add3A_583, %mul3A_585 : vector<16xi32>
    %add3A_587 = arith.addi %mul3A_586, %select_n3A_551 : vector<16xi32>
    %swap3A_588 = arith.constant 128 : index
    %swap3A_589 = tpu.vector_load %arg6[%swap3A_588] {strides = array<i32>} : memref<576xi32, #tpu.memory_space<vmem>>, vector<16xi32>,
    %swap3A_590 = vector.shape_cast %swap3A_589 : vector<16xi32> to vector<16xi32>
    %swap3A_591 = vector.shape_cast %add3A_587 : vector<16xi32> to vector<16xi32>
    tpu.vector_store %arg6[%swap3A_588], %swap3A_591 {strides = array<i32>} : memref<576xi32, #tpu.memory_space<vmem>>, vector<16xi32>,
    %add3A_592 = arith.constant 144 : i32
    %add3A_593 = arith.addi %add3A_4, %add3A_592 : i32
    %add3A_594 = vector.broadcast %add3A_593 : i32 to vector<16xi32>
    %add3A_595 = arith.addi %add3A_594, %iota3A : vector<16xi32>
    %jit3A_596 = arith.constant 2 : i32
    %eq3A_597 = arith.constant 0 : i32
    %eq3A_598 = arith.cmpi eq, %jit3A_596, %eq3A_597 : i32
    %jit3A_599 = arith.constant 1 : i32
    %select_n3A_600 = arith.select %eq3A_598, %jit3A_599, %jit3A_596 : i32
    %rem3A_601 = vector.broadcast %select_n3A_600 : i32 to vector<16xi32>
    %rem3A_602 = arith.remsi %add3A_595, %rem3A_601 : vector<16xi32>
    %ne3A_603 = arith.constant 0 : i32
    %ne3A_604 = vector.broadcast %ne3A_603 : i32 to vector<16xi32>
    %ne3A_605 = arith.cmpi ne, %rem3A_602, %ne3A_604 : vector<16xi32>
    %lt3A_606 = arith.constant 0 : i32
    %lt3A_607 = vector.broadcast %lt3A_606 : i32 to vector<16xi32>
    %lt3A_608 = arith.cmpi slt, %rem3A_602, %lt3A_607 : vector<16xi32>
    %lt3A_609 = arith.constant 0 : i32
    %lt3A_610 = arith.cmpi slt, %select_n3A_600, %lt3A_609 : i32
    %ne3A_611 = vector.broadcast %lt3A_610 : i1 to vector<16xi1>
    %ne3A_612 = vector.broadcast %ne3A_611 : vector<16xi1> to vector<16xi1>
    %ne3A_613 = arith.xori %lt3A_608, %ne3A_612 : vector<16xi1>
    %and3A_614 = arith.andi %ne3A_613, %ne3A_605 : vector<16xi1>
    %add3A_615 = vector.broadcast %select_n3A_600 : i32 to vector<16xi32>
    %add3A_616 = arith.addi %rem3A_602, %add3A_615 : vector<16xi32>
    %select_n3A_617 = arith.select %and3A_614, %add3A_616, %rem3A_602 : vector<16xi1>, vector<16xi32>
    %div3A_618 = arith.constant 2 : i32
    %div3A_619 = vector.broadcast %div3A_618 : i32 to vector<16xi32>
    %div3A_620 = arith.divsi %add3A_595, %div3A_619 : vector<16xi32>
    %jit3A_621 = arith.constant 9 : i32
    %eq3A_622 = arith.constant 0 : i32
    %eq3A_623 = arith.cmpi eq, %jit3A_621, %eq3A_622 : i32
    %jit3A_624 = arith.constant 1 : i32
    %select_n3A_625 = arith.select %eq3A_623, %jit3A_624, %jit3A_621 : i32
    %rem3A_626 = vector.broadcast %select_n3A_625 : i32 to vector<16xi32>
    %rem3A_627 = arith.remsi %div3A_620, %rem3A_626 : vector<16xi32>
    %ne3A_628 = arith.constant 0 : i32
    %ne3A_629 = vector.broadcast %ne3A_628 : i32 to vector<16xi32>
    %ne3A_630 = arith.cmpi ne, %rem3A_627, %ne3A_629 : vector<16xi32>
    %lt3A_631 = arith.constant 0 : i32
    %lt3A_632 = vector.broadcast %lt3A_631 : i32 to vector<16xi32>
    %lt3A_633 = arith.cmpi slt, %rem3A_627, %lt3A_632 : vector<16xi32>
    %lt3A_634 = arith.constant 0 : i32
    %lt3A_635 = arith.cmpi slt, %select_n3A_625, %lt3A_634 : i32
    %ne3A_636 = vector.broadcast %lt3A_635 : i1 to vector<16xi1>
    %ne3A_637 = vector.broadcast %ne3A_636 : vector<16xi1> to vector<16xi1>
    %ne3A_638 = arith.xori %lt3A_633, %ne3A_637 : vector<16xi1>
    %and3A_639 = arith.andi %ne3A_638, %ne3A_630 : vector<16xi1>
    %add3A_640 = vector.broadcast %select_n3A_625 : i32 to vector<16xi32>
    %add3A_641 = arith.addi %rem3A_627, %add3A_640 : vector<16xi32>
    %select_n3A_642 = arith.select %and3A_639, %add3A_641, %rem3A_627 : vector<16xi1>, vector<16xi32>
    %get3A_643 = arith.constant 144 : index
    %get3A_644 = tpu.vector_load %arg5[%get3A_643] {strides = array<i32>} : memref<576xi32, #tpu.memory_space<vmem>>, vector<16xi32>,
    %get3A_645 = vector.shape_cast %get3A_644 : vector<16xi32> to vector<16xi32>
    %mul3A_646 = arith.constant 9 : i32
    %mul3A_647 = vector.broadcast %mul3A_646 : i32 to vector<16xi32>
    %mul3A_648 = arith.muli %get3A_645, %mul3A_647 : vector<16xi32>
    %add3A_649 = arith.addi %mul3A_648, %select_n3A_642 : vector<16xi32>
    %mul3A_650 = arith.constant 2 : i32
    %mul3A_651 = vector.broadcast %mul3A_650 : i32 to vector<16xi32>
    %mul3A_652 = arith.muli %add3A_649, %mul3A_651 : vector<16xi32>
    %add3A_653 = arith.addi %mul3A_652, %select_n3A_617 : vector<16xi32>
    %swap3A_654 = arith.constant 144 : index
    %swap3A_655 = tpu.vector_load %arg6[%swap3A_654] {strides = array<i32>} : memref<576xi32, #tpu.memory_space<vmem>>, vector<16xi32>,
    %swap3A_656 = vector.shape_cast %swap3A_655 : vector<16xi32> to vector<16xi32>
    %swap3A_657 = vector.shape_cast %add3A_653 : vector<16xi32> to vector<16xi32>
    tpu.vector_store %arg6[%swap3A_654], %swap3A_657 {strides = array<i32>} : memref<576xi32, #tpu.memory_space<vmem>>, vector<16xi32>,
    %add3A_658 = arith.constant 160 : i32
    %add3A_659 = arith.addi %add3A_4, %add3A_658 : i32
    %add3A_660 = vector.broadcast %add3A_659 : i32 to vector<16xi32>
    %add3A_661 = arith.addi %add3A_660, %iota3A : vector<16xi32>
    %jit3A_662 = arith.constant 2 : i32
    %eq3A_663 = arith.constant 0 : i32
    %eq3A_664 = arith.cmpi eq, %jit3A_662, %eq3A_663 : i32
    %jit3A_665 = arith.constant 1 : i32
    %select_n3A_666 = arith.select %eq3A_664, %jit3A_665, %jit3A_662 : i32
    %rem3A_667 = vector.broadcast %select_n3A_666 : i32 to vector<16xi32>
    %rem3A_668 = arith.remsi %add3A_661, %rem3A_667 : vector<16xi32>
    %ne3A_669 = arith.constant 0 : i32
    %ne3A_670 = vector.broadcast %ne3A_669 : i32 to vector<16xi32>
    %ne3A_671 = arith.cmpi ne, %rem3A_668, %ne3A_670 : vector<16xi32>
    %lt3A_672 = arith.constant 0 : i32
    %lt3A_673 = vector.broadcast %lt3A_672 : i32 to vector<16xi32>
    %lt3A_674 = arith.cmpi slt, %rem3A_668, %lt3A_673 : vector<16xi32>
    %lt3A_675 = arith.constant 0 : i32
    %lt3A_676 = arith.cmpi slt, %select_n3A_666, %lt3A_675 : i32
    %ne3A_677 = vector.broadcast %lt3A_676 : i1 to vector<16xi1>
    %ne3A_678 = vector.broadcast %ne3A_677 : vector<16xi1> to vector<16xi1>
    %ne3A_679 = arith.xori %lt3A_674, %ne3A_678 : vector<16xi1>
    %and3A_680 = arith.andi %ne3A_679, %ne3A_671 : vector<16xi1>
    %add3A_681 = vector.broadcast %select_n3A_666 : i32 to vector<16xi32>
    %add3A_682 = arith.addi %rem3A_668, %add3A_681 : vector<16xi32>
    %select_n3A_683 = arith.select %and3A_680, %add3A_682, %rem3A_668 : vector<16xi1>, vector<16xi32>
    %div3A_684 = arith.constant 2 : i32
    %div3A_685 = vector.broadcast %div3A_684 : i32 to vector<16xi32>
    %div3A_686 = arith.divsi %add3A_661, %div3A_685 : vector<16xi32>
    %jit3A_687 = arith.constant 9 : i32
    %eq3A_688 = arith.constant 0 : i32
    %eq3A_689 = arith.cmpi eq, %jit3A_687, %eq3A_688 : i32
    %jit3A_690 = arith.constant 1 : i32
    %select_n3A_691 = arith.select %eq3A_689, %jit3A_690, %jit3A_687 : i32
    %rem3A_692 = vector.broadcast %select_n3A_691 : i32 to vector<16xi32>
    %rem3A_693 = arith.remsi %div3A_686, %rem3A_692 : vector<16xi32>
    %ne3A_694 = arith.constant 0 : i32
    %ne3A_695 = vector.broadcast %ne3A_694 : i32 to vector<16xi32>
    %ne3A_696 = arith.cmpi ne, %rem3A_693, %ne3A_695 : vector<16xi32>
    %lt3A_697 = arith.constant 0 : i32
    %lt3A_698 = vector.broadcast %lt3A_697 : i32 to vector<16xi32>
    %lt3A_699 = arith.cmpi slt, %rem3A_693, %lt3A_698 : vector<16xi32>
    %lt3A_700 = arith.constant 0 : i32
    %lt3A_701 = arith.cmpi slt, %select_n3A_691, %lt3A_700 : i32
    %ne3A_702 = vector.broadcast %lt3A_701 : i1 to vector<16xi1>
    %ne3A_703 = vector.broadcast %ne3A_702 : vector<16xi1> to vector<16xi1>
    %ne3A_704 = arith.xori %lt3A_699, %ne3A_703 : vector<16xi1>
    %and3A_705 = arith.andi %ne3A_704, %ne3A_696 : vector<16xi1>
    %add3A_706 = vector.broadcast %select_n3A_691 : i32 to vector<16xi32>
    %add3A_707 = arith.addi %rem3A_693, %add3A_706 : vector<16xi32>
    %select_n3A_708 = arith.select %and3A_705, %add3A_707, %rem3A_693 : vector<16xi1>, vector<16xi32>
    %get3A_709 = arith.constant 160 : index
    %get3A_710 = tpu.vector_load %arg5[%get3A_709] {strides = array<i32>} : memref<576xi32, #tpu.memory_space<vmem>>, vector<16xi32>,
    %get3A_711 = vector.shape_cast %get3A_710 : vector<16xi32> to vector<16xi32>
    %mul3A_712 = arith.constant 9 : i32
    %mul3A_713 = vector.broadcast %mul3A_712 : i32 to vector<16xi32>
    %mul3A_714 = arith.muli %get3A_711, %mul3A_713 : vector<16xi32>
    %add3A_715 = arith.addi %mul3A_714, %select_n3A_708 : vector<16xi32>
    %mul3A_716 = arith.constant 2 : i32
    %mul3A_717 = vector.broadcast %mul3A_716 : i32 to vector<16xi32>
    %mul3A_718 = arith.muli %add3A_715, %mul3A_717 : vector<16xi32>
    %add3A_719 = arith.addi %mul3A_718, %select_n3A_683 : vector<16xi32>
    %swap3A_720 = arith.constant 160 : index
    %swap3A_721 = tpu.vector_load %arg6[%swap3A_720] {strides = array<i32>} : memref<576xi32, #tpu.memory_space<vmem>>, vector<16xi32>,
    %swap3A_722 = vector.shape_cast %swap3A_721 : vector<16xi32> to vector<16xi32>
    %swap3A_723 = vector.shape_cast %add3A_719 : vector<16xi32> to vector<16xi32>
    tpu.vector_store %arg6[%swap3A_720], %swap3A_723 {strides = array<i32>} : memref<576xi32, #tpu.memory_space<vmem>>, vector<16xi32>,
    %add3A_724 = arith.constant 176 : i32
    %add3A_725 = arith.addi %add3A_4, %add3A_724 : i32
    %add3A_726 = vector.broadcast %add3A_725 : i32 to vector<16xi32>
    %add3A_727 = arith.addi %add3A_726, %iota3A : vector<16xi32>
    %jit3A_728 = arith.constant 2 : i32
    %eq3A_729 = arith.constant 0 : i32
    %eq3A_730 = arith.cmpi eq, %jit3A_728, %eq3A_729 : i32
    %jit3A_731 = arith.constant 1 : i32
    %select_n3A_732 = arith.select %eq3A_730, %jit3A_731, %jit3A_728 : i32
    %rem3A_733 = vector.broadcast %select_n3A_732 : i32 to vector<16xi32>
    %rem3A_734 = arith.remsi %add3A_727, %rem3A_733 : vector<16xi32>
    %ne3A_735 = arith.constant 0 : i32
    %ne3A_736 = vector.broadcast %ne3A_735 : i32 to vector<16xi32>
    %ne3A_737 = arith.cmpi ne, %rem3A_734, %ne3A_736 : vector<16xi32>
    %lt3A_738 = arith.constant 0 : i32
    %lt3A_739 = vector.broadcast %lt3A_738 : i32 to vector<16xi32>
    %lt3A_740 = arith.cmpi slt, %rem3A_734, %lt3A_739 : vector<16xi32>
    %lt3A_741 = arith.constant 0 : i32
    %lt3A_742 = arith.cmpi slt, %select_n3A_732, %lt3A_741 : i32
    %ne3A_743 = vector.broadcast %lt3A_742 : i1 to vector<16xi1>
    %ne3A_744 = vector.broadcast %ne3A_743 : vector<16xi1> to vector<16xi1>
    %ne3A_745 = arith.xori %lt3A_740, %ne3A_744 : vector<16xi1>
    %and3A_746 = arith.andi %ne3A_745, %ne3A_737 : vector<16xi1>
    %add3A_747 = vector.broadcast %select_n3A_732 : i32 to vector<16xi32>
    %add3A_748 = arith.addi %rem3A_734, %add3A_747 : vector<16xi32>
    %select_n3A_749 = arith.select %and3A_746, %add3A_748, %rem3A_734 : vector<16xi1>, vector<16xi32>
    %div3A_750 = arith.constant 2 : i32
    %div3A_751 = vector.broadcast %div3A_750 : i32 to vector<16xi32>
    %div3A_752 = arith.divsi %add3A_727, %div3A_751 : vector<16xi32>
    %jit3A_753 = arith.constant 9 : i32
    %eq3A_754 = arith.constant 0 : i32
    %eq3A_755 = arith.cmpi eq, %jit3A_753, %eq3A_754 : i32
    %jit3A_756 = arith.constant 1 : i32
    %select_n3A_757 = arith.select %eq3A_755, %jit3A_756, %jit3A_753 : i32
    %rem3A_758 = vector.broadcast %select_n3A_757 : i32 to vector<16xi32>
    %rem3A_759 = arith.remsi %div3A_752, %rem3A_758 : vector<16xi32>
    %ne3A_760 = arith.constant 0 : i32
    %ne3A_761 = vector.broadcast %ne3A_760 : i32 to vector<16xi32>
    %ne3A_762 = arith.cmpi ne, %rem3A_759, %ne3A_761 : vector<16xi32>
    %lt3A_763 = arith.constant 0 : i32
    %lt3A_764 = vector.broadcast %lt3A_763 : i32 to vector<16xi32>
    %lt3A_765 = arith.cmpi slt, %rem3A_759, %lt3A_764 : vector<16xi32>
    %lt3A_766 = arith.constant 0 : i32
    %lt3A_767 = arith.cmpi slt, %select_n3A_757, %lt3A_766 : i32
    %ne3A_768 = vector.broadcast %lt3A_767 : i1 to vector<16xi1>
    %ne3A_769 = vector.broadcast %ne3A_768 : vector<16xi1> to vector<16xi1>
    %ne3A_770 = arith.xori %lt3A_765, %ne3A_769 : vector<16xi1>
    %and3A_771 = arith.andi %ne3A_770, %ne3A_762 : vector<16xi1>
    %add3A_772 = vector.broadcast %select_n3A_757 : i32 to vector<16xi32>
    %add3A_773 = arith.addi %rem3A_759, %add3A_772 : vector<16xi32>
    %select_n3A_774 = arith.select %and3A_771, %add3A_773, %rem3A_759 : vector<16xi1>, vector<16xi32>
    %get3A_775 = arith.constant 176 : index
    %get3A_776 = tpu.vector_load %arg5[%get3A_775] {strides = array<i32>} : memref<576xi32, #tpu.memory_space<vmem>>, vector<16xi32>,
    %get3A_777 = vector.shape_cast %get3A_776 : vector<16xi32> to vector<16xi32>
    %mul3A_778 = arith.constant 9 : i32
    %mul3A_779 = vector.broadcast %mul3A_778 : i32 to vector<16xi32>
    %mul3A_780 = arith.muli %get3A_777, %mul3A_779 : vector<16xi32>
    %add3A_781 = arith.addi %mul3A_780, %select_n3A_774 : vector<16xi32>
    %mul3A_782 = arith.constant 2 : i32
    %mul3A_783 = vector.broadcast %mul3A_782 : i32 to vector<16xi32>
    %mul3A_784 = arith.muli %add3A_781, %mul3A_783 : vector<16xi32>
    %add3A_785 = arith.addi %mul3A_784, %select_n3A_749 : vector<16xi32>
    %swap3A_786 = arith.constant 176 : index
    %swap3A_787 = tpu.vector_load %arg6[%swap3A_786] {strides = array<i32>} : memref<576xi32, #tpu.memory_space<vmem>>, vector<16xi32>,
    %swap3A_788 = vector.shape_cast %swap3A_787 : vector<16xi32> to vector<16xi32>
    %swap3A_789 = vector.shape_cast %add3A_785 : vector<16xi32> to vector<16xi32>
    tpu.vector_store %arg6[%swap3A_786], %swap3A_789 {strides = array<i32>} : memref<576xi32, #tpu.memory_space<vmem>>, vector<16xi32>,
    %add3A_790 = arith.constant 192 : i32
    %add3A_791 = arith.addi %add3A_4, %add3A_790 : i32
    %add3A_792 = vector.broadcast %add3A_791 : i32 to vector<16xi32>
    %add3A_793 = arith.addi %add3A_792, %iota3A : vector<16xi32>
    %jit3A_794 = arith.constant 2 : i32
    %eq3A_795 = arith.constant 0 : i32
    %eq3A_796 = arith.cmpi eq, %jit3A_794, %eq3A_795 : i32
    %jit3A_797 = arith.constant 1 : i32
    %select_n3A_798 = arith.select %eq3A_796, %jit3A_797, %jit3A_794 : i32
    %rem3A_799 = vector.broadcast %select_n3A_798 : i32 to vector<16xi32>
    %rem3A_800 = arith.remsi %add3A_793, %rem3A_799 : vector<16xi32>
    %ne3A_801 = arith.constant 0 : i32
    %ne3A_802 = vector.broadcast %ne3A_801 : i32 to vector<16xi32>
    %ne3A_803 = arith.cmpi ne, %rem3A_800, %ne3A_802 : vector<16xi32>
    %lt3A_804 = arith.constant 0 : i32
    %lt3A_805 = vector.broadcast %lt3A_804 : i32 to vector<16xi32>
    %lt3A_806 = arith.cmpi slt, %rem3A_800, %lt3A_805 : vector<16xi32>
    %lt3A_807 = arith.constant 0 : i32
    %lt3A_808 = arith.cmpi slt, %select_n3A_798, %lt3A_807 : i32
    %ne3A_809 = vector.broadcast %lt3A_808 : i1 to vector<16xi1>
    %ne3A_810 = vector.broadcast %ne3A_809 : vector<16xi1> to vector<16xi1>
    %ne3A_811 = arith.xori %lt3A_806, %ne3A_810 : vector<16xi1>
    %and3A_812 = arith.andi %ne3A_811, %ne3A_803 : vector<16xi1>
    %add3A_813 = vector.broadcast %select_n3A_798 : i32 to vector<16xi32>
    %add3A_814 = arith.addi %rem3A_800, %add3A_813 : vector<16xi32>
    %select_n3A_815 = arith.select %and3A_812, %add3A_814, %rem3A_800 : vector<16xi1>, vector<16xi32>
    %div3A_816 = arith.constant 2 : i32
    %div3A_817 = vector.broadcast %div3A_816 : i32 to vector<16xi32>
    %div3A_818 = arith.divsi %add3A_793, %div3A_817 : vector<16xi32>
    %jit3A_819 = arith.constant 9 : i32
    %eq3A_820 = arith.constant 0 : i32
    %eq3A_821 = arith.cmpi eq, %jit3A_819, %eq3A_820 : i32
    %jit3A_822 = arith.constant 1 : i32
    %select_n3A_823 = arith.select %eq3A_821, %jit3A_822, %jit3A_819 : i32
    %rem3A_824 = vector.broadcast %select_n3A_823 : i32 to vector<16xi32>
    %rem3A_825 = arith.remsi %div3A_818, %rem3A_824 : vector<16xi32>
    %ne3A_826 = arith.constant 0 : i32
    %ne3A_827 = vector.broadcast %ne3A_826 : i32 to vector<16xi32>
    %ne3A_828 = arith.cmpi ne, %rem3A_825, %ne3A_827 : vector<16xi32>
    %lt3A_829 = arith.constant 0 : i32
    %lt3A_830 = vector.broadcast %lt3A_829 : i32 to vector<16xi32>
    %lt3A_831 = arith.cmpi slt, %rem3A_825, %lt3A_830 : vector<16xi32>
    %lt3A_832 = arith.constant 0 : i32
    %lt3A_833 = arith.cmpi slt, %select_n3A_823, %lt3A_832 : i32
    %ne3A_834 = vector.broadcast %lt3A_833 : i1 to vector<16xi1>
    %ne3A_835 = vector.broadcast %ne3A_834 : vector<16xi1> to vector<16xi1>
    %ne3A_836 = arith.xori %lt3A_831, %ne3A_835 : vector<16xi1>
    %and3A_837 = arith.andi %ne3A_836, %ne3A_828 : vector<16xi1>
    %add3A_838 = vector.broadcast %select_n3A_823 : i32 to vector<16xi32>
    %add3A_839 = arith.addi %rem3A_825, %add3A_838 : vector<16xi32>
    %select_n3A_840 = arith.select %and3A_837, %add3A_839, %rem3A_825 : vector<16xi1>, vector<16xi32>
    %get3A_841 = arith.constant 192 : index
    %get3A_842 = tpu.vector_load %arg5[%get3A_841] {strides = array<i32>} : memref<576xi32, #tpu.memory_space<vmem>>, vector<16xi32>,
    %get3A_843 = vector.shape_cast %get3A_842 : vector<16xi32> to vector<16xi32>
    %mul3A_844 = arith.constant 9 : i32
    %mul3A_845 = vector.broadcast %mul3A_844 : i32 to vector<16xi32>
    %mul3A_846 = arith.muli %get3A_843, %mul3A_845 : vector<16xi32>
    %add3A_847 = arith.addi %mul3A_846, %select_n3A_840 : vector<16xi32>
    %mul3A_848 = arith.constant 2 : i32
    %mul3A_849 = vector.broadcast %mul3A_848 : i32 to vector<16xi32>
    %mul3A_850 = arith.muli %add3A_847, %mul3A_849 : vector<16xi32>
    %add3A_851 = arith.addi %mul3A_850, %select_n3A_815 : vector<16xi32>
    %swap3A_852 = arith.constant 192 : index
    %swap3A_853 = tpu.vector_load %arg6[%swap3A_852] {strides = array<i32>} : memref<576xi32, #tpu.memory_space<vmem>>, vector<16xi32>,
    %swap3A_854 = vector.shape_cast %swap3A_853 : vector<16xi32> to vector<16xi32>
    %swap3A_855 = vector.shape_cast %add3A_851 : vector<16xi32> to vector<16xi32>
    tpu.vector_store %arg6[%swap3A_852], %swap3A_855 {strides = array<i32>} : memref<576xi32, #tpu.memory_space<vmem>>, vector<16xi32>,
    %add3A_856 = arith.constant 208 : i32
    %add3A_857 = arith.addi %add3A_4, %add3A_856 : i32
    %add3A_858 = vector.broadcast %add3A_857 : i32 to vector<16xi32>
    %add3A_859 = arith.addi %add3A_858, %iota3A : vector<16xi32>
    %jit3A_860 = arith.constant 2 : i32
    %eq3A_861 = arith.constant 0 : i32
    %eq3A_862 = arith.cmpi eq, %jit3A_860, %eq3A_861 : i32
    %jit3A_863 = arith.constant 1 : i32
    %select_n3A_864 = arith.select %eq3A_862, %jit3A_863, %jit3A_860 : i32
    %rem3A_865 = vector.broadcast %select_n3A_864 : i32 to vector<16xi32>
    %rem3A_866 = arith.remsi %add3A_859, %rem3A_865 : vector<16xi32>
    %ne3A_867 = arith.constant 0 : i32
    %ne3A_868 = vector.broadcast %ne3A_867 : i32 to vector<16xi32>
    %ne3A_869 = arith.cmpi ne, %rem3A_866, %ne3A_868 : vector<16xi32>
    %lt3A_870 = arith.constant 0 : i32
    %lt3A_871 = vector.broadcast %lt3A_870 : i32 to vector<16xi32>
    %lt3A_872 = arith.cmpi slt, %rem3A_866, %lt3A_871 : vector<16xi32>
    %lt3A_873 = arith.constant 0 : i32
    %lt3A_874 = arith.cmpi slt, %select_n3A_864, %lt3A_873 : i32
    %ne3A_875 = vector.broadcast %lt3A_874 : i1 to vector<16xi1>
    %ne3A_876 = vector.broadcast %ne3A_875 : vector<16xi1> to vector<16xi1>
    %ne3A_877 = arith.xori %lt3A_872, %ne3A_876 : vector<16xi1>
    %and3A_878 = arith.andi %ne3A_877, %ne3A_869 : vector<16xi1>
    %add3A_879 = vector.broadcast %select_n3A_864 : i32 to vector<16xi32>
    %add3A_880 = arith.addi %rem3A_866, %add3A_879 : vector<16xi32>
    %select_n3A_881 = arith.select %and3A_878, %add3A_880, %rem3A_866 : vector<16xi1>, vector<16xi32>
    %div3A_882 = arith.constant 2 : i32
    %div3A_883 = vector.broadcast %div3A_882 : i32 to vector<16xi32>
    %div3A_884 = arith.divsi %add3A_859, %div3A_883 : vector<16xi32>
    %jit3A_885 = arith.constant 9 : i32
    %eq3A_886 = arith.constant 0 : i32
    %eq3A_887 = arith.cmpi eq, %jit3A_885, %eq3A_886 : i32
    %jit3A_888 = arith.constant 1 : i32
    %select_n3A_889 = arith.select %eq3A_887, %jit3A_888, %jit3A_885 : i32
    %rem3A_890 = vector.broadcast %select_n3A_889 : i32 to vector<16xi32>
    %rem3A_891 = arith.remsi %div3A_884, %rem3A_890 : vector<16xi32>
    %ne3A_892 = arith.constant 0 : i32
    %ne3A_893 = vector.broadcast %ne3A_892 : i32 to vector<16xi32>
    %ne3A_894 = arith.cmpi ne, %rem3A_891, %ne3A_893 : vector<16xi32>
    %lt3A_895 = arith.constant 0 : i32
    %lt3A_896 = vector.broadcast %lt3A_895 : i32 to vector<16xi32>
    %lt3A_897 = arith.cmpi slt, %rem3A_891, %lt3A_896 : vector<16xi32>
    %lt3A_898 = arith.constant 0 : i32
    %lt3A_899 = arith.cmpi slt, %select_n3A_889, %lt3A_898 : i32
    %ne3A_900 = vector.broadcast %lt3A_899 : i1 to vector<16xi1>
    %ne3A_901 = vector.broadcast %ne3A_900 : vector<16xi1> to vector<16xi1>
    %ne3A_902 = arith.xori %lt3A_897, %ne3A_901 : vector<16xi1>
    %and3A_903 = arith.andi %ne3A_902, %ne3A_894 : vector<16xi1>
    %add3A_904 = vector.broadcast %select_n3A_889 : i32 to vector<16xi32>
    %add3A_905 = arith.addi %rem3A_891, %add3A_904 : vector<16xi32>
    %select_n3A_906 = arith.select %and3A_903, %add3A_905, %rem3A_891 : vector<16xi1>, vector<16xi32>
    %get3A_907 = arith.constant 208 : index
    %get3A_908 = tpu.vector_load %arg5[%get3A_907] {strides = array<i32>} : memref<576xi32, #tpu.memory_space<vmem>>, vector<16xi32>,
    %get3A_909 = vector.shape_cast %get3A_908 : vector<16xi32> to vector<16xi32>
    %mul3A_910 = arith.constant 9 : i32
    %mul3A_911 = vector.broadcast %mul3A_910 : i32 to vector<16xi32>
    %mul3A_912 = arith.muli %get3A_909, %mul3A_911 : vector<16xi32>
    %add3A_913 = arith.addi %mul3A_912, %select_n3A_906 : vector<16xi32>
    %mul3A_914 = arith.constant 2 : i32
    %mul3A_915 = vector.broadcast %mul3A_914 : i32 to vector<16xi32>
    %mul3A_916 = arith.muli %add3A_913, %mul3A_915 : vector<16xi32>
    %add3A_917 = arith.addi %mul3A_916, %select_n3A_881 : vector<16xi32>
    %swap3A_918 = arith.constant 208 : index
    %swap3A_919 = tpu.vector_load %arg6[%swap3A_918] {strides = array<i32>} : memref<576xi32, #tpu.memory_space<vmem>>, vector<16xi32>,
    %swap3A_920 = vector.shape_cast %swap3A_919 : vector<16xi32> to vector<16xi32>
    %swap3A_921 = vector.shape_cast %add3A_917 : vector<16xi32> to vector<16xi32>
    tpu.vector_store %arg6[%swap3A_918], %swap3A_921 {strides = array<i32>} : memref<576xi32, #tpu.memory_space<vmem>>, vector<16xi32>,
    %add3A_922 = arith.constant 224 : i32
    %add3A_923 = arith.addi %add3A_4, %add3A_922 : i32
    %add3A_924 = vector.broadcast %add3A_923 : i32 to vector<16xi32>
    %add3A_925 = arith.addi %add3A_924, %iota3A : vector<16xi32>
    %jit3A_926 = arith.constant 2 : i32
    %eq3A_927 = arith.constant 0 : i32
    %eq3A_928 = arith.cmpi eq, %jit3A_926, %eq3A_927 : i32
    %jit3A_929 = arith.constant 1 : i32
    %select_n3A_930 = arith.select %eq3A_928, %jit3A_929, %jit3A_926 : i32
    %rem3A_931 = vector.broadcast %select_n3A_930 : i32 to vector<16xi32>
    %rem3A_932 = arith.remsi %add3A_925, %rem3A_931 : vector<16xi32>
    %ne3A_933 = arith.constant 0 : i32
    %ne3A_934 = vector.broadcast %ne3A_933 : i32 to vector<16xi32>
    %ne3A_935 = arith.cmpi ne, %rem3A_932, %ne3A_934 : vector<16xi32>
    %lt3A_936 = arith.constant 0 : i32
    %lt3A_937 = vector.broadcast %lt3A_936 : i32 to vector<16xi32>
    %lt3A_938 = arith.cmpi slt, %rem3A_932, %lt3A_937 : vector<16xi32>
    %lt3A_939 = arith.constant 0 : i32
    %lt3A_940 = arith.cmpi slt, %select_n3A_930, %lt3A_939 : i32
    %ne3A_941 = vector.broadcast %lt3A_940 : i1 to vector<16xi1>
    %ne3A_942 = vector.broadcast %ne3A_941 : vector<16xi1> to vector<16xi1>
    %ne3A_943 = arith.xori %lt3A_938, %ne3A_942 : vector<16xi1>
    %and3A_944 = arith.andi %ne3A_943, %ne3A_935 : vector<16xi1>
    %add3A_945 = vector.broadcast %select_n3A_930 : i32 to vector<16xi32>
    %add3A_946 = arith.addi %rem3A_932, %add3A_945 : vector<16xi32>
    %select_n3A_947 = arith.select %and3A_944, %add3A_946, %rem3A_932 : vector<16xi1>, vector<16xi32>
    %div3A_948 = arith.constant 2 : i32
    %div3A_949 = vector.broadcast %div3A_948 : i32 to vector<16xi32>
    %div3A_950 = arith.divsi %add3A_925, %div3A_949 : vector<16xi32>
    %jit3A_951 = arith.constant 9 : i32
    %eq3A_952 = arith.constant 0 : i32
    %eq3A_953 = arith.cmpi eq, %jit3A_951, %eq3A_952 : i32
    %jit3A_954 = arith.constant 1 : i32
    %select_n3A_955 = arith.select %eq3A_953, %jit3A_954, %jit3A_951 : i32
    %rem3A_956 = vector.broadcast %select_n3A_955 : i32 to vector<16xi32>
    %rem3A_957 = arith.remsi %div3A_950, %rem3A_956 : vector<16xi32>
    %ne3A_958 = arith.constant 0 : i32
    %ne3A_959 = vector.broadcast %ne3A_958 : i32 to vector<16xi32>
    %ne3A_960 = arith.cmpi ne, %rem3A_957, %ne3A_959 : vector<16xi32>
    %lt3A_961 = arith.constant 0 : i32
    %lt3A_962 = vector.broadcast %lt3A_961 : i32 to vector<16xi32>
    %lt3A_963 = arith.cmpi slt, %rem3A_957, %lt3A_962 : vector<16xi32>
    %lt3A_964 = arith.constant 0 : i32
    %lt3A_965 = arith.cmpi slt, %select_n3A_955, %lt3A_964 : i32
    %ne3A_966 = vector.broadcast %lt3A_965 : i1 to vector<16xi1>
    %ne3A_967 = vector.broadcast %ne3A_966 : vector<16xi1> to vector<16xi1>
    %ne3A_968 = arith.xori %lt3A_963, %ne3A_967 : vector<16xi1>
    %and3A_969 = arith.andi %ne3A_968, %ne3A_960 : vector<16xi1>
    %add3A_970 = vector.broadcast %select_n3A_955 : i32 to vector<16xi32>
    %add3A_971 = arith.addi %rem3A_957, %add3A_970 : vector<16xi32>
    %select_n3A_972 = arith.select %and3A_969, %add3A_971, %rem3A_957 : vector<16xi1>, vector<16xi32>
    %get3A_973 = arith.constant 224 : index
    %get3A_974 = tpu.vector_load %arg5[%get3A_973] {strides = array<i32>} : memref<576xi32, #tpu.memory_space<vmem>>, vector<16xi32>,
    %get3A_975 = vector.shape_cast %get3A_974 : vector<16xi32> to vector<16xi32>
    %mul3A_976 = arith.constant 9 : i32
    %mul3A_977 = vector.broadcast %mul3A_976 : i32 to vector<16xi32>
    %mul3A_978 = arith.muli %get3A_975, %mul3A_977 : vector<16xi32>
    %add3A_979 = arith.addi %mul3A_978, %select_n3A_972 : vector<16xi32>
    %mul3A_980 = arith.constant 2 : i32
    %mul3A_981 = vector.broadcast %mul3A_980 : i32 to vector<16xi32>
    %mul3A_982 = arith.muli %add3A_979, %mul3A_981 : vector<16xi32>
    %add3A_983 = arith.addi %mul3A_982, %select_n3A_947 : vector<16xi32>
    %swap3A_984 = arith.constant 224 : index
    %swap3A_985 = tpu.vector_load %arg6[%swap3A_984] {strides = array<i32>} : memref<576xi32, #tpu.memory_space<vmem>>, vector<16xi32>,
    %swap3A_986 = vector.shape_cast %swap3A_985 : vector<16xi32> to vector<16xi32>
    %swap3A_987 = vector.shape_cast %add3A_983 : vector<16xi32> to vector<16xi32>
    tpu.vector_store %arg6[%swap3A_984], %swap3A_987 {strides = array<i32>} : memref<576xi32, #tpu.memory_space<vmem>>, vector<16xi32>,
    %add3A_988 = arith.constant 240 : i32
    %add3A_989 = arith.addi %add3A_4, %add3A_988 : i32
    %add3A_990 = vector.broadcast %add3A_989 : i32 to vector<16xi32>
    %add3A_991 = arith.addi %add3A_990, %iota3A : vector<16xi32>
    %jit3A_992 = arith.constant 2 : i32
    %eq3A_993 = arith.constant 0 : i32
    %eq3A_994 = arith.cmpi eq, %jit3A_992, %eq3A_993 : i32
    %jit3A_995 = arith.constant 1 : i32
    %select_n3A_996 = arith.select %eq3A_994, %jit3A_995, %jit3A_992 : i32
    %rem3A_997 = vector.broadcast %select_n3A_996 : i32 to vector<16xi32>
    %rem3A_998 = arith.remsi %add3A_991, %rem3A_997 : vector<16xi32>
    %ne3A_999 = arith.constant 0 : i32
    %ne3A_1000 = vector.broadcast %ne3A_999 : i32 to vector<16xi32>
    %ne3A_1001 = arith.cmpi ne, %rem3A_998, %ne3A_1000 : vector<16xi32>
    %lt3A_1002 = arith.constant 0 : i32
    %lt3A_1003 = vector.broadcast %lt3A_1002 : i32 to vector<16xi32>
    %lt3A_1004 = arith.cmpi slt, %rem3A_998, %lt3A_1003 : vector<16xi32>
    %lt3A_1005 = arith.constant 0 : i32
    %lt3A_1006 = arith.cmpi slt, %select_n3A_996, %lt3A_1005 : i32
    %ne3A_1007 = vector.broadcast %lt3A_1006 : i1 to vector<16xi1>
    %ne3A_1008 = vector.broadcast %ne3A_1007 : vector<16xi1> to vector<16xi1>
    %ne3A_1009 = arith.xori %lt3A_1004, %ne3A_1008 : vector<16xi1>
    %and3A_1010 = arith.andi %ne3A_1009, %ne3A_1001 : vector<16xi1>
    %add3A_1011 = vector.broadcast %select_n3A_996 : i32 to vector<16xi32>
    %add3A_1012 = arith.addi %rem3A_998, %add3A_1011 : vector<16xi32>
    %select_n3A_1013 = arith.select %and3A_1010, %add3A_1012, %rem3A_998 : vector<16xi1>, vector<16xi32>
    %div3A_1014 = arith.constant 2 : i32
    %div3A_1015 = vector.broadcast %div3A_1014 : i32 to vector<16xi32>
    %div3A_1016 = arith.divsi %add3A_991, %div3A_1015 : vector<16xi32>
    %jit3A_1017 = arith.constant 9 : i32
    %eq3A_1018 = arith.constant 0 : i32
    %eq3A_1019 = arith.cmpi eq, %jit3A_1017, %eq3A_1018 : i32
    %jit3A_1020 = arith.constant 1 : i32
    %select_n3A_1021 = arith.select %eq3A_1019, %jit3A_1020, %jit3A_1017 : i32
    %rem3A_1022 = vector.broadcast %select_n3A_1021 : i32 to vector<16xi32>
    %rem3A_1023 = arith.remsi %div3A_1016, %rem3A_1022 : vector<16xi32>
    %ne3A_1024 = arith.constant 0 : i32
    %ne3A_1025 = vector.broadcast %ne3A_1024 : i32 to vector<16xi32>
    %ne3A_1026 = arith.cmpi ne, %rem3A_1023, %ne3A_1025 : vector<16xi32>
    %lt3A_1027 = arith.constant 0 : i32
    %lt3A_1028 = vector.broadcast %lt3A_1027 : i32 to vector<16xi32>
    %lt3A_1029 = arith.cmpi slt, %rem3A_1023, %lt3A_1028 : vector<16xi32>
    %lt3A_1030 = arith.constant 0 : i32
    %lt3A_1031 = arith.cmpi slt, %select_n3A_1021, %lt3A_1030 : i32
    %ne3A_1032 = vector.broadcast %lt3A_1031 : i1 to vector<16xi1>
    %ne3A_1033 = vector.broadcast %ne3A_1032 : vector<16xi1> to vector<16xi1>
    %ne3A_1034 = arith.xori %lt3A_1029, %ne3A_1033 : vector<16xi1>
    %and3A_1035 = arith.andi %ne3A_1034, %ne3A_1026 : vector<16xi1>
    %add3A_1036 = vector.broadcast %select_n3A_1021 : i32 to vector<16xi32>
    %add3A_1037 = arith.addi %rem3A_1023, %add3A_1036 : vector<16xi32>
    %select_n3A_1038 = arith.select %and3A_1035, %add3A_1037, %rem3A_1023 : vector<16xi1>, vector<16xi32>
    %get3A_1039 = arith.constant 240 : index
    %get3A_1040 = tpu.vector_load %arg5[%get3A_1039] {strides = array<i32>} : memref<576xi32, #tpu.memory_space<vmem>>, vector<16xi32>,
    %get3A_1041 = vector.shape_cast %get3A_1040 : vector<16xi32> to vector<16xi32>
    %mul3A_1042 = arith.constant 9 : i32
    %mul3A_1043 = vector.broadcast %mul3A_1042 : i32 to vector<16xi32>
    %mul3A_1044 = arith.muli %get3A_1041, %mul3A_1043 : vector<16xi32>
    %add3A_1045 = arith.addi %mul3A_1044, %select_n3A_1038 : vector<16xi32>
    %mul3A_1046 = arith.constant 2 : i32
    %mul3A_1047 = vector.broadcast %mul3A_1046 : i32 to vector<16xi32>
    %mul3A_1048 = arith.muli %add3A_1045, %mul3A_1047 : vector<16xi32>
    %add3A_1049 = arith.addi %mul3A_1048, %select_n3A_1013 : vector<16xi32>
    %swap3A_1050 = arith.constant 240 : index
    %swap3A_1051 = tpu.vector_load %arg6[%swap3A_1050] {strides = array<i32>} : memref<576xi32, #tpu.memory_space<vmem>>, vector<16xi32>,
    %swap3A_1052 = vector.shape_cast %swap3A_1051 : vector<16xi32> to vector<16xi32>
    %swap3A_1053 = vector.shape_cast %add3A_1049 : vector<16xi32> to vector<16xi32>
    tpu.vector_store %arg6[%swap3A_1050], %swap3A_1053 {strides = array<i32>} : memref<576xi32, #tpu.memory_space<vmem>>, vector<16xi32>,
    %add3A_1054 = arith.constant 256 : i32
    %add3A_1055 = arith.addi %add3A_4, %add3A_1054 : i32
    %add3A_1056 = vector.broadcast %add3A_1055 : i32 to vector<16xi32>
    %add3A_1057 = arith.addi %add3A_1056, %iota3A : vector<16xi32>
    %jit3A_1058 = arith.constant 2 : i32
    %eq3A_1059 = arith.constant 0 : i32
    %eq3A_1060 = arith.cmpi eq, %jit3A_1058, %eq3A_1059 : i32
    %jit3A_1061 = arith.constant 1 : i32
    %select_n3A_1062 = arith.select %eq3A_1060, %jit3A_1061, %jit3A_1058 : i32
    %rem3A_1063 = vector.broadcast %select_n3A_1062 : i32 to vector<16xi32>
    %rem3A_1064 = arith.remsi %add3A_1057, %rem3A_1063 : vector<16xi32>
    %ne3A_1065 = arith.constant 0 : i32
    %ne3A_1066 = vector.broadcast %ne3A_1065 : i32 to vector<16xi32>
    %ne3A_1067 = arith.cmpi ne, %rem3A_1064, %ne3A_1066 : vector<16xi32>
    %lt3A_1068 = arith.constant 0 : i32
    %lt3A_1069 = vector.broadcast %lt3A_1068 : i32 to vector<16xi32>
    %lt3A_1070 = arith.cmpi slt, %rem3A_1064, %lt3A_1069 : vector<16xi32>
    %lt3A_1071 = arith.constant 0 : i32
    %lt3A_1072 = arith.cmpi slt, %select_n3A_1062, %lt3A_1071 : i32
    %ne3A_1073 = vector.broadcast %lt3A_1072 : i1 to vector<16xi1>
    %ne3A_1074 = vector.broadcast %ne3A_1073 : vector<16xi1> to vector<16xi1>
    %ne3A_1075 = arith.xori %lt3A_1070, %ne3A_1074 : vector<16xi1>
    %and3A_1076 = arith.andi %ne3A_1075, %ne3A_1067 : vector<16xi1>
    %add3A_1077 = vector.broadcast %select_n3A_1062 : i32 to vector<16xi32>
    %add3A_1078 = arith.addi %rem3A_1064, %add3A_1077 : vector<16xi32>
    %select_n3A_1079 = arith.select %and3A_1076, %add3A_1078, %rem3A_1064 : vector<16xi1>, vector<16xi32>
    %div3A_1080 = arith.constant 2 : i32
    %div3A_1081 = vector.broadcast %div3A_1080 : i32 to vector<16xi32>
    %div3A_1082 = arith.divsi %add3A_1057, %div3A_1081 : vector<16xi32>
    %jit3A_1083 = arith.constant 9 : i32
    %eq3A_1084 = arith.constant 0 : i32
    %eq3A_1085 = arith.cmpi eq, %jit3A_1083, %eq3A_1084 : i32
    %jit3A_1086 = arith.constant 1 : i32
    %select_n3A_1087 = arith.select %eq3A_1085, %jit3A_1086, %jit3A_1083 : i32
    %rem3A_1088 = vector.broadcast %select_n3A_1087 : i32 to vector<16xi32>
    %rem3A_1089 = arith.remsi %div3A_1082, %rem3A_1088 : vector<16xi32>
    %ne3A_1090 = arith.constant 0 : i32
    %ne3A_1091 = vector.broadcast %ne3A_1090 : i32 to vector<16xi32>
    %ne3A_1092 = arith.cmpi ne, %rem3A_1089, %ne3A_1091 : vector<16xi32>
    %lt3A_1093 = arith.constant 0 : i32
    %lt3A_1094 = vector.broadcast %lt3A_1093 : i32 to vector<16xi32>
    %lt3A_1095 = arith.cmpi slt, %rem3A_1089, %lt3A_1094 : vector<16xi32>
    %lt3A_1096 = arith.constant 0 : i32
    %lt3A_1097 = arith.cmpi slt, %select_n3A_1087, %lt3A_1096 : i32
    %ne3A_1098 = vector.broadcast %lt3A_1097 : i1 to vector<16xi1>
    %ne3A_1099 = vector.broadcast %ne3A_1098 : vector<16xi1> to vector<16xi1>
    %ne3A_1100 = arith.xori %lt3A_1095, %ne3A_1099 : vector<16xi1>
    %and3A_1101 = arith.andi %ne3A_1100, %ne3A_1092 : vector<16xi1>
    %add3A_1102 = vector.broadcast %select_n3A_1087 : i32 to vector<16xi32>
    %add3A_1103 = arith.addi %rem3A_1089, %add3A_1102 : vector<16xi32>
    %select_n3A_1104 = arith.select %and3A_1101, %add3A_1103, %rem3A_1089 : vector<16xi1>, vector<16xi32>
    %get3A_1105 = arith.constant 256 : index
    %get3A_1106 = tpu.vector_load %arg5[%get3A_1105] {strides = array<i32>} : memref<576xi32, #tpu.memory_space<vmem>>, vector<16xi32>,
    %get3A_1107 = vector.shape_cast %get3A_1106 : vector<16xi32> to vector<16xi32>
    %mul3A_1108 = arith.constant 9 : i32
    %mul3A_1109 = vector.broadcast %mul3A_1108 : i32 to vector<16xi32>
    %mul3A_1110 = arith.muli %get3A_1107, %mul3A_1109 : vector<16xi32>
    %add3A_1111 = arith.addi %mul3A_1110, %select_n3A_1104 : vector<16xi32>
    %mul3A_1112 = arith.constant 2 : i32
    %mul3A_1113 = vector.broadcast %mul3A_1112 : i32 to vector<16xi32>
    %mul3A_1114 = arith.muli %add3A_1111, %mul3A_1113 : vector<16xi32>
    %add3A_1115 = arith.addi %mul3A_1114, %select_n3A_1079 : vector<16xi32>
    %swap3A_1116 = arith.constant 256 : index
    %swap3A_1117 = tpu.vector_load %arg6[%swap3A_1116] {strides = array<i32>} : memref<576xi32, #tpu.memory_space<vmem>>, vector<16xi32>,
    %swap3A_1118 = vector.shape_cast %swap3A_1117 : vector<16xi32> to vector<16xi32>
    %swap3A_1119 = vector.shape_cast %add3A_1115 : vector<16xi32> to vector<16xi32>
    tpu.vector_store %arg6[%swap3A_1116], %swap3A_1119 {strides = array<i32>} : memref<576xi32, #tpu.memory_space<vmem>>, vector<16xi32>,
    %add3A_1120 = arith.constant 272 : i32
    %add3A_1121 = arith.addi %add3A_4, %add3A_1120 : i32
    %add3A_1122 = vector.broadcast %add3A_1121 : i32 to vector<16xi32>
    %add3A_1123 = arith.addi %add3A_1122, %iota3A : vector<16xi32>
    %jit3A_1124 = arith.constant 2 : i32
    %eq3A_1125 = arith.constant 0 : i32
    %eq3A_1126 = arith.cmpi eq, %jit3A_1124, %eq3A_1125 : i32
    %jit3A_1127 = arith.constant 1 : i32
    %select_n3A_1128 = arith.select %eq3A_1126, %jit3A_1127, %jit3A_1124 : i32
    %rem3A_1129 = vector.broadcast %select_n3A_1128 : i32 to vector<16xi32>
    %rem3A_1130 = arith.remsi %add3A_1123, %rem3A_1129 : vector<16xi32>
    %ne3A_1131 = arith.constant 0 : i32
    %ne3A_1132 = vector.broadcast %ne3A_1131 : i32 to vector<16xi32>
    %ne3A_1133 = arith.cmpi ne, %rem3A_1130, %ne3A_1132 : vector<16xi32>
    %lt3A_1134 = arith.constant 0 : i32
    %lt3A_1135 = vector.broadcast %lt3A_1134 : i32 to vector<16xi32>
    %lt3A_1136 = arith.cmpi slt, %rem3A_1130, %lt3A_1135 : vector<16xi32>
    %lt3A_1137 = arith.constant 0 : i32
    %lt3A_1138 = arith.cmpi slt, %select_n3A_1128, %lt3A_1137 : i32
    %ne3A_1139 = vector.broadcast %lt3A_1138 : i1 to vector<16xi1>
    %ne3A_1140 = vector.broadcast %ne3A_1139 : vector<16xi1> to vector<16xi1>
    %ne3A_1141 = arith.xori %lt3A_1136, %ne3A_1140 : vector<16xi1>
    %and3A_1142 = arith.andi %ne3A_1141, %ne3A_1133 : vector<16xi1>
    %add3A_1143 = vector.broadcast %select_n3A_1128 : i32 to vector<16xi32>
    %add3A_1144 = arith.addi %rem3A_1130, %add3A_1143 : vector<16xi32>
    %select_n3A_1145 = arith.select %and3A_1142, %add3A_1144, %rem3A_1130 : vector<16xi1>, vector<16xi32>
    %div3A_1146 = arith.constant 2 : i32
    %div3A_1147 = vector.broadcast %div3A_1146 : i32 to vector<16xi32>
    %div3A_1148 = arith.divsi %add3A_1123, %div3A_1147 : vector<16xi32>
    %jit3A_1149 = arith.constant 9 : i32
    %eq3A_1150 = arith.constant 0 : i32
    %eq3A_1151 = arith.cmpi eq, %jit3A_1149, %eq3A_1150 : i32
    %jit3A_1152 = arith.constant 1 : i32
    %select_n3A_1153 = arith.select %eq3A_1151, %jit3A_1152, %jit3A_1149 : i32
    %rem3A_1154 = vector.broadcast %select_n3A_1153 : i32 to vector<16xi32>
    %rem3A_1155 = arith.remsi %div3A_1148, %rem3A_1154 : vector<16xi32>
    %ne3A_1156 = arith.constant 0 : i32
    %ne3A_1157 = vector.broadcast %ne3A_1156 : i32 to vector<16xi32>
    %ne3A_1158 = arith.cmpi ne, %rem3A_1155, %ne3A_1157 : vector<16xi32>
    %lt3A_1159 = arith.constant 0 : i32
    %lt3A_1160 = vector.broadcast %lt3A_1159 : i32 to vector<16xi32>
    %lt3A_1161 = arith.cmpi slt, %rem3A_1155, %lt3A_1160 : vector<16xi32>
    %lt3A_1162 = arith.constant 0 : i32
    %lt3A_1163 = arith.cmpi slt, %select_n3A_1153, %lt3A_1162 : i32
    %ne3A_1164 = vector.broadcast %lt3A_1163 : i1 to vector<16xi1>
    %ne3A_1165 = vector.broadcast %ne3A_1164 : vector<16xi1> to vector<16xi1>
    %ne3A_1166 = arith.xori %lt3A_1161, %ne3A_1165 : vector<16xi1>
    %and3A_1167 = arith.andi %ne3A_1166, %ne3A_1158 : vector<16xi1>
    %add3A_1168 = vector.broadcast %select_n3A_1153 : i32 to vector<16xi32>
    %add3A_1169 = arith.addi %rem3A_1155, %add3A_1168 : vector<16xi32>
    %select_n3A_1170 = arith.select %and3A_1167, %add3A_1169, %rem3A_1155 : vector<16xi1>, vector<16xi32>
    %get3A_1171 = arith.constant 272 : index
    %get3A_1172 = tpu.vector_load %arg5[%get3A_1171] {strides = array<i32>} : memref<576xi32, #tpu.memory_space<vmem>>, vector<16xi32>,
    %get3A_1173 = vector.shape_cast %get3A_1172 : vector<16xi32> to vector<16xi32>
    %mul3A_1174 = arith.constant 9 : i32
    %mul3A_1175 = vector.broadcast %mul3A_1174 : i32 to vector<16xi32>
    %mul3A_1176 = arith.muli %get3A_1173, %mul3A_1175 : vector<16xi32>
    %add3A_1177 = arith.addi %mul3A_1176, %select_n3A_1170 : vector<16xi32>
    %mul3A_1178 = arith.constant 2 : i32
    %mul3A_1179 = vector.broadcast %mul3A_1178 : i32 to vector<16xi32>
    %mul3A_1180 = arith.muli %add3A_1177, %mul3A_1179 : vector<16xi32>
    %add3A_1181 = arith.addi %mul3A_1180, %select_n3A_1145 : vector<16xi32>
    %swap3A_1182 = arith.constant 272 : index
    %swap3A_1183 = tpu.vector_load %arg6[%swap3A_1182] {strides = array<i32>} : memref<576xi32, #tpu.memory_space<vmem>>, vector<16xi32>,
    %swap3A_1184 = vector.shape_cast %swap3A_1183 : vector<16xi32> to vector<16xi32>
    %swap3A_1185 = vector.shape_cast %add3A_1181 : vector<16xi32> to vector<16xi32>
    tpu.vector_store %arg6[%swap3A_1182], %swap3A_1185 {strides = array<i32>} : memref<576xi32, #tpu.memory_space<vmem>>, vector<16xi32>,
    %add3A_1186 = arith.constant 288 : i32
    %add3A_1187 = arith.addi %add3A_4, %add3A_1186 : i32
    %add3A_1188 = vector.broadcast %add3A_1187 : i32 to vector<16xi32>
    %add3A_1189 = arith.addi %add3A_1188, %iota3A : vector<16xi32>
    %jit3A_1190 = arith.constant 2 : i32
    %eq3A_1191 = arith.constant 0 : i32
    %eq3A_1192 = arith.cmpi eq, %jit3A_1190, %eq3A_1191 : i32
    %jit3A_1193 = arith.constant 1 : i32
    %select_n3A_1194 = arith.select %eq3A_1192, %jit3A_1193, %jit3A_1190 : i32
    %rem3A_1195 = vector.broadcast %select_n3A_1194 : i32 to vector<16xi32>
    %rem3A_1196 = arith.remsi %add3A_1189, %rem3A_1195 : vector<16xi32>
    %ne3A_1197 = arith.constant 0 : i32
    %ne3A_1198 = vector.broadcast %ne3A_1197 : i32 to vector<16xi32>
    %ne3A_1199 = arith.cmpi ne, %rem3A_1196, %ne3A_1198 : vector<16xi32>
    %lt3A_1200 = arith.constant 0 : i32
    %lt3A_1201 = vector.broadcast %lt3A_1200 : i32 to vector<16xi32>
    %lt3A_1202 = arith.cmpi slt, %rem3A_1196, %lt3A_1201 : vector<16xi32>
    %lt3A_1203 = arith.constant 0 : i32
    %lt3A_1204 = arith.cmpi slt, %select_n3A_1194, %lt3A_1203 : i32
    %ne3A_1205 = vector.broadcast %lt3A_1204 : i1 to vector<16xi1>
    %ne3A_1206 = vector.broadcast %ne3A_1205 : vector<16xi1> to vector<16xi1>
    %ne3A_1207 = arith.xori %lt3A_1202, %ne3A_1206 : vector<16xi1>
    %and3A_1208 = arith.andi %ne3A_1207, %ne3A_1199 : vector<16xi1>
    %add3A_1209 = vector.broadcast %select_n3A_1194 : i32 to vector<16xi32>
    %add3A_1210 = arith.addi %rem3A_1196, %add3A_1209 : vector<16xi32>
    %select_n3A_1211 = arith.select %and3A_1208, %add3A_1210, %rem3A_1196 : vector<16xi1>, vector<16xi32>
    %div3A_1212 = arith.constant 2 : i32
    %div3A_1213 = vector.broadcast %div3A_1212 : i32 to vector<16xi32>
    %div3A_1214 = arith.divsi %add3A_1189, %div3A_1213 : vector<16xi32>
    %jit3A_1215 = arith.constant 9 : i32
    %eq3A_1216 = arith.constant 0 : i32
    %eq3A_1217 = arith.cmpi eq, %jit3A_1215, %eq3A_1216 : i32
    %jit3A_1218 = arith.constant 1 : i32
    %select_n3A_1219 = arith.select %eq3A_1217, %jit3A_1218, %jit3A_1215 : i32
    %rem3A_1220 = vector.broadcast %select_n3A_1219 : i32 to vector<16xi32>
    %rem3A_1221 = arith.remsi %div3A_1214, %rem3A_1220 : vector<16xi32>
    %ne3A_1222 = arith.constant 0 : i32
    %ne3A_1223 = vector.broadcast %ne3A_1222 : i32 to vector<16xi32>
    %ne3A_1224 = arith.cmpi ne, %rem3A_1221, %ne3A_1223 : vector<16xi32>
    %lt3A_1225 = arith.constant 0 : i32
    %lt3A_1226 = vector.broadcast %lt3A_1225 : i32 to vector<16xi32>
    %lt3A_1227 = arith.cmpi slt, %rem3A_1221, %lt3A_1226 : vector<16xi32>
    %lt3A_1228 = arith.constant 0 : i32
    %lt3A_1229 = arith.cmpi slt, %select_n3A_1219, %lt3A_1228 : i32
    %ne3A_1230 = vector.broadcast %lt3A_1229 : i1 to vector<16xi1>
    %ne3A_1231 = vector.broadcast %ne3A_1230 : vector<16xi1> to vector<16xi1>
    %ne3A_1232 = arith.xori %lt3A_1227, %ne3A_1231 : vector<16xi1>
    %and3A_1233 = arith.andi %ne3A_1232, %ne3A_1224 : vector<16xi1>
    %add3A_1234 = vector.broadcast %select_n3A_1219 : i32 to vector<16xi32>
    %add3A_1235 = arith.addi %rem3A_1221, %add3A_1234 : vector<16xi32>
    %select_n3A_1236 = arith.select %and3A_1233, %add3A_1235, %rem3A_1221 : vector<16xi1>, vector<16xi32>
    %get3A_1237 = arith.constant 288 : index
    %get3A_1238 = tpu.vector_load %arg5[%get3A_1237] {strides = array<i32>} : memref<576xi32, #tpu.memory_space<vmem>>, vector<16xi32>,
    %get3A_1239 = vector.shape_cast %get3A_1238 : vector<16xi32> to vector<16xi32>
    %mul3A_1240 = arith.constant 9 : i32
    %mul3A_1241 = vector.broadcast %mul3A_1240 : i32 to vector<16xi32>
    %mul3A_1242 = arith.muli %get3A_1239, %mul3A_1241 : vector<16xi32>
    %add3A_1243 = arith.addi %mul3A_1242, %select_n3A_1236 : vector<16xi32>
    %mul3A_1244 = arith.constant 2 : i32
    %mul3A_1245 = vector.broadcast %mul3A_1244 : i32 to vector<16xi32>
    %mul3A_1246 = arith.muli %add3A_1243, %mul3A_1245 : vector<16xi32>
    %add3A_1247 = arith.addi %mul3A_1246, %select_n3A_1211 : vector<16xi32>
    %swap3A_1248 = arith.constant 288 : index
    %swap3A_1249 = tpu.vector_load %arg6[%swap3A_1248] {strides = array<i32>} : memref<576xi32, #tpu.memory_space<vmem>>, vector<16xi32>,
    %swap3A_1250 = vector.shape_cast %swap3A_1249 : vector<16xi32> to vector<16xi32>
    %swap3A_1251 = vector.shape_cast %add3A_1247 : vector<16xi32> to vector<16xi32>
    tpu.vector_store %arg6[%swap3A_1248], %swap3A_1251 {strides = array<i32>} : memref<576xi32, #tpu.memory_space<vmem>>, vector<16xi32>,
    %add3A_1252 = arith.constant 304 : i32
    %add3A_1253 = arith.addi %add3A_4, %add3A_1252 : i32
    %add3A_1254 = vector.broadcast %add3A_1253 : i32 to vector<16xi32>
    %add3A_1255 = arith.addi %add3A_1254, %iota3A : vector<16xi32>
    %jit3A_1256 = arith.constant 2 : i32
    %eq3A_1257 = arith.constant 0 : i32
    %eq3A_1258 = arith.cmpi eq, %jit3A_1256, %eq3A_1257 : i32
    %jit3A_1259 = arith.constant 1 : i32
    %select_n3A_1260 = arith.select %eq3A_1258, %jit3A_1259, %jit3A_1256 : i32
    %rem3A_1261 = vector.broadcast %select_n3A_1260 : i32 to vector<16xi32>
    %rem3A_1262 = arith.remsi %add3A_1255, %rem3A_1261 : vector<16xi32>
    %ne3A_1263 = arith.constant 0 : i32
    %ne3A_1264 = vector.broadcast %ne3A_1263 : i32 to vector<16xi32>
    %ne3A_1265 = arith.cmpi ne, %rem3A_1262, %ne3A_1264 : vector<16xi32>
    %lt3A_1266 = arith.constant 0 : i32
    %lt3A_1267 = vector.broadcast %lt3A_1266 : i32 to vector<16xi32>
    %lt3A_1268 = arith.cmpi slt, %rem3A_1262, %lt3A_1267 : vector<16xi32>
    %lt3A_1269 = arith.constant 0 : i32
    %lt3A_1270 = arith.cmpi slt, %select_n3A_1260, %lt3A_1269 : i32
    %ne3A_1271 = vector.broadcast %lt3A_1270 : i1 to vector<16xi1>
    %ne3A_1272 = vector.broadcast %ne3A_1271 : vector<16xi1> to vector<16xi1>
    %ne3A_1273 = arith.xori %lt3A_1268, %ne3A_1272 : vector<16xi1>
    %and3A_1274 = arith.andi %ne3A_1273, %ne3A_1265 : vector<16xi1>
    %add3A_1275 = vector.broadcast %select_n3A_1260 : i32 to vector<16xi32>
    %add3A_1276 = arith.addi %rem3A_1262, %add3A_1275 : vector<16xi32>
    %select_n3A_1277 = arith.select %and3A_1274, %add3A_1276, %rem3A_1262 : vector<16xi1>, vector<16xi32>
    %div3A_1278 = arith.constant 2 : i32
    %div3A_1279 = vector.broadcast %div3A_1278 : i32 to vector<16xi32>
    %div3A_1280 = arith.divsi %add3A_1255, %div3A_1279 : vector<16xi32>
    %jit3A_1281 = arith.constant 9 : i32
    %eq3A_1282 = arith.constant 0 : i32
    %eq3A_1283 = arith.cmpi eq, %jit3A_1281, %eq3A_1282 : i32
    %jit3A_1284 = arith.constant 1 : i32
    %select_n3A_1285 = arith.select %eq3A_1283, %jit3A_1284, %jit3A_1281 : i32
    %rem3A_1286 = vector.broadcast %select_n3A_1285 : i32 to vector<16xi32>
    %rem3A_1287 = arith.remsi %div3A_1280, %rem3A_1286 : vector<16xi32>
    %ne3A_1288 = arith.constant 0 : i32
    %ne3A_1289 = vector.broadcast %ne3A_1288 : i32 to vector<16xi32>
    %ne3A_1290 = arith.cmpi ne, %rem3A_1287, %ne3A_1289 : vector<16xi32>
    %lt3A_1291 = arith.constant 0 : i32
    %lt3A_1292 = vector.broadcast %lt3A_1291 : i32 to vector<16xi32>
    %lt3A_1293 = arith.cmpi slt, %rem3A_1287, %lt3A_1292 : vector<16xi32>
    %lt3A_1294 = arith.constant 0 : i32
    %lt3A_1295 = arith.cmpi slt, %select_n3A_1285, %lt3A_1294 : i32
    %ne3A_1296 = vector.broadcast %lt3A_1295 : i1 to vector<16xi1>
    %ne3A_1297 = vector.broadcast %ne3A_1296 : vector<16xi1> to vector<16xi1>
    %ne3A_1298 = arith.xori %lt3A_1293, %ne3A_1297 : vector<16xi1>
    %and3A_1299 = arith.andi %ne3A_1298, %ne3A_1290 : vector<16xi1>
    %add3A_1300 = vector.broadcast %select_n3A_1285 : i32 to vector<16xi32>
    %add3A_1301 = arith.addi %rem3A_1287, %add3A_1300 : vector<16xi32>
    %select_n3A_1302 = arith.select %and3A_1299, %add3A_1301, %rem3A_1287 : vector<16xi1>, vector<16xi32>
    %get3A_1303 = arith.constant 304 : index
    %get3A_1304 = tpu.vector_load %arg5[%get3A_1303] {strides = array<i32>} : memref<576xi32, #tpu.memory_space<vmem>>, vector<16xi32>,
    %get3A_1305 = vector.shape_cast %get3A_1304 : vector<16xi32> to vector<16xi32>
    %mul3A_1306 = arith.constant 9 : i32
    %mul3A_1307 = vector.broadcast %mul3A_1306 : i32 to vector<16xi32>
    %mul3A_1308 = arith.muli %get3A_1305, %mul3A_1307 : vector<16xi32>
    %add3A_1309 = arith.addi %mul3A_1308, %select_n3A_1302 : vector<16xi32>
    %mul3A_1310 = arith.constant 2 : i32
    %mul3A_1311 = vector.broadcast %mul3A_1310 : i32 to vector<16xi32>
    %mul3A_1312 = arith.muli %add3A_1309, %mul3A_1311 : vector<16xi32>
    %add3A_1313 = arith.addi %mul3A_1312, %select_n3A_1277 : vector<16xi32>
    %swap3A_1314 = arith.constant 304 : index
    %swap3A_1315 = tpu.vector_load %arg6[%swap3A_1314] {strides = array<i32>} : memref<576xi32, #tpu.memory_space<vmem>>, vector<16xi32>,
    %swap3A_1316 = vector.shape_cast %swap3A_1315 : vector<16xi32> to vector<16xi32>
    %swap3A_1317 = vector.shape_cast %add3A_1313 : vector<16xi32> to vector<16xi32>
    tpu.vector_store %arg6[%swap3A_1314], %swap3A_1317 {strides = array<i32>} : memref<576xi32, #tpu.memory_space<vmem>>, vector<16xi32>,
    %add3A_1318 = arith.constant 320 : i32
    %add3A_1319 = arith.addi %add3A_4, %add3A_1318 : i32
    %add3A_1320 = vector.broadcast %add3A_1319 : i32 to vector<16xi32>
    %add3A_1321 = arith.addi %add3A_1320, %iota3A : vector<16xi32>
    %jit3A_1322 = arith.constant 2 : i32
    %eq3A_1323 = arith.constant 0 : i32
    %eq3A_1324 = arith.cmpi eq, %jit3A_1322, %eq3A_1323 : i32
    %jit3A_1325 = arith.constant 1 : i32
    %select_n3A_1326 = arith.select %eq3A_1324, %jit3A_1325, %jit3A_1322 : i32
    %rem3A_1327 = vector.broadcast %select_n3A_1326 : i32 to vector<16xi32>
    %rem3A_1328 = arith.remsi %add3A_1321, %rem3A_1327 : vector<16xi32>
    %ne3A_1329 = arith.constant 0 : i32
    %ne3A_1330 = vector.broadcast %ne3A_1329 : i32 to vector<16xi32>
    %ne3A_1331 = arith.cmpi ne, %rem3A_1328, %ne3A_1330 : vector<16xi32>
    %lt3A_1332 = arith.constant 0 : i32
    %lt3A_1333 = vector.broadcast %lt3A_1332 : i32 to vector<16xi32>
    %lt3A_1334 = arith.cmpi slt, %rem3A_1328, %lt3A_1333 : vector<16xi32>
    %lt3A_1335 = arith.constant 0 : i32
    %lt3A_1336 = arith.cmpi slt, %select_n3A_1326, %lt3A_1335 : i32
    %ne3A_1337 = vector.broadcast %lt3A_1336 : i1 to vector<16xi1>
    %ne3A_1338 = vector.broadcast %ne3A_1337 : vector<16xi1> to vector<16xi1>
    %ne3A_1339 = arith.xori %lt3A_1334, %ne3A_1338 : vector<16xi1>
    %and3A_1340 = arith.andi %ne3A_1339, %ne3A_1331 : vector<16xi1>
    %add3A_1341 = vector.broadcast %select_n3A_1326 : i32 to vector<16xi32>
    %add3A_1342 = arith.addi %rem3A_1328, %add3A_1341 : vector<16xi32>
    %select_n3A_1343 = arith.select %and3A_1340, %add3A_1342, %rem3A_1328 : vector<16xi1>, vector<16xi32>
    %div3A_1344 = arith.constant 2 : i32
    %div3A_1345 = vector.broadcast %div3A_1344 : i32 to vector<16xi32>
    %div3A_1346 = arith.divsi %add3A_1321, %div3A_1345 : vector<16xi32>
    %jit3A_1347 = arith.constant 9 : i32
    %eq3A_1348 = arith.constant 0 : i32
    %eq3A_1349 = arith.cmpi eq, %jit3A_1347, %eq3A_1348 : i32
    %jit3A_1350 = arith.constant 1 : i32
    %select_n3A_1351 = arith.select %eq3A_1349, %jit3A_1350, %jit3A_1347 : i32
    %rem3A_1352 = vector.broadcast %select_n3A_1351 : i32 to vector<16xi32>
    %rem3A_1353 = arith.remsi %div3A_1346, %rem3A_1352 : vector<16xi32>
    %ne3A_1354 = arith.constant 0 : i32
    %ne3A_1355 = vector.broadcast %ne3A_1354 : i32 to vector<16xi32>
    %ne3A_1356 = arith.cmpi ne, %rem3A_1353, %ne3A_1355 : vector<16xi32>
    %lt3A_1357 = arith.constant 0 : i32
    %lt3A_1358 = vector.broadcast %lt3A_1357 : i32 to vector<16xi32>
    %lt3A_1359 = arith.cmpi slt, %rem3A_1353, %lt3A_1358 : vector<16xi32>
    %lt3A_1360 = arith.constant 0 : i32
    %lt3A_1361 = arith.cmpi slt, %select_n3A_1351, %lt3A_1360 : i32
    %ne3A_1362 = vector.broadcast %lt3A_1361 : i1 to vector<16xi1>
    %ne3A_1363 = vector.broadcast %ne3A_1362 : vector<16xi1> to vector<16xi1>
    %ne3A_1364 = arith.xori %lt3A_1359, %ne3A_1363 : vector<16xi1>
    %and3A_1365 = arith.andi %ne3A_1364, %ne3A_1356 : vector<16xi1>
    %add3A_1366 = vector.broadcast %select_n3A_1351 : i32 to vector<16xi32>
    %add3A_1367 = arith.addi %rem3A_1353, %add3A_1366 : vector<16xi32>
    %select_n3A_1368 = arith.select %and3A_1365, %add3A_1367, %rem3A_1353 : vector<16xi1>, vector<16xi32>
    %get3A_1369 = arith.constant 320 : index
    %get3A_1370 = tpu.vector_load %arg5[%get3A_1369] {strides = array<i32>} : memref<576xi32, #tpu.memory_space<vmem>>, vector<16xi32>,
    %get3A_1371 = vector.shape_cast %get3A_1370 : vector<16xi32> to vector<16xi32>
    %mul3A_1372 = arith.constant 9 : i32
    %mul3A_1373 = vector.broadcast %mul3A_1372 : i32 to vector<16xi32>
    %mul3A_1374 = arith.muli %get3A_1371, %mul3A_1373 : vector<16xi32>
    %add3A_1375 = arith.addi %mul3A_1374, %select_n3A_1368 : vector<16xi32>
    %mul3A_1376 = arith.constant 2 : i32
    %mul3A_1377 = vector.broadcast %mul3A_1376 : i32 to vector<16xi32>
    %mul3A_1378 = arith.muli %add3A_1375, %mul3A_1377 : vector<16xi32>
    %add3A_1379 = arith.addi %mul3A_1378, %select_n3A_1343 : vector<16xi32>
    %swap3A_1380 = arith.constant 320 : index
    %swap3A_1381 = tpu.vector_load %arg6[%swap3A_1380] {strides = array<i32>} : memref<576xi32, #tpu.memory_space<vmem>>, vector<16xi32>,
    %swap3A_1382 = vector.shape_cast %swap3A_1381 : vector<16xi32> to vector<16xi32>
    %swap3A_1383 = vector.shape_cast %add3A_1379 : vector<16xi32> to vector<16xi32>
    tpu.vector_store %arg6[%swap3A_1380], %swap3A_1383 {strides = array<i32>} : memref<576xi32, #tpu.memory_space<vmem>>, vector<16xi32>,
    %add3A_1384 = arith.constant 336 : i32
    %add3A_1385 = arith.addi %add3A_4, %add3A_1384 : i32
    %add3A_1386 = vector.broadcast %add3A_1385 : i32 to vector<16xi32>
    %add3A_1387 = arith.addi %add3A_1386, %iota3A : vector<16xi32>
    %jit3A_1388 = arith.constant 2 : i32
    %eq3A_1389 = arith.constant 0 : i32
    %eq3A_1390 = arith.cmpi eq, %jit3A_1388, %eq3A_1389 : i32
    %jit3A_1391 = arith.constant 1 : i32
    %select_n3A_1392 = arith.select %eq3A_1390, %jit3A_1391, %jit3A_1388 : i32
    %rem3A_1393 = vector.broadcast %select_n3A_1392 : i32 to vector<16xi32>
    %rem3A_1394 = arith.remsi %add3A_1387, %rem3A_1393 : vector<16xi32>
    %ne3A_1395 = arith.constant 0 : i32
    %ne3A_1396 = vector.broadcast %ne3A_1395 : i32 to vector<16xi32>
    %ne3A_1397 = arith.cmpi ne, %rem3A_1394, %ne3A_1396 : vector<16xi32>
    %lt3A_1398 = arith.constant 0 : i32
    %lt3A_1399 = vector.broadcast %lt3A_1398 : i32 to vector<16xi32>
    %lt3A_1400 = arith.cmpi slt, %rem3A_1394, %lt3A_1399 : vector<16xi32>
    %lt3A_1401 = arith.constant 0 : i32
    %lt3A_1402 = arith.cmpi slt, %select_n3A_1392, %lt3A_1401 : i32
    %ne3A_1403 = vector.broadcast %lt3A_1402 : i1 to vector<16xi1>
    %ne3A_1404 = vector.broadcast %ne3A_1403 : vector<16xi1> to vector<16xi1>
    %ne3A_1405 = arith.xori %lt3A_1400, %ne3A_1404 : vector<16xi1>
    %and3A_1406 = arith.andi %ne3A_1405, %ne3A_1397 : vector<16xi1>
    %add3A_1407 = vector.broadcast %select_n3A_1392 : i32 to vector<16xi32>
    %add3A_1408 = arith.addi %rem3A_1394, %add3A_1407 : vector<16xi32>
    %select_n3A_1409 = arith.select %and3A_1406, %add3A_1408, %rem3A_1394 : vector<16xi1>, vector<16xi32>
    %div3A_1410 = arith.constant 2 : i32
    %div3A_1411 = vector.broadcast %div3A_1410 : i32 to vector<16xi32>
    %div3A_1412 = arith.divsi %add3A_1387, %div3A_1411 : vector<16xi32>
    %jit3A_1413 = arith.constant 9 : i32
    %eq3A_1414 = arith.constant 0 : i32
    %eq3A_1415 = arith.cmpi eq, %jit3A_1413, %eq3A_1414 : i32
    %jit3A_1416 = arith.constant 1 : i32
    %select_n3A_1417 = arith.select %eq3A_1415, %jit3A_1416, %jit3A_1413 : i32
    %rem3A_1418 = vector.broadcast %select_n3A_1417 : i32 to vector<16xi32>
    %rem3A_1419 = arith.remsi %div3A_1412, %rem3A_1418 : vector<16xi32>
    %ne3A_1420 = arith.constant 0 : i32
    %ne3A_1421 = vector.broadcast %ne3A_1420 : i32 to vector<16xi32>
    %ne3A_1422 = arith.cmpi ne, %rem3A_1419, %ne3A_1421 : vector<16xi32>
    %lt3A_1423 = arith.constant 0 : i32
    %lt3A_1424 = vector.broadcast %lt3A_1423 : i32 to vector<16xi32>
    %lt3A_1425 = arith.cmpi slt, %rem3A_1419, %lt3A_1424 : vector<16xi32>
    %lt3A_1426 = arith.constant 0 : i32
    %lt3A_1427 = arith.cmpi slt, %select_n3A_1417, %lt3A_1426 : i32
    %ne3A_1428 = vector.broadcast %lt3A_1427 : i1 to vector<16xi1>
    %ne3A_1429 = vector.broadcast %ne3A_1428 : vector<16xi1> to vector<16xi1>
    %ne3A_1430 = arith.xori %lt3A_1425, %ne3A_1429 : vector<16xi1>
    %and3A_1431 = arith.andi %ne3A_1430, %ne3A_1422 : vector<16xi1>
    %add3A_1432 = vector.broadcast %select_n3A_1417 : i32 to vector<16xi32>
    %add3A_1433 = arith.addi %rem3A_1419, %add3A_1432 : vector<16xi32>
    %select_n3A_1434 = arith.select %and3A_1431, %add3A_1433, %rem3A_1419 : vector<16xi1>, vector<16xi32>
    %get3A_1435 = arith.constant 336 : index
    %get3A_1436 = tpu.vector_load %arg5[%get3A_1435] {strides = array<i32>} : memref<576xi32, #tpu.memory_space<vmem>>, vector<16xi32>,
    %get3A_1437 = vector.shape_cast %get3A_1436 : vector<16xi32> to vector<16xi32>
    %mul3A_1438 = arith.constant 9 : i32
    %mul3A_1439 = vector.broadcast %mul3A_1438 : i32 to vector<16xi32>
    %mul3A_1440 = arith.muli %get3A_1437, %mul3A_1439 : vector<16xi32>
    %add3A_1441 = arith.addi %mul3A_1440, %select_n3A_1434 : vector<16xi32>
    %mul3A_1442 = arith.constant 2 : i32
    %mul3A_1443 = vector.broadcast %mul3A_1442 : i32 to vector<16xi32>
    %mul3A_1444 = arith.muli %add3A_1441, %mul3A_1443 : vector<16xi32>
    %add3A_1445 = arith.addi %mul3A_1444, %select_n3A_1409 : vector<16xi32>
    %swap3A_1446 = arith.constant 336 : index
    %swap3A_1447 = tpu.vector_load %arg6[%swap3A_1446] {strides = array<i32>} : memref<576xi32, #tpu.memory_space<vmem>>, vector<16xi32>,
    %swap3A_1448 = vector.shape_cast %swap3A_1447 : vector<16xi32> to vector<16xi32>
    %swap3A_1449 = vector.shape_cast %add3A_1445 : vector<16xi32> to vector<16xi32>
    tpu.vector_store %arg6[%swap3A_1446], %swap3A_1449 {strides = array<i32>} : memref<576xi32, #tpu.memory_space<vmem>>, vector<16xi32>,
    %add3A_1450 = arith.constant 352 : i32
    %add3A_1451 = arith.addi %add3A_4, %add3A_1450 : i32
    %add3A_1452 = vector.broadcast %add3A_1451 : i32 to vector<16xi32>
    %add3A_1453 = arith.addi %add3A_1452, %iota3A : vector<16xi32>
    %jit3A_1454 = arith.constant 2 : i32
    %eq3A_1455 = arith.constant 0 : i32
    %eq3A_1456 = arith.cmpi eq, %jit3A_1454, %eq3A_1455 : i32
    %jit3A_1457 = arith.constant 1 : i32
    %select_n3A_1458 = arith.select %eq3A_1456, %jit3A_1457, %jit3A_1454 : i32
    %rem3A_1459 = vector.broadcast %select_n3A_1458 : i32 to vector<16xi32>
    %rem3A_1460 = arith.remsi %add3A_1453, %rem3A_1459 : vector<16xi32>
    %ne3A_1461 = arith.constant 0 : i32
    %ne3A_1462 = vector.broadcast %ne3A_1461 : i32 to vector<16xi32>
    %ne3A_1463 = arith.cmpi ne, %rem3A_1460, %ne3A_1462 : vector<16xi32>
    %lt3A_1464 = arith.constant 0 : i32
    %lt3A_1465 = vector.broadcast %lt3A_1464 : i32 to vector<16xi32>
    %lt3A_1466 = arith.cmpi slt, %rem3A_1460, %lt3A_1465 : vector<16xi32>
    %lt3A_1467 = arith.constant 0 : i32
    %lt3A_1468 = arith.cmpi slt, %select_n3A_1458, %lt3A_1467 : i32
    %ne3A_1469 = vector.broadcast %lt3A_1468 : i1 to vector<16xi1>
    %ne3A_1470 = vector.broadcast %ne3A_1469 : vector<16xi1> to vector<16xi1>
    %ne3A_1471 = arith.xori %lt3A_1466, %ne3A_1470 : vector<16xi1>
    %and3A_1472 = arith.andi %ne3A_1471, %ne3A_1463 : vector<16xi1>
    %add3A_1473 = vector.broadcast %select_n3A_1458 : i32 to vector<16xi32>
    %add3A_1474 = arith.addi %rem3A_1460, %add3A_1473 : vector<16xi32>
    %select_n3A_1475 = arith.select %and3A_1472, %add3A_1474, %rem3A_1460 : vector<16xi1>, vector<16xi32>
    %div3A_1476 = arith.constant 2 : i32
    %div3A_1477 = vector.broadcast %div3A_1476 : i32 to vector<16xi32>
    %div3A_1478 = arith.divsi %add3A_1453, %div3A_1477 : vector<16xi32>
    %jit3A_1479 = arith.constant 9 : i32
    %eq3A_1480 = arith.constant 0 : i32
    %eq3A_1481 = arith.cmpi eq, %jit3A_1479, %eq3A_1480 : i32
    %jit3A_1482 = arith.constant 1 : i32
    %select_n3A_1483 = arith.select %eq3A_1481, %jit3A_1482, %jit3A_1479 : i32
    %rem3A_1484 = vector.broadcast %select_n3A_1483 : i32 to vector<16xi32>
    %rem3A_1485 = arith.remsi %div3A_1478, %rem3A_1484 : vector<16xi32>
    %ne3A_1486 = arith.constant 0 : i32
    %ne3A_1487 = vector.broadcast %ne3A_1486 : i32 to vector<16xi32>
    %ne3A_1488 = arith.cmpi ne, %rem3A_1485, %ne3A_1487 : vector<16xi32>
    %lt3A_1489 = arith.constant 0 : i32
    %lt3A_1490 = vector.broadcast %lt3A_1489 : i32 to vector<16xi32>
    %lt3A_1491 = arith.cmpi slt, %rem3A_1485, %lt3A_1490 : vector<16xi32>
    %lt3A_1492 = arith.constant 0 : i32
    %lt3A_1493 = arith.cmpi slt, %select_n3A_1483, %lt3A_1492 : i32
    %ne3A_1494 = vector.broadcast %lt3A_1493 : i1 to vector<16xi1>
    %ne3A_1495 = vector.broadcast %ne3A_1494 : vector<16xi1> to vector<16xi1>
    %ne3A_1496 = arith.xori %lt3A_1491, %ne3A_1495 : vector<16xi1>
    %and3A_1497 = arith.andi %ne3A_1496, %ne3A_1488 : vector<16xi1>
    %add3A_1498 = vector.broadcast %select_n3A_1483 : i32 to vector<16xi32>
    %add3A_1499 = arith.addi %rem3A_1485, %add3A_1498 : vector<16xi32>
    %select_n3A_1500 = arith.select %and3A_1497, %add3A_1499, %rem3A_1485 : vector<16xi1>, vector<16xi32>
    %get3A_1501 = arith.constant 352 : index
    %get3A_1502 = tpu.vector_load %arg5[%get3A_1501] {strides = array<i32>} : memref<576xi32, #tpu.memory_space<vmem>>, vector<16xi32>,
    %get3A_1503 = vector.shape_cast %get3A_1502 : vector<16xi32> to vector<16xi32>
    %mul3A_1504 = arith.constant 9 : i32
    %mul3A_1505 = vector.broadcast %mul3A_1504 : i32 to vector<16xi32>
    %mul3A_1506 = arith.muli %get3A_1503, %mul3A_1505 : vector<16xi32>
    %add3A_1507 = arith.addi %mul3A_1506, %select_n3A_1500 : vector<16xi32>
    %mul3A_1508 = arith.constant 2 : i32
    %mul3A_1509 = vector.broadcast %mul3A_1508 : i32 to vector<16xi32>
    %mul3A_1510 = arith.muli %add3A_1507, %mul3A_1509 : vector<16xi32>
    %add3A_1511 = arith.addi %mul3A_1510, %select_n3A_1475 : vector<16xi32>
    %swap3A_1512 = arith.constant 352 : index
    %swap3A_1513 = tpu.vector_load %arg6[%swap3A_1512] {strides = array<i32>} : memref<576xi32, #tpu.memory_space<vmem>>, vector<16xi32>,
    %swap3A_1514 = vector.shape_cast %swap3A_1513 : vector<16xi32> to vector<16xi32>
    %swap3A_1515 = vector.shape_cast %add3A_1511 : vector<16xi32> to vector<16xi32>
    tpu.vector_store %arg6[%swap3A_1512], %swap3A_1515 {strides = array<i32>} : memref<576xi32, #tpu.memory_space<vmem>>, vector<16xi32>,
    %add3A_1516 = arith.constant 368 : i32
    %add3A_1517 = arith.addi %add3A_4, %add3A_1516 : i32
    %add3A_1518 = vector.broadcast %add3A_1517 : i32 to vector<16xi32>
    %add3A_1519 = arith.addi %add3A_1518, %iota3A : vector<16xi32>
    %jit3A_1520 = arith.constant 2 : i32
    %eq3A_1521 = arith.constant 0 : i32
    %eq3A_1522 = arith.cmpi eq, %jit3A_1520, %eq3A_1521 : i32
    %jit3A_1523 = arith.constant 1 : i32
    %select_n3A_1524 = arith.select %eq3A_1522, %jit3A_1523, %jit3A_1520 : i32
    %rem3A_1525 = vector.broadcast %select_n3A_1524 : i32 to vector<16xi32>
    %rem3A_1526 = arith.remsi %add3A_1519, %rem3A_1525 : vector<16xi32>
    %ne3A_1527 = arith.constant 0 : i32
    %ne3A_1528 = vector.broadcast %ne3A_1527 : i32 to vector<16xi32>
    %ne3A_1529 = arith.cmpi ne, %rem3A_1526, %ne3A_1528 : vector<16xi32>
    %lt3A_1530 = arith.constant 0 : i32
    %lt3A_1531 = vector.broadcast %lt3A_1530 : i32 to vector<16xi32>
    %lt3A_1532 = arith.cmpi slt, %rem3A_1526, %lt3A_1531 : vector<16xi32>
    %lt3A_1533 = arith.constant 0 : i32
    %lt3A_1534 = arith.cmpi slt, %select_n3A_1524, %lt3A_1533 : i32
    %ne3A_1535 = vector.broadcast %lt3A_1534 : i1 to vector<16xi1>
    %ne3A_1536 = vector.broadcast %ne3A_1535 : vector<16xi1> to vector<16xi1>
    %ne3A_1537 = arith.xori %lt3A_1532, %ne3A_1536 : vector<16xi1>
    %and3A_1538 = arith.andi %ne3A_1537, %ne3A_1529 : vector<16xi1>
    %add3A_1539 = vector.broadcast %select_n3A_1524 : i32 to vector<16xi32>
    %add3A_1540 = arith.addi %rem3A_1526, %add3A_1539 : vector<16xi32>
    %select_n3A_1541 = arith.select %and3A_1538, %add3A_1540, %rem3A_1526 : vector<16xi1>, vector<16xi32>
    %div3A_1542 = arith.constant 2 : i32
    %div3A_1543 = vector.broadcast %div3A_1542 : i32 to vector<16xi32>
    %div3A_1544 = arith.divsi %add3A_1519, %div3A_1543 : vector<16xi32>
    %jit3A_1545 = arith.constant 9 : i32
    %eq3A_1546 = arith.constant 0 : i32
    %eq3A_1547 = arith.cmpi eq, %jit3A_1545, %eq3A_1546 : i32
    %jit3A_1548 = arith.constant 1 : i32
    %select_n3A_1549 = arith.select %eq3A_1547, %jit3A_1548, %jit3A_1545 : i32
    %rem3A_1550 = vector.broadcast %select_n3A_1549 : i32 to vector<16xi32>
    %rem3A_1551 = arith.remsi %div3A_1544, %rem3A_1550 : vector<16xi32>
    %ne3A_1552 = arith.constant 0 : i32
    %ne3A_1553 = vector.broadcast %ne3A_1552 : i32 to vector<16xi32>
    %ne3A_1554 = arith.cmpi ne, %rem3A_1551, %ne3A_1553 : vector<16xi32>
    %lt3A_1555 = arith.constant 0 : i32
    %lt3A_1556 = vector.broadcast %lt3A_1555 : i32 to vector<16xi32>
    %lt3A_1557 = arith.cmpi slt, %rem3A_1551, %lt3A_1556 : vector<16xi32>
    %lt3A_1558 = arith.constant 0 : i32
    %lt3A_1559 = arith.cmpi slt, %select_n3A_1549, %lt3A_1558 : i32
    %ne3A_1560 = vector.broadcast %lt3A_1559 : i1 to vector<16xi1>
    %ne3A_1561 = vector.broadcast %ne3A_1560 : vector<16xi1> to vector<16xi1>
    %ne3A_1562 = arith.xori %lt3A_1557, %ne3A_1561 : vector<16xi1>
    %and3A_1563 = arith.andi %ne3A_1562, %ne3A_1554 : vector<16xi1>
    %add3A_1564 = vector.broadcast %select_n3A_1549 : i32 to vector<16xi32>
    %add3A_1565 = arith.addi %rem3A_1551, %add3A_1564 : vector<16xi32>
    %select_n3A_1566 = arith.select %and3A_1563, %add3A_1565, %rem3A_1551 : vector<16xi1>, vector<16xi32>
    %get3A_1567 = arith.constant 368 : index
    %get3A_1568 = tpu.vector_load %arg5[%get3A_1567] {strides = array<i32>} : memref<576xi32, #tpu.memory_space<vmem>>, vector<16xi32>,
    %get3A_1569 = vector.shape_cast %get3A_1568 : vector<16xi32> to vector<16xi32>
    %mul3A_1570 = arith.constant 9 : i32
    %mul3A_1571 = vector.broadcast %mul3A_1570 : i32 to vector<16xi32>
    %mul3A_1572 = arith.muli %get3A_1569, %mul3A_1571 : vector<16xi32>
    %add3A_1573 = arith.addi %mul3A_1572, %select_n3A_1566 : vector<16xi32>
    %mul3A_1574 = arith.constant 2 : i32
    %mul3A_1575 = vector.broadcast %mul3A_1574 : i32 to vector<16xi32>
    %mul3A_1576 = arith.muli %add3A_1573, %mul3A_1575 : vector<16xi32>
    %add3A_1577 = arith.addi %mul3A_1576, %select_n3A_1541 : vector<16xi32>
    %swap3A_1578 = arith.constant 368 : index
    %swap3A_1579 = tpu.vector_load %arg6[%swap3A_1578] {strides = array<i32>} : memref<576xi32, #tpu.memory_space<vmem>>, vector<16xi32>,
    %swap3A_1580 = vector.shape_cast %swap3A_1579 : vector<16xi32> to vector<16xi32>
    %swap3A_1581 = vector.shape_cast %add3A_1577 : vector<16xi32> to vector<16xi32>
    tpu.vector_store %arg6[%swap3A_1578], %swap3A_1581 {strides = array<i32>} : memref<576xi32, #tpu.memory_space<vmem>>, vector<16xi32>,
    %add3A_1582 = arith.constant 384 : i32
    %add3A_1583 = arith.addi %add3A_4, %add3A_1582 : i32
    %add3A_1584 = vector.broadcast %add3A_1583 : i32 to vector<16xi32>
    %add3A_1585 = arith.addi %add3A_1584, %iota3A : vector<16xi32>
    %jit3A_1586 = arith.constant 2 : i32
    %eq3A_1587 = arith.constant 0 : i32
    %eq3A_1588 = arith.cmpi eq, %jit3A_1586, %eq3A_1587 : i32
    %jit3A_1589 = arith.constant 1 : i32
    %select_n3A_1590 = arith.select %eq3A_1588, %jit3A_1589, %jit3A_1586 : i32
    %rem3A_1591 = vector.broadcast %select_n3A_1590 : i32 to vector<16xi32>
    %rem3A_1592 = arith.remsi %add3A_1585, %rem3A_1591 : vector<16xi32>
    %ne3A_1593 = arith.constant 0 : i32
    %ne3A_1594 = vector.broadcast %ne3A_1593 : i32 to vector<16xi32>
    %ne3A_1595 = arith.cmpi ne, %rem3A_1592, %ne3A_1594 : vector<16xi32>
    %lt3A_1596 = arith.constant 0 : i32
    %lt3A_1597 = vector.broadcast %lt3A_1596 : i32 to vector<16xi32>
    %lt3A_1598 = arith.cmpi slt, %rem3A_1592, %lt3A_1597 : vector<16xi32>
    %lt3A_1599 = arith.constant 0 : i32
    %lt3A_1600 = arith.cmpi slt, %select_n3A_1590, %lt3A_1599 : i32
    %ne3A_1601 = vector.broadcast %lt3A_1600 : i1 to vector<16xi1>
    %ne3A_1602 = vector.broadcast %ne3A_1601 : vector<16xi1> to vector<16xi1>
    %ne3A_1603 = arith.xori %lt3A_1598, %ne3A_1602 : vector<16xi1>
    %and3A_1604 = arith.andi %ne3A_1603, %ne3A_1595 : vector<16xi1>
    %add3A_1605 = vector.broadcast %select_n3A_1590 : i32 to vector<16xi32>
    %add3A_1606 = arith.addi %rem3A_1592, %add3A_1605 : vector<16xi32>
    %select_n3A_1607 = arith.select %and3A_1604, %add3A_1606, %rem3A_1592 : vector<16xi1>, vector<16xi32>
    %div3A_1608 = arith.constant 2 : i32
    %div3A_1609 = vector.broadcast %div3A_1608 : i32 to vector<16xi32>
    %div3A_1610 = arith.divsi %add3A_1585, %div3A_1609 : vector<16xi32>
    %jit3A_1611 = arith.constant 9 : i32
    %eq3A_1612 = arith.constant 0 : i32
    %eq3A_1613 = arith.cmpi eq, %jit3A_1611, %eq3A_1612 : i32
    %jit3A_1614 = arith.constant 1 : i32
    %select_n3A_1615 = arith.select %eq3A_1613, %jit3A_1614, %jit3A_1611 : i32
    %rem3A_1616 = vector.broadcast %select_n3A_1615 : i32 to vector<16xi32>
    %rem3A_1617 = arith.remsi %div3A_1610, %rem3A_1616 : vector<16xi32>
    %ne3A_1618 = arith.constant 0 : i32
    %ne3A_1619 = vector.broadcast %ne3A_1618 : i32 to vector<16xi32>
    %ne3A_1620 = arith.cmpi ne, %rem3A_1617, %ne3A_1619 : vector<16xi32>
    %lt3A_1621 = arith.constant 0 : i32
    %lt3A_1622 = vector.broadcast %lt3A_1621 : i32 to vector<16xi32>
    %lt3A_1623 = arith.cmpi slt, %rem3A_1617, %lt3A_1622 : vector<16xi32>
    %lt3A_1624 = arith.constant 0 : i32
    %lt3A_1625 = arith.cmpi slt, %select_n3A_1615, %lt3A_1624 : i32
    %ne3A_1626 = vector.broadcast %lt3A_1625 : i1 to vector<16xi1>
    %ne3A_1627 = vector.broadcast %ne3A_1626 : vector<16xi1> to vector<16xi1>
    %ne3A_1628 = arith.xori %lt3A_1623, %ne3A_1627 : vector<16xi1>
    %and3A_1629 = arith.andi %ne3A_1628, %ne3A_1620 : vector<16xi1>
    %add3A_1630 = vector.broadcast %select_n3A_1615 : i32 to vector<16xi32>
    %add3A_1631 = arith.addi %rem3A_1617, %add3A_1630 : vector<16xi32>
    %select_n3A_1632 = arith.select %and3A_1629, %add3A_1631, %rem3A_1617 : vector<16xi1>, vector<16xi32>
    %get3A_1633 = arith.constant 384 : index
    %get3A_1634 = tpu.vector_load %arg5[%get3A_1633] {strides = array<i32>} : memref<576xi32, #tpu.memory_space<vmem>>, vector<16xi32>,
    %get3A_1635 = vector.shape_cast %get3A_1634 : vector<16xi32> to vector<16xi32>
    %mul3A_1636 = arith.constant 9 : i32
    %mul3A_1637 = vector.broadcast %mul3A_1636 : i32 to vector<16xi32>
    %mul3A_1638 = arith.muli %get3A_1635, %mul3A_1637 : vector<16xi32>
    %add3A_1639 = arith.addi %mul3A_1638, %select_n3A_1632 : vector<16xi32>
    %mul3A_1640 = arith.constant 2 : i32
    %mul3A_1641 = vector.broadcast %mul3A_1640 : i32 to vector<16xi32>
    %mul3A_1642 = arith.muli %add3A_1639, %mul3A_1641 : vector<16xi32>
    %add3A_1643 = arith.addi %mul3A_1642, %select_n3A_1607 : vector<16xi32>
    %swap3A_1644 = arith.constant 384 : index
    %swap3A_1645 = tpu.vector_load %arg6[%swap3A_1644] {strides = array<i32>} : memref<576xi32, #tpu.memory_space<vmem>>, vector<16xi32>,
    %swap3A_1646 = vector.shape_cast %swap3A_1645 : vector<16xi32> to vector<16xi32>
    %swap3A_1647 = vector.shape_cast %add3A_1643 : vector<16xi32> to vector<16xi32>
    tpu.vector_store %arg6[%swap3A_1644], %swap3A_1647 {strides = array<i32>} : memref<576xi32, #tpu.memory_space<vmem>>, vector<16xi32>,
    %add3A_1648 = arith.constant 400 : i32
    %add3A_1649 = arith.addi %add3A_4, %add3A_1648 : i32
    %add3A_1650 = vector.broadcast %add3A_1649 : i32 to vector<16xi32>
    %add3A_1651 = arith.addi %add3A_1650, %iota3A : vector<16xi32>
    %jit3A_1652 = arith.constant 2 : i32
    %eq3A_1653 = arith.constant 0 : i32
    %eq3A_1654 = arith.cmpi eq, %jit3A_1652, %eq3A_1653 : i32
    %jit3A_1655 = arith.constant 1 : i32
    %select_n3A_1656 = arith.select %eq3A_1654, %jit3A_1655, %jit3A_1652 : i32
    %rem3A_1657 = vector.broadcast %select_n3A_1656 : i32 to vector<16xi32>
    %rem3A_1658 = arith.remsi %add3A_1651, %rem3A_1657 : vector<16xi32>
    %ne3A_1659 = arith.constant 0 : i32
    %ne3A_1660 = vector.broadcast %ne3A_1659 : i32 to vector<16xi32>
    %ne3A_1661 = arith.cmpi ne, %rem3A_1658, %ne3A_1660 : vector<16xi32>
    %lt3A_1662 = arith.constant 0 : i32
    %lt3A_1663 = vector.broadcast %lt3A_1662 : i32 to vector<16xi32>
    %lt3A_1664 = arith.cmpi slt, %rem3A_1658, %lt3A_1663 : vector<16xi32>
    %lt3A_1665 = arith.constant 0 : i32
    %lt3A_1666 = arith.cmpi slt, %select_n3A_1656, %lt3A_1665 : i32
    %ne3A_1667 = vector.broadcast %lt3A_1666 : i1 to vector<16xi1>
    %ne3A_1668 = vector.broadcast %ne3A_1667 : vector<16xi1> to vector<16xi1>
    %ne3A_1669 = arith.xori %lt3A_1664, %ne3A_1668 : vector<16xi1>
    %and3A_1670 = arith.andi %ne3A_1669, %ne3A_1661 : vector<16xi1>
    %add3A_1671 = vector.broadcast %select_n3A_1656 : i32 to vector<16xi32>
    %add3A_1672 = arith.addi %rem3A_1658, %add3A_1671 : vector<16xi32>
    %select_n3A_1673 = arith.select %and3A_1670, %add3A_1672, %rem3A_1658 : vector<16xi1>, vector<16xi32>
    %div3A_1674 = arith.constant 2 : i32
    %div3A_1675 = vector.broadcast %div3A_1674 : i32 to vector<16xi32>
    %div3A_1676 = arith.divsi %add3A_1651, %div3A_1675 : vector<16xi32>
    %jit3A_1677 = arith.constant 9 : i32
    %eq3A_1678 = arith.constant 0 : i32
    %eq3A_1679 = arith.cmpi eq, %jit3A_1677, %eq3A_1678 : i32
    %jit3A_1680 = arith.constant 1 : i32
    %select_n3A_1681 = arith.select %eq3A_1679, %jit3A_1680, %jit3A_1677 : i32
    %rem3A_1682 = vector.broadcast %select_n3A_1681 : i32 to vector<16xi32>
    %rem3A_1683 = arith.remsi %div3A_1676, %rem3A_1682 : vector<16xi32>
    %ne3A_1684 = arith.constant 0 : i32
    %ne3A_1685 = vector.broadcast %ne3A_1684 : i32 to vector<16xi32>
    %ne3A_1686 = arith.cmpi ne, %rem3A_1683, %ne3A_1685 : vector<16xi32>
    %lt3A_1687 = arith.constant 0 : i32
    %lt3A_1688 = vector.broadcast %lt3A_1687 : i32 to vector<16xi32>
    %lt3A_1689 = arith.cmpi slt, %rem3A_1683, %lt3A_1688 : vector<16xi32>
    %lt3A_1690 = arith.constant 0 : i32
    %lt3A_1691 = arith.cmpi slt, %select_n3A_1681, %lt3A_1690 : i32
    %ne3A_1692 = vector.broadcast %lt3A_1691 : i1 to vector<16xi1>
    %ne3A_1693 = vector.broadcast %ne3A_1692 : vector<16xi1> to vector<16xi1>
    %ne3A_1694 = arith.xori %lt3A_1689, %ne3A_1693 : vector<16xi1>
    %and3A_1695 = arith.andi %ne3A_1694, %ne3A_1686 : vector<16xi1>
    %add3A_1696 = vector.broadcast %select_n3A_1681 : i32 to vector<16xi32>
    %add3A_1697 = arith.addi %rem3A_1683, %add3A_1696 : vector<16xi32>
    %select_n3A_1698 = arith.select %and3A_1695, %add3A_1697, %rem3A_1683 : vector<16xi1>, vector<16xi32>
    %get3A_1699 = arith.constant 400 : index
    %get3A_1700 = tpu.vector_load %arg5[%get3A_1699] {strides = array<i32>} : memref<576xi32, #tpu.memory_space<vmem>>, vector<16xi32>,
    %get3A_1701 = vector.shape_cast %get3A_1700 : vector<16xi32> to vector<16xi32>
    %mul3A_1702 = arith.constant 9 : i32
    %mul3A_1703 = vector.broadcast %mul3A_1702 : i32 to vector<16xi32>
    %mul3A_1704 = arith.muli %get3A_1701, %mul3A_1703 : vector<16xi32>
    %add3A_1705 = arith.addi %mul3A_1704, %select_n3A_1698 : vector<16xi32>
    %mul3A_1706 = arith.constant 2 : i32
    %mul3A_1707 = vector.broadcast %mul3A_1706 : i32 to vector<16xi32>
    %mul3A_1708 = arith.muli %add3A_1705, %mul3A_1707 : vector<16xi32>
    %add3A_1709 = arith.addi %mul3A_1708, %select_n3A_1673 : vector<16xi32>
    %swap3A_1710 = arith.constant 400 : index
    %swap3A_1711 = tpu.vector_load %arg6[%swap3A_1710] {strides = array<i32>} : memref<576xi32, #tpu.memory_space<vmem>>, vector<16xi32>,
    %swap3A_1712 = vector.shape_cast %swap3A_1711 : vector<16xi32> to vector<16xi32>
    %swap3A_1713 = vector.shape_cast %add3A_1709 : vector<16xi32> to vector<16xi32>
    tpu.vector_store %arg6[%swap3A_1710], %swap3A_1713 {strides = array<i32>} : memref<576xi32, #tpu.memory_space<vmem>>, vector<16xi32>,
    %add3A_1714 = arith.constant 416 : i32
    %add3A_1715 = arith.addi %add3A_4, %add3A_1714 : i32
    %add3A_1716 = vector.broadcast %add3A_1715 : i32 to vector<16xi32>
    %add3A_1717 = arith.addi %add3A_1716, %iota3A : vector<16xi32>
    %jit3A_1718 = arith.constant 2 : i32
    %eq3A_1719 = arith.constant 0 : i32
    %eq3A_1720 = arith.cmpi eq, %jit3A_1718, %eq3A_1719 : i32
    %jit3A_1721 = arith.constant 1 : i32
    %select_n3A_1722 = arith.select %eq3A_1720, %jit3A_1721, %jit3A_1718 : i32
    %rem3A_1723 = vector.broadcast %select_n3A_1722 : i32 to vector<16xi32>
    %rem3A_1724 = arith.remsi %add3A_1717, %rem3A_1723 : vector<16xi32>
    %ne3A_1725 = arith.constant 0 : i32
    %ne3A_1726 = vector.broadcast %ne3A_1725 : i32 to vector<16xi32>
    %ne3A_1727 = arith.cmpi ne, %rem3A_1724, %ne3A_1726 : vector<16xi32>
    %lt3A_1728 = arith.constant 0 : i32
    %lt3A_1729 = vector.broadcast %lt3A_1728 : i32 to vector<16xi32>
    %lt3A_1730 = arith.cmpi slt, %rem3A_1724, %lt3A_1729 : vector<16xi32>
    %lt3A_1731 = arith.constant 0 : i32
    %lt3A_1732 = arith.cmpi slt, %select_n3A_1722, %lt3A_1731 : i32
    %ne3A_1733 = vector.broadcast %lt3A_1732 : i1 to vector<16xi1>
    %ne3A_1734 = vector.broadcast %ne3A_1733 : vector<16xi1> to vector<16xi1>
    %ne3A_1735 = arith.xori %lt3A_1730, %ne3A_1734 : vector<16xi1>
    %and3A_1736 = arith.andi %ne3A_1735, %ne3A_1727 : vector<16xi1>
    %add3A_1737 = vector.broadcast %select_n3A_1722 : i32 to vector<16xi32>
    %add3A_1738 = arith.addi %rem3A_1724, %add3A_1737 : vector<16xi32>
    %select_n3A_1739 = arith.select %and3A_1736, %add3A_1738, %rem3A_1724 : vector<16xi1>, vector<16xi32>
    %div3A_1740 = arith.constant 2 : i32
    %div3A_1741 = vector.broadcast %div3A_1740 : i32 to vector<16xi32>
    %div3A_1742 = arith.divsi %add3A_1717, %div3A_1741 : vector<16xi32>
    %jit3A_1743 = arith.constant 9 : i32
    %eq3A_1744 = arith.constant 0 : i32
    %eq3A_1745 = arith.cmpi eq, %jit3A_1743, %eq3A_1744 : i32
    %jit3A_1746 = arith.constant 1 : i32
    %select_n3A_1747 = arith.select %eq3A_1745, %jit3A_1746, %jit3A_1743 : i32
    %rem3A_1748 = vector.broadcast %select_n3A_1747 : i32 to vector<16xi32>
    %rem3A_1749 = arith.remsi %div3A_1742, %rem3A_1748 : vector<16xi32>
    %ne3A_1750 = arith.constant 0 : i32
    %ne3A_1751 = vector.broadcast %ne3A_1750 : i32 to vector<16xi32>
    %ne3A_1752 = arith.cmpi ne, %rem3A_1749, %ne3A_1751 : vector<16xi32>
    %lt3A_1753 = arith.constant 0 : i32
    %lt3A_1754 = vector.broadcast %lt3A_1753 : i32 to vector<16xi32>
    %lt3A_1755 = arith.cmpi slt, %rem3A_1749, %lt3A_1754 : vector<16xi32>
    %lt3A_1756 = arith.constant 0 : i32
    %lt3A_1757 = arith.cmpi slt, %select_n3A_1747, %lt3A_1756 : i32
    %ne3A_1758 = vector.broadcast %lt3A_1757 : i1 to vector<16xi1>
    %ne3A_1759 = vector.broadcast %ne3A_1758 : vector<16xi1> to vector<16xi1>
    %ne3A_1760 = arith.xori %lt3A_1755, %ne3A_1759 : vector<16xi1>
    %and3A_1761 = arith.andi %ne3A_1760, %ne3A_1752 : vector<16xi1>
    %add3A_1762 = vector.broadcast %select_n3A_1747 : i32 to vector<16xi32>
    %add3A_1763 = arith.addi %rem3A_1749, %add3A_1762 : vector<16xi32>
    %select_n3A_1764 = arith.select %and3A_1761, %add3A_1763, %rem3A_1749 : vector<16xi1>, vector<16xi32>
    %get3A_1765 = arith.constant 416 : index
    %get3A_1766 = tpu.vector_load %arg5[%get3A_1765] {strides = array<i32>} : memref<576xi32, #tpu.memory_space<vmem>>, vector<16xi32>,
    %get3A_1767 = vector.shape_cast %get3A_1766 : vector<16xi32> to vector<16xi32>
    %mul3A_1768 = arith.constant 9 : i32
    %mul3A_1769 = vector.broadcast %mul3A_1768 : i32 to vector<16xi32>
    %mul3A_1770 = arith.muli %get3A_1767, %mul3A_1769 : vector<16xi32>
    %add3A_1771 = arith.addi %mul3A_1770, %select_n3A_1764 : vector<16xi32>
    %mul3A_1772 = arith.constant 2 : i32
    %mul3A_1773 = vector.broadcast %mul3A_1772 : i32 to vector<16xi32>
    %mul3A_1774 = arith.muli %add3A_1771, %mul3A_1773 : vector<16xi32>
    %add3A_1775 = arith.addi %mul3A_1774, %select_n3A_1739 : vector<16xi32>
    %swap3A_1776 = arith.constant 416 : index
    %swap3A_1777 = tpu.vector_load %arg6[%swap3A_1776] {strides = array<i32>} : memref<576xi32, #tpu.memory_space<vmem>>, vector<16xi32>,
    %swap3A_1778 = vector.shape_cast %swap3A_1777 : vector<16xi32> to vector<16xi32>
    %swap3A_1779 = vector.shape_cast %add3A_1775 : vector<16xi32> to vector<16xi32>
    tpu.vector_store %arg6[%swap3A_1776], %swap3A_1779 {strides = array<i32>} : memref<576xi32, #tpu.memory_space<vmem>>, vector<16xi32>,
    %add3A_1780 = arith.constant 432 : i32
    %add3A_1781 = arith.addi %add3A_4, %add3A_1780 : i32
    %add3A_1782 = vector.broadcast %add3A_1781 : i32 to vector<16xi32>
    %add3A_1783 = arith.addi %add3A_1782, %iota3A : vector<16xi32>
    %jit3A_1784 = arith.constant 2 : i32
    %eq3A_1785 = arith.constant 0 : i32
    %eq3A_1786 = arith.cmpi eq, %jit3A_1784, %eq3A_1785 : i32
    %jit3A_1787 = arith.constant 1 : i32
    %select_n3A_1788 = arith.select %eq3A_1786, %jit3A_1787, %jit3A_1784 : i32
    %rem3A_1789 = vector.broadcast %select_n3A_1788 : i32 to vector<16xi32>
    %rem3A_1790 = arith.remsi %add3A_1783, %rem3A_1789 : vector<16xi32>
    %ne3A_1791 = arith.constant 0 : i32
    %ne3A_1792 = vector.broadcast %ne3A_1791 : i32 to vector<16xi32>
    %ne3A_1793 = arith.cmpi ne, %rem3A_1790, %ne3A_1792 : vector<16xi32>
    %lt3A_1794 = arith.constant 0 : i32
    %lt3A_1795 = vector.broadcast %lt3A_1794 : i32 to vector<16xi32>
    %lt3A_1796 = arith.cmpi slt, %rem3A_1790, %lt3A_1795 : vector<16xi32>
    %lt3A_1797 = arith.constant 0 : i32
    %lt3A_1798 = arith.cmpi slt, %select_n3A_1788, %lt3A_1797 : i32
    %ne3A_1799 = vector.broadcast %lt3A_1798 : i1 to vector<16xi1>
    %ne3A_1800 = vector.broadcast %ne3A_1799 : vector<16xi1> to vector<16xi1>
    %ne3A_1801 = arith.xori %lt3A_1796, %ne3A_1800 : vector<16xi1>
    %and3A_1802 = arith.andi %ne3A_1801, %ne3A_1793 : vector<16xi1>
    %add3A_1803 = vector.broadcast %select_n3A_1788 : i32 to vector<16xi32>
    %add3A_1804 = arith.addi %rem3A_1790, %add3A_1803 : vector<16xi32>
    %select_n3A_1805 = arith.select %and3A_1802, %add3A_1804, %rem3A_1790 : vector<16xi1>, vector<16xi32>
    %div3A_1806 = arith.constant 2 : i32
    %div3A_1807 = vector.broadcast %div3A_1806 : i32 to vector<16xi32>
    %div3A_1808 = arith.divsi %add3A_1783, %div3A_1807 : vector<16xi32>
    %jit3A_1809 = arith.constant 9 : i32
    %eq3A_1810 = arith.constant 0 : i32
    %eq3A_1811 = arith.cmpi eq, %jit3A_1809, %eq3A_1810 : i32
    %jit3A_1812 = arith.constant 1 : i32
    %select_n3A_1813 = arith.select %eq3A_1811, %jit3A_1812, %jit3A_1809 : i32
    %rem3A_1814 = vector.broadcast %select_n3A_1813 : i32 to vector<16xi32>
    %rem3A_1815 = arith.remsi %div3A_1808, %rem3A_1814 : vector<16xi32>
    %ne3A_1816 = arith.constant 0 : i32
    %ne3A_1817 = vector.broadcast %ne3A_1816 : i32 to vector<16xi32>
    %ne3A_1818 = arith.cmpi ne, %rem3A_1815, %ne3A_1817 : vector<16xi32>
    %lt3A_1819 = arith.constant 0 : i32
    %lt3A_1820 = vector.broadcast %lt3A_1819 : i32 to vector<16xi32>
    %lt3A_1821 = arith.cmpi slt, %rem3A_1815, %lt3A_1820 : vector<16xi32>
    %lt3A_1822 = arith.constant 0 : i32
    %lt3A_1823 = arith.cmpi slt, %select_n3A_1813, %lt3A_1822 : i32
    %ne3A_1824 = vector.broadcast %lt3A_1823 : i1 to vector<16xi1>
    %ne3A_1825 = vector.broadcast %ne3A_1824 : vector<16xi1> to vector<16xi1>
    %ne3A_1826 = arith.xori %lt3A_1821, %ne3A_1825 : vector<16xi1>
    %and3A_1827 = arith.andi %ne3A_1826, %ne3A_1818 : vector<16xi1>
    %add3A_1828 = vector.broadcast %select_n3A_1813 : i32 to vector<16xi32>
    %add3A_1829 = arith.addi %rem3A_1815, %add3A_1828 : vector<16xi32>
    %select_n3A_1830 = arith.select %and3A_1827, %add3A_1829, %rem3A_1815 : vector<16xi1>, vector<16xi32>
    %get3A_1831 = arith.constant 432 : index
    %get3A_1832 = tpu.vector_load %arg5[%get3A_1831] {strides = array<i32>} : memref<576xi32, #tpu.memory_space<vmem>>, vector<16xi32>,
    %get3A_1833 = vector.shape_cast %get3A_1832 : vector<16xi32> to vector<16xi32>
    %mul3A_1834 = arith.constant 9 : i32
    %mul3A_1835 = vector.broadcast %mul3A_1834 : i32 to vector<16xi32>
    %mul3A_1836 = arith.muli %get3A_1833, %mul3A_1835 : vector<16xi32>
    %add3A_1837 = arith.addi %mul3A_1836, %select_n3A_1830 : vector<16xi32>
    %mul3A_1838 = arith.constant 2 : i32
    %mul3A_1839 = vector.broadcast %mul3A_1838 : i32 to vector<16xi32>
    %mul3A_1840 = arith.muli %add3A_1837, %mul3A_1839 : vector<16xi32>
    %add3A_1841 = arith.addi %mul3A_1840, %select_n3A_1805 : vector<16xi32>
    %swap3A_1842 = arith.constant 432 : index
    %swap3A_1843 = tpu.vector_load %arg6[%swap3A_1842] {strides = array<i32>} : memref<576xi32, #tpu.memory_space<vmem>>, vector<16xi32>,
    %swap3A_1844 = vector.shape_cast %swap3A_1843 : vector<16xi32> to vector<16xi32>
    %swap3A_1845 = vector.shape_cast %add3A_1841 : vector<16xi32> to vector<16xi32>
    tpu.vector_store %arg6[%swap3A_1842], %swap3A_1845 {strides = array<i32>} : memref<576xi32, #tpu.memory_space<vmem>>, vector<16xi32>,
    %add3A_1846 = arith.constant 448 : i32
    %add3A_1847 = arith.addi %add3A_4, %add3A_1846 : i32
    %add3A_1848 = vector.broadcast %add3A_1847 : i32 to vector<16xi32>
    %add3A_1849 = arith.addi %add3A_1848, %iota3A : vector<16xi32>
    %jit3A_1850 = arith.constant 2 : i32
    %eq3A_1851 = arith.constant 0 : i32
    %eq3A_1852 = arith.cmpi eq, %jit3A_1850, %eq3A_1851 : i32
    %jit3A_1853 = arith.constant 1 : i32
    %select_n3A_1854 = arith.select %eq3A_1852, %jit3A_1853, %jit3A_1850 : i32
    %rem3A_1855 = vector.broadcast %select_n3A_1854 : i32 to vector<16xi32>
    %rem3A_1856 = arith.remsi %add3A_1849, %rem3A_1855 : vector<16xi32>
    %ne3A_1857 = arith.constant 0 : i32
    %ne3A_1858 = vector.broadcast %ne3A_1857 : i32 to vector<16xi32>
    %ne3A_1859 = arith.cmpi ne, %rem3A_1856, %ne3A_1858 : vector<16xi32>
    %lt3A_1860 = arith.constant 0 : i32
    %lt3A_1861 = vector.broadcast %lt3A_1860 : i32 to vector<16xi32>
    %lt3A_1862 = arith.cmpi slt, %rem3A_1856, %lt3A_1861 : vector<16xi32>
    %lt3A_1863 = arith.constant 0 : i32
    %lt3A_1864 = arith.cmpi slt, %select_n3A_1854, %lt3A_1863 : i32
    %ne3A_1865 = vector.broadcast %lt3A_1864 : i1 to vector<16xi1>
    %ne3A_1866 = vector.broadcast %ne3A_1865 : vector<16xi1> to vector<16xi1>
    %ne3A_1867 = arith.xori %lt3A_1862, %ne3A_1866 : vector<16xi1>
    %and3A_1868 = arith.andi %ne3A_1867, %ne3A_1859 : vector<16xi1>
    %add3A_1869 = vector.broadcast %select_n3A_1854 : i32 to vector<16xi32>
    %add3A_1870 = arith.addi %rem3A_1856, %add3A_1869 : vector<16xi32>
    %select_n3A_1871 = arith.select %and3A_1868, %add3A_1870, %rem3A_1856 : vector<16xi1>, vector<16xi32>
    %div3A_1872 = arith.constant 2 : i32
    %div3A_1873 = vector.broadcast %div3A_1872 : i32 to vector<16xi32>
    %div3A_1874 = arith.divsi %add3A_1849, %div3A_1873 : vector<16xi32>
    %jit3A_1875 = arith.constant 9 : i32
    %eq3A_1876 = arith.constant 0 : i32
    %eq3A_1877 = arith.cmpi eq, %jit3A_1875, %eq3A_1876 : i32
    %jit3A_1878 = arith.constant 1 : i32
    %select_n3A_1879 = arith.select %eq3A_1877, %jit3A_1878, %jit3A_1875 : i32
    %rem3A_1880 = vector.broadcast %select_n3A_1879 : i32 to vector<16xi32>
    %rem3A_1881 = arith.remsi %div3A_1874, %rem3A_1880 : vector<16xi32>
    %ne3A_1882 = arith.constant 0 : i32
    %ne3A_1883 = vector.broadcast %ne3A_1882 : i32 to vector<16xi32>
    %ne3A_1884 = arith.cmpi ne, %rem3A_1881, %ne3A_1883 : vector<16xi32>
    %lt3A_1885 = arith.constant 0 : i32
    %lt3A_1886 = vector.broadcast %lt3A_1885 : i32 to vector<16xi32>
    %lt3A_1887 = arith.cmpi slt, %rem3A_1881, %lt3A_1886 : vector<16xi32>
    %lt3A_1888 = arith.constant 0 : i32
    %lt3A_1889 = arith.cmpi slt, %select_n3A_1879, %lt3A_1888 : i32
    %ne3A_1890 = vector.broadcast %lt3A_1889 : i1 to vector<16xi1>
    %ne3A_1891 = vector.broadcast %ne3A_1890 : vector<16xi1> to vector<16xi1>
    %ne3A_1892 = arith.xori %lt3A_1887, %ne3A_1891 : vector<16xi1>
    %and3A_1893 = arith.andi %ne3A_1892, %ne3A_1884 : vector<16xi1>
    %add3A_1894 = vector.broadcast %select_n3A_1879 : i32 to vector<16xi32>
    %add3A_1895 = arith.addi %rem3A_1881, %add3A_1894 : vector<16xi32>
    %select_n3A_1896 = arith.select %and3A_1893, %add3A_1895, %rem3A_1881 : vector<16xi1>, vector<16xi32>
    %get3A_1897 = arith.constant 448 : index
    %get3A_1898 = tpu.vector_load %arg5[%get3A_1897] {strides = array<i32>} : memref<576xi32, #tpu.memory_space<vmem>>, vector<16xi32>,
    %get3A_1899 = vector.shape_cast %get3A_1898 : vector<16xi32> to vector<16xi32>
    %mul3A_1900 = arith.constant 9 : i32
    %mul3A_1901 = vector.broadcast %mul3A_1900 : i32 to vector<16xi32>
    %mul3A_1902 = arith.muli %get3A_1899, %mul3A_1901 : vector<16xi32>
    %add3A_1903 = arith.addi %mul3A_1902, %select_n3A_1896 : vector<16xi32>
    %mul3A_1904 = arith.constant 2 : i32
    %mul3A_1905 = vector.broadcast %mul3A_1904 : i32 to vector<16xi32>
    %mul3A_1906 = arith.muli %add3A_1903, %mul3A_1905 : vector<16xi32>
    %add3A_1907 = arith.addi %mul3A_1906, %select_n3A_1871 : vector<16xi32>
    %swap3A_1908 = arith.constant 448 : index
    %swap3A_1909 = tpu.vector_load %arg6[%swap3A_1908] {strides = array<i32>} : memref<576xi32, #tpu.memory_space<vmem>>, vector<16xi32>,
    %swap3A_1910 = vector.shape_cast %swap3A_1909 : vector<16xi32> to vector<16xi32>
    %swap3A_1911 = vector.shape_cast %add3A_1907 : vector<16xi32> to vector<16xi32>
    tpu.vector_store %arg6[%swap3A_1908], %swap3A_1911 {strides = array<i32>} : memref<576xi32, #tpu.memory_space<vmem>>, vector<16xi32>,
    %add3A_1912 = arith.constant 464 : i32
    %add3A_1913 = arith.addi %add3A_4, %add3A_1912 : i32
    %add3A_1914 = vector.broadcast %add3A_1913 : i32 to vector<16xi32>
    %add3A_1915 = arith.addi %add3A_1914, %iota3A : vector<16xi32>
    %jit3A_1916 = arith.constant 2 : i32
    %eq3A_1917 = arith.constant 0 : i32
    %eq3A_1918 = arith.cmpi eq, %jit3A_1916, %eq3A_1917 : i32
    %jit3A_1919 = arith.constant 1 : i32
    %select_n3A_1920 = arith.select %eq3A_1918, %jit3A_1919, %jit3A_1916 : i32
    %rem3A_1921 = vector.broadcast %select_n3A_1920 : i32 to vector<16xi32>
    %rem3A_1922 = arith.remsi %add3A_1915, %rem3A_1921 : vector<16xi32>
    %ne3A_1923 = arith.constant 0 : i32
    %ne3A_1924 = vector.broadcast %ne3A_1923 : i32 to vector<16xi32>
    %ne3A_1925 = arith.cmpi ne, %rem3A_1922, %ne3A_1924 : vector<16xi32>
    %lt3A_1926 = arith.constant 0 : i32
    %lt3A_1927 = vector.broadcast %lt3A_1926 : i32 to vector<16xi32>
    %lt3A_1928 = arith.cmpi slt, %rem3A_1922, %lt3A_1927 : vector<16xi32>
    %lt3A_1929 = arith.constant 0 : i32
    %lt3A_1930 = arith.cmpi slt, %select_n3A_1920, %lt3A_1929 : i32
    %ne3A_1931 = vector.broadcast %lt3A_1930 : i1 to vector<16xi1>
    %ne3A_1932 = vector.broadcast %ne3A_1931 : vector<16xi1> to vector<16xi1>
    %ne3A_1933 = arith.xori %lt3A_1928, %ne3A_1932 : vector<16xi1>
    %and3A_1934 = arith.andi %ne3A_1933, %ne3A_1925 : vector<16xi1>
    %add3A_1935 = vector.broadcast %select_n3A_1920 : i32 to vector<16xi32>
    %add3A_1936 = arith.addi %rem3A_1922, %add3A_1935 : vector<16xi32>
    %select_n3A_1937 = arith.select %and3A_1934, %add3A_1936, %rem3A_1922 : vector<16xi1>, vector<16xi32>
    %div3A_1938 = arith.constant 2 : i32
    %div3A_1939 = vector.broadcast %div3A_1938 : i32 to vector<16xi32>
    %div3A_1940 = arith.divsi %add3A_1915, %div3A_1939 : vector<16xi32>
    %jit3A_1941 = arith.constant 9 : i32
    %eq3A_1942 = arith.constant 0 : i32
    %eq3A_1943 = arith.cmpi eq, %jit3A_1941, %eq3A_1942 : i32
    %jit3A_1944 = arith.constant 1 : i32
    %select_n3A_1945 = arith.select %eq3A_1943, %jit3A_1944, %jit3A_1941 : i32
    %rem3A_1946 = vector.broadcast %select_n3A_1945 : i32 to vector<16xi32>
    %rem3A_1947 = arith.remsi %div3A_1940, %rem3A_1946 : vector<16xi32>
    %ne3A_1948 = arith.constant 0 : i32
    %ne3A_1949 = vector.broadcast %ne3A_1948 : i32 to vector<16xi32>
    %ne3A_1950 = arith.cmpi ne, %rem3A_1947, %ne3A_1949 : vector<16xi32>
    %lt3A_1951 = arith.constant 0 : i32
    %lt3A_1952 = vector.broadcast %lt3A_1951 : i32 to vector<16xi32>
    %lt3A_1953 = arith.cmpi slt, %rem3A_1947, %lt3A_1952 : vector<16xi32>
    %lt3A_1954 = arith.constant 0 : i32
    %lt3A_1955 = arith.cmpi slt, %select_n3A_1945, %lt3A_1954 : i32
    %ne3A_1956 = vector.broadcast %lt3A_1955 : i1 to vector<16xi1>
    %ne3A_1957 = vector.broadcast %ne3A_1956 : vector<16xi1> to vector<16xi1>
    %ne3A_1958 = arith.xori %lt3A_1953, %ne3A_1957 : vector<16xi1>
    %and3A_1959 = arith.andi %ne3A_1958, %ne3A_1950 : vector<16xi1>
    %add3A_1960 = vector.broadcast %select_n3A_1945 : i32 to vector<16xi32>
    %add3A_1961 = arith.addi %rem3A_1947, %add3A_1960 : vector<16xi32>
    %select_n3A_1962 = arith.select %and3A_1959, %add3A_1961, %rem3A_1947 : vector<16xi1>, vector<16xi32>
    %get3A_1963 = arith.constant 464 : index
    %get3A_1964 = tpu.vector_load %arg5[%get3A_1963] {strides = array<i32>} : memref<576xi32, #tpu.memory_space<vmem>>, vector<16xi32>,
    %get3A_1965 = vector.shape_cast %get3A_1964 : vector<16xi32> to vector<16xi32>
    %mul3A_1966 = arith.constant 9 : i32
    %mul3A_1967 = vector.broadcast %mul3A_1966 : i32 to vector<16xi32>
    %mul3A_1968 = arith.muli %get3A_1965, %mul3A_1967 : vector<16xi32>
    %add3A_1969 = arith.addi %mul3A_1968, %select_n3A_1962 : vector<16xi32>
    %mul3A_1970 = arith.constant 2 : i32
    %mul3A_1971 = vector.broadcast %mul3A_1970 : i32 to vector<16xi32>
    %mul3A_1972 = arith.muli %add3A_1969, %mul3A_1971 : vector<16xi32>
    %add3A_1973 = arith.addi %mul3A_1972, %select_n3A_1937 : vector<16xi32>
    %swap3A_1974 = arith.constant 464 : index
    %swap3A_1975 = tpu.vector_load %arg6[%swap3A_1974] {strides = array<i32>} : memref<576xi32, #tpu.memory_space<vmem>>, vector<16xi32>,
    %swap3A_1976 = vector.shape_cast %swap3A_1975 : vector<16xi32> to vector<16xi32>
    %swap3A_1977 = vector.shape_cast %add3A_1973 : vector<16xi32> to vector<16xi32>
    tpu.vector_store %arg6[%swap3A_1974], %swap3A_1977 {strides = array<i32>} : memref<576xi32, #tpu.memory_space<vmem>>, vector<16xi32>,
    %add3A_1978 = arith.constant 480 : i32
    %add3A_1979 = arith.addi %add3A_4, %add3A_1978 : i32
    %add3A_1980 = vector.broadcast %add3A_1979 : i32 to vector<16xi32>
    %add3A_1981 = arith.addi %add3A_1980, %iota3A : vector<16xi32>
    %jit3A_1982 = arith.constant 2 : i32
    %eq3A_1983 = arith.constant 0 : i32
    %eq3A_1984 = arith.cmpi eq, %jit3A_1982, %eq3A_1983 : i32
    %jit3A_1985 = arith.constant 1 : i32
    %select_n3A_1986 = arith.select %eq3A_1984, %jit3A_1985, %jit3A_1982 : i32
    %rem3A_1987 = vector.broadcast %select_n3A_1986 : i32 to vector<16xi32>
    %rem3A_1988 = arith.remsi %add3A_1981, %rem3A_1987 : vector<16xi32>
    %ne3A_1989 = arith.constant 0 : i32
    %ne3A_1990 = vector.broadcast %ne3A_1989 : i32 to vector<16xi32>
    %ne3A_1991 = arith.cmpi ne, %rem3A_1988, %ne3A_1990 : vector<16xi32>
    %lt3A_1992 = arith.constant 0 : i32
    %lt3A_1993 = vector.broadcast %lt3A_1992 : i32 to vector<16xi32>
    %lt3A_1994 = arith.cmpi slt, %rem3A_1988, %lt3A_1993 : vector<16xi32>
    %lt3A_1995 = arith.constant 0 : i32
    %lt3A_1996 = arith.cmpi slt, %select_n3A_1986, %lt3A_1995 : i32
    %ne3A_1997 = vector.broadcast %lt3A_1996 : i1 to vector<16xi1>
    %ne3A_1998 = vector.broadcast %ne3A_1997 : vector<16xi1> to vector<16xi1>
    %ne3A_1999 = arith.xori %lt3A_1994, %ne3A_1998 : vector<16xi1>
    %and3A_2000 = arith.andi %ne3A_1999, %ne3A_1991 : vector<16xi1>
    %add3A_2001 = vector.broadcast %select_n3A_1986 : i32 to vector<16xi32>
    %add3A_2002 = arith.addi %rem3A_1988, %add3A_2001 : vector<16xi32>
    %select_n3A_2003 = arith.select %and3A_2000, %add3A_2002, %rem3A_1988 : vector<16xi1>, vector<16xi32>
    %div3A_2004 = arith.constant 2 : i32
    %div3A_2005 = vector.broadcast %div3A_2004 : i32 to vector<16xi32>
    %div3A_2006 = arith.divsi %add3A_1981, %div3A_2005 : vector<16xi32>
    %jit3A_2007 = arith.constant 9 : i32
    %eq3A_2008 = arith.constant 0 : i32
    %eq3A_2009 = arith.cmpi eq, %jit3A_2007, %eq3A_2008 : i32
    %jit3A_2010 = arith.constant 1 : i32
    %select_n3A_2011 = arith.select %eq3A_2009, %jit3A_2010, %jit3A_2007 : i32
    %rem3A_2012 = vector.broadcast %select_n3A_2011 : i32 to vector<16xi32>
    %rem3A_2013 = arith.remsi %div3A_2006, %rem3A_2012 : vector<16xi32>
    %ne3A_2014 = arith.constant 0 : i32
    %ne3A_2015 = vector.broadcast %ne3A_2014 : i32 to vector<16xi32>
    %ne3A_2016 = arith.cmpi ne, %rem3A_2013, %ne3A_2015 : vector<16xi32>
    %lt3A_2017 = arith.constant 0 : i32
    %lt3A_2018 = vector.broadcast %lt3A_2017 : i32 to vector<16xi32>
    %lt3A_2019 = arith.cmpi slt, %rem3A_2013, %lt3A_2018 : vector<16xi32>
    %lt3A_2020 = arith.constant 0 : i32
    %lt3A_2021 = arith.cmpi slt, %select_n3A_2011, %lt3A_2020 : i32
    %ne3A_2022 = vector.broadcast %lt3A_2021 : i1 to vector<16xi1>
    %ne3A_2023 = vector.broadcast %ne3A_2022 : vector<16xi1> to vector<16xi1>
    %ne3A_2024 = arith.xori %lt3A_2019, %ne3A_2023 : vector<16xi1>
    %and3A_2025 = arith.andi %ne3A_2024, %ne3A_2016 : vector<16xi1>
    %add3A_2026 = vector.broadcast %select_n3A_2011 : i32 to vector<16xi32>
    %add3A_2027 = arith.addi %rem3A_2013, %add3A_2026 : vector<16xi32>
    %select_n3A_2028 = arith.select %and3A_2025, %add3A_2027, %rem3A_2013 : vector<16xi1>, vector<16xi32>
    %get3A_2029 = arith.constant 480 : index
    %get3A_2030 = tpu.vector_load %arg5[%get3A_2029] {strides = array<i32>} : memref<576xi32, #tpu.memory_space<vmem>>, vector<16xi32>,
    %get3A_2031 = vector.shape_cast %get3A_2030 : vector<16xi32> to vector<16xi32>
    %mul3A_2032 = arith.constant 9 : i32
    %mul3A_2033 = vector.broadcast %mul3A_2032 : i32 to vector<16xi32>
    %mul3A_2034 = arith.muli %get3A_2031, %mul3A_2033 : vector<16xi32>
    %add3A_2035 = arith.addi %mul3A_2034, %select_n3A_2028 : vector<16xi32>
    %mul3A_2036 = arith.constant 2 : i32
    %mul3A_2037 = vector.broadcast %mul3A_2036 : i32 to vector<16xi32>
    %mul3A_2038 = arith.muli %add3A_2035, %mul3A_2037 : vector<16xi32>
    %add3A_2039 = arith.addi %mul3A_2038, %select_n3A_2003 : vector<16xi32>
    %swap3A_2040 = arith.constant 480 : index
    %swap3A_2041 = tpu.vector_load %arg6[%swap3A_2040] {strides = array<i32>} : memref<576xi32, #tpu.memory_space<vmem>>, vector<16xi32>,
    %swap3A_2042 = vector.shape_cast %swap3A_2041 : vector<16xi32> to vector<16xi32>
    %swap3A_2043 = vector.shape_cast %add3A_2039 : vector<16xi32> to vector<16xi32>
    tpu.vector_store %arg6[%swap3A_2040], %swap3A_2043 {strides = array<i32>} : memref<576xi32, #tpu.memory_space<vmem>>, vector<16xi32>,
    %add3A_2044 = arith.constant 496 : i32
    %add3A_2045 = arith.addi %add3A_4, %add3A_2044 : i32
    %add3A_2046 = vector.broadcast %add3A_2045 : i32 to vector<16xi32>
    %add3A_2047 = arith.addi %add3A_2046, %iota3A : vector<16xi32>
    %jit3A_2048 = arith.constant 2 : i32
    %eq3A_2049 = arith.constant 0 : i32
    %eq3A_2050 = arith.cmpi eq, %jit3A_2048, %eq3A_2049 : i32
    %jit3A_2051 = arith.constant 1 : i32
    %select_n3A_2052 = arith.select %eq3A_2050, %jit3A_2051, %jit3A_2048 : i32
    %rem3A_2053 = vector.broadcast %select_n3A_2052 : i32 to vector<16xi32>
    %rem3A_2054 = arith.remsi %add3A_2047, %rem3A_2053 : vector<16xi32>
    %ne3A_2055 = arith.constant 0 : i32
    %ne3A_2056 = vector.broadcast %ne3A_2055 : i32 to vector<16xi32>
    %ne3A_2057 = arith.cmpi ne, %rem3A_2054, %ne3A_2056 : vector<16xi32>
    %lt3A_2058 = arith.constant 0 : i32
    %lt3A_2059 = vector.broadcast %lt3A_2058 : i32 to vector<16xi32>
    %lt3A_2060 = arith.cmpi slt, %rem3A_2054, %lt3A_2059 : vector<16xi32>
    %lt3A_2061 = arith.constant 0 : i32
    %lt3A_2062 = arith.cmpi slt, %select_n3A_2052, %lt3A_2061 : i32
    %ne3A_2063 = vector.broadcast %lt3A_2062 : i1 to vector<16xi1>
    %ne3A_2064 = vector.broadcast %ne3A_2063 : vector<16xi1> to vector<16xi1>
    %ne3A_2065 = arith.xori %lt3A_2060, %ne3A_2064 : vector<16xi1>
    %and3A_2066 = arith.andi %ne3A_2065, %ne3A_2057 : vector<16xi1>
    %add3A_2067 = vector.broadcast %select_n3A_2052 : i32 to vector<16xi32>
    %add3A_2068 = arith.addi %rem3A_2054, %add3A_2067 : vector<16xi32>
    %select_n3A_2069 = arith.select %and3A_2066, %add3A_2068, %rem3A_2054 : vector<16xi1>, vector<16xi32>
    %div3A_2070 = arith.constant 2 : i32
    %div3A_2071 = vector.broadcast %div3A_2070 : i32 to vector<16xi32>
    %div3A_2072 = arith.divsi %add3A_2047, %div3A_2071 : vector<16xi32>
    %jit3A_2073 = arith.constant 9 : i32
    %eq3A_2074 = arith.constant 0 : i32
    %eq3A_2075 = arith.cmpi eq, %jit3A_2073, %eq3A_2074 : i32
    %jit3A_2076 = arith.constant 1 : i32
    %select_n3A_2077 = arith.select %eq3A_2075, %jit3A_2076, %jit3A_2073 : i32
    %rem3A_2078 = vector.broadcast %select_n3A_2077 : i32 to vector<16xi32>
    %rem3A_2079 = arith.remsi %div3A_2072, %rem3A_2078 : vector<16xi32>
    %ne3A_2080 = arith.constant 0 : i32
    %ne3A_2081 = vector.broadcast %ne3A_2080 : i32 to vector<16xi32>
    %ne3A_2082 = arith.cmpi ne, %rem3A_2079, %ne3A_2081 : vector<16xi32>
    %lt3A_2083 = arith.constant 0 : i32
    %lt3A_2084 = vector.broadcast %lt3A_2083 : i32 to vector<16xi32>
    %lt3A_2085 = arith.cmpi slt, %rem3A_2079, %lt3A_2084 : vector<16xi32>
    %lt3A_2086 = arith.constant 0 : i32
    %lt3A_2087 = arith.cmpi slt, %select_n3A_2077, %lt3A_2086 : i32
    %ne3A_2088 = vector.broadcast %lt3A_2087 : i1 to vector<16xi1>
    %ne3A_2089 = vector.broadcast %ne3A_2088 : vector<16xi1> to vector<16xi1>
    %ne3A_2090 = arith.xori %lt3A_2085, %ne3A_2089 : vector<16xi1>
    %and3A_2091 = arith.andi %ne3A_2090, %ne3A_2082 : vector<16xi1>
    %add3A_2092 = vector.broadcast %select_n3A_2077 : i32 to vector<16xi32>
    %add3A_2093 = arith.addi %rem3A_2079, %add3A_2092 : vector<16xi32>
    %select_n3A_2094 = arith.select %and3A_2091, %add3A_2093, %rem3A_2079 : vector<16xi1>, vector<16xi32>
    %get3A_2095 = arith.constant 496 : index
    %get3A_2096 = tpu.vector_load %arg5[%get3A_2095] {strides = array<i32>} : memref<576xi32, #tpu.memory_space<vmem>>, vector<16xi32>,
    %get3A_2097 = vector.shape_cast %get3A_2096 : vector<16xi32> to vector<16xi32>
    %mul3A_2098 = arith.constant 9 : i32
    %mul3A_2099 = vector.broadcast %mul3A_2098 : i32 to vector<16xi32>
    %mul3A_2100 = arith.muli %get3A_2097, %mul3A_2099 : vector<16xi32>
    %add3A_2101 = arith.addi %mul3A_2100, %select_n3A_2094 : vector<16xi32>
    %mul3A_2102 = arith.constant 2 : i32
    %mul3A_2103 = vector.broadcast %mul3A_2102 : i32 to vector<16xi32>
    %mul3A_2104 = arith.muli %add3A_2101, %mul3A_2103 : vector<16xi32>
    %add3A_2105 = arith.addi %mul3A_2104, %select_n3A_2069 : vector<16xi32>
    %swap3A_2106 = arith.constant 496 : index
    %swap3A_2107 = tpu.vector_load %arg6[%swap3A_2106] {strides = array<i32>} : memref<576xi32, #tpu.memory_space<vmem>>, vector<16xi32>,
    %swap3A_2108 = vector.shape_cast %swap3A_2107 : vector<16xi32> to vector<16xi32>
    %swap3A_2109 = vector.shape_cast %add3A_2105 : vector<16xi32> to vector<16xi32>
    tpu.vector_store %arg6[%swap3A_2106], %swap3A_2109 {strides = array<i32>} : memref<576xi32, #tpu.memory_space<vmem>>, vector<16xi32>,
    %add3A_2110 = arith.constant 512 : i32
    %add3A_2111 = arith.addi %add3A_4, %add3A_2110 : i32
    %add3A_2112 = vector.broadcast %add3A_2111 : i32 to vector<16xi32>
    %add3A_2113 = arith.addi %add3A_2112, %iota3A : vector<16xi32>
    %jit3A_2114 = arith.constant 2 : i32
    %eq3A_2115 = arith.constant 0 : i32
    %eq3A_2116 = arith.cmpi eq, %jit3A_2114, %eq3A_2115 : i32
    %jit3A_2117 = arith.constant 1 : i32
    %select_n3A_2118 = arith.select %eq3A_2116, %jit3A_2117, %jit3A_2114 : i32
    %rem3A_2119 = vector.broadcast %select_n3A_2118 : i32 to vector<16xi32>
    %rem3A_2120 = arith.remsi %add3A_2113, %rem3A_2119 : vector<16xi32>
    %ne3A_2121 = arith.constant 0 : i32
    %ne3A_2122 = vector.broadcast %ne3A_2121 : i32 to vector<16xi32>
    %ne3A_2123 = arith.cmpi ne, %rem3A_2120, %ne3A_2122 : vector<16xi32>
    %lt3A_2124 = arith.constant 0 : i32
    %lt3A_2125 = vector.broadcast %lt3A_2124 : i32 to vector<16xi32>
    %lt3A_2126 = arith.cmpi slt, %rem3A_2120, %lt3A_2125 : vector<16xi32>
    %lt3A_2127 = arith.constant 0 : i32
    %lt3A_2128 = arith.cmpi slt, %select_n3A_2118, %lt3A_2127 : i32
    %ne3A_2129 = vector.broadcast %lt3A_2128 : i1 to vector<16xi1>
    %ne3A_2130 = vector.broadcast %ne3A_2129 : vector<16xi1> to vector<16xi1>
    %ne3A_2131 = arith.xori %lt3A_2126, %ne3A_2130 : vector<16xi1>
    %and3A_2132 = arith.andi %ne3A_2131, %ne3A_2123 : vector<16xi1>
    %add3A_2133 = vector.broadcast %select_n3A_2118 : i32 to vector<16xi32>
    %add3A_2134 = arith.addi %rem3A_2120, %add3A_2133 : vector<16xi32>
    %select_n3A_2135 = arith.select %and3A_2132, %add3A_2134, %rem3A_2120 : vector<16xi1>, vector<16xi32>
    %div3A_2136 = arith.constant 2 : i32
    %div3A_2137 = vector.broadcast %div3A_2136 : i32 to vector<16xi32>
    %div3A_2138 = arith.divsi %add3A_2113, %div3A_2137 : vector<16xi32>
    %jit3A_2139 = arith.constant 9 : i32
    %eq3A_2140 = arith.constant 0 : i32
    %eq3A_2141 = arith.cmpi eq, %jit3A_2139, %eq3A_2140 : i32
    %jit3A_2142 = arith.constant 1 : i32
    %select_n3A_2143 = arith.select %eq3A_2141, %jit3A_2142, %jit3A_2139 : i32
    %rem3A_2144 = vector.broadcast %select_n3A_2143 : i32 to vector<16xi32>
    %rem3A_2145 = arith.remsi %div3A_2138, %rem3A_2144 : vector<16xi32>
    %ne3A_2146 = arith.constant 0 : i32
    %ne3A_2147 = vector.broadcast %ne3A_2146 : i32 to vector<16xi32>
    %ne3A_2148 = arith.cmpi ne, %rem3A_2145, %ne3A_2147 : vector<16xi32>
    %lt3A_2149 = arith.constant 0 : i32
    %lt3A_2150 = vector.broadcast %lt3A_2149 : i32 to vector<16xi32>
    %lt3A_2151 = arith.cmpi slt, %rem3A_2145, %lt3A_2150 : vector<16xi32>
    %lt3A_2152 = arith.constant 0 : i32
    %lt3A_2153 = arith.cmpi slt, %select_n3A_2143, %lt3A_2152 : i32
    %ne3A_2154 = vector.broadcast %lt3A_2153 : i1 to vector<16xi1>
    %ne3A_2155 = vector.broadcast %ne3A_2154 : vector<16xi1> to vector<16xi1>
    %ne3A_2156 = arith.xori %lt3A_2151, %ne3A_2155 : vector<16xi1>
    %and3A_2157 = arith.andi %ne3A_2156, %ne3A_2148 : vector<16xi1>
    %add3A_2158 = vector.broadcast %select_n3A_2143 : i32 to vector<16xi32>
    %add3A_2159 = arith.addi %rem3A_2145, %add3A_2158 : vector<16xi32>
    %select_n3A_2160 = arith.select %and3A_2157, %add3A_2159, %rem3A_2145 : vector<16xi1>, vector<16xi32>
    %get3A_2161 = arith.constant 512 : index
    %get3A_2162 = tpu.vector_load %arg5[%get3A_2161] {strides = array<i32>} : memref<576xi32, #tpu.memory_space<vmem>>, vector<16xi32>,
    %get3A_2163 = vector.shape_cast %get3A_2162 : vector<16xi32> to vector<16xi32>
    %mul3A_2164 = arith.constant 9 : i32
    %mul3A_2165 = vector.broadcast %mul3A_2164 : i32 to vector<16xi32>
    %mul3A_2166 = arith.muli %get3A_2163, %mul3A_2165 : vector<16xi32>
    %add3A_2167 = arith.addi %mul3A_2166, %select_n3A_2160 : vector<16xi32>
    %mul3A_2168 = arith.constant 2 : i32
    %mul3A_2169 = vector.broadcast %mul3A_2168 : i32 to vector<16xi32>
    %mul3A_2170 = arith.muli %add3A_2167, %mul3A_2169 : vector<16xi32>
    %add3A_2171 = arith.addi %mul3A_2170, %select_n3A_2135 : vector<16xi32>
    %swap3A_2172 = arith.constant 512 : index
    %swap3A_2173 = tpu.vector_load %arg6[%swap3A_2172] {strides = array<i32>} : memref<576xi32, #tpu.memory_space<vmem>>, vector<16xi32>,
    %swap3A_2174 = vector.shape_cast %swap3A_2173 : vector<16xi32> to vector<16xi32>
    %swap3A_2175 = vector.shape_cast %add3A_2171 : vector<16xi32> to vector<16xi32>
    tpu.vector_store %arg6[%swap3A_2172], %swap3A_2175 {strides = array<i32>} : memref<576xi32, #tpu.memory_space<vmem>>, vector<16xi32>,
    %add3A_2176 = arith.constant 528 : i32
    %add3A_2177 = arith.addi %add3A_4, %add3A_2176 : i32
    %add3A_2178 = vector.broadcast %add3A_2177 : i32 to vector<16xi32>
    %add3A_2179 = arith.addi %add3A_2178, %iota3A : vector<16xi32>
    %jit3A_2180 = arith.constant 2 : i32
    %eq3A_2181 = arith.constant 0 : i32
    %eq3A_2182 = arith.cmpi eq, %jit3A_2180, %eq3A_2181 : i32
    %jit3A_2183 = arith.constant 1 : i32
    %select_n3A_2184 = arith.select %eq3A_2182, %jit3A_2183, %jit3A_2180 : i32
    %rem3A_2185 = vector.broadcast %select_n3A_2184 : i32 to vector<16xi32>
    %rem3A_2186 = arith.remsi %add3A_2179, %rem3A_2185 : vector<16xi32>
    %ne3A_2187 = arith.constant 0 : i32
    %ne3A_2188 = vector.broadcast %ne3A_2187 : i32 to vector<16xi32>
    %ne3A_2189 = arith.cmpi ne, %rem3A_2186, %ne3A_2188 : vector<16xi32>
    %lt3A_2190 = arith.constant 0 : i32
    %lt3A_2191 = vector.broadcast %lt3A_2190 : i32 to vector<16xi32>
    %lt3A_2192 = arith.cmpi slt, %rem3A_2186, %lt3A_2191 : vector<16xi32>
    %lt3A_2193 = arith.constant 0 : i32
    %lt3A_2194 = arith.cmpi slt, %select_n3A_2184, %lt3A_2193 : i32
    %ne3A_2195 = vector.broadcast %lt3A_2194 : i1 to vector<16xi1>
    %ne3A_2196 = vector.broadcast %ne3A_2195 : vector<16xi1> to vector<16xi1>
    %ne3A_2197 = arith.xori %lt3A_2192, %ne3A_2196 : vector<16xi1>
    %and3A_2198 = arith.andi %ne3A_2197, %ne3A_2189 : vector<16xi1>
    %add3A_2199 = vector.broadcast %select_n3A_2184 : i32 to vector<16xi32>
    %add3A_2200 = arith.addi %rem3A_2186, %add3A_2199 : vector<16xi32>
    %select_n3A_2201 = arith.select %and3A_2198, %add3A_2200, %rem3A_2186 : vector<16xi1>, vector<16xi32>
    %div3A_2202 = arith.constant 2 : i32
    %div3A_2203 = vector.broadcast %div3A_2202 : i32 to vector<16xi32>
    %div3A_2204 = arith.divsi %add3A_2179, %div3A_2203 : vector<16xi32>
    %jit3A_2205 = arith.constant 9 : i32
    %eq3A_2206 = arith.constant 0 : i32
    %eq3A_2207 = arith.cmpi eq, %jit3A_2205, %eq3A_2206 : i32
    %jit3A_2208 = arith.constant 1 : i32
    %select_n3A_2209 = arith.select %eq3A_2207, %jit3A_2208, %jit3A_2205 : i32
    %rem3A_2210 = vector.broadcast %select_n3A_2209 : i32 to vector<16xi32>
    %rem3A_2211 = arith.remsi %div3A_2204, %rem3A_2210 : vector<16xi32>
    %ne3A_2212 = arith.constant 0 : i32
    %ne3A_2213 = vector.broadcast %ne3A_2212 : i32 to vector<16xi32>
    %ne3A_2214 = arith.cmpi ne, %rem3A_2211, %ne3A_2213 : vector<16xi32>
    %lt3A_2215 = arith.constant 0 : i32
    %lt3A_2216 = vector.broadcast %lt3A_2215 : i32 to vector<16xi32>
    %lt3A_2217 = arith.cmpi slt, %rem3A_2211, %lt3A_2216 : vector<16xi32>
    %lt3A_2218 = arith.constant 0 : i32
    %lt3A_2219 = arith.cmpi slt, %select_n3A_2209, %lt3A_2218 : i32
    %ne3A_2220 = vector.broadcast %lt3A_2219 : i1 to vector<16xi1>
    %ne3A_2221 = vector.broadcast %ne3A_2220 : vector<16xi1> to vector<16xi1>
    %ne3A_2222 = arith.xori %lt3A_2217, %ne3A_2221 : vector<16xi1>
    %and3A_2223 = arith.andi %ne3A_2222, %ne3A_2214 : vector<16xi1>
    %add3A_2224 = vector.broadcast %select_n3A_2209 : i32 to vector<16xi32>
    %add3A_2225 = arith.addi %rem3A_2211, %add3A_2224 : vector<16xi32>
    %select_n3A_2226 = arith.select %and3A_2223, %add3A_2225, %rem3A_2211 : vector<16xi1>, vector<16xi32>
    %get3A_2227 = arith.constant 528 : index
    %get3A_2228 = tpu.vector_load %arg5[%get3A_2227] {strides = array<i32>} : memref<576xi32, #tpu.memory_space<vmem>>, vector<16xi32>,
    %get3A_2229 = vector.shape_cast %get3A_2228 : vector<16xi32> to vector<16xi32>
    %mul3A_2230 = arith.constant 9 : i32
    %mul3A_2231 = vector.broadcast %mul3A_2230 : i32 to vector<16xi32>
    %mul3A_2232 = arith.muli %get3A_2229, %mul3A_2231 : vector<16xi32>
    %add3A_2233 = arith.addi %mul3A_2232, %select_n3A_2226 : vector<16xi32>
    %mul3A_2234 = arith.constant 2 : i32
    %mul3A_2235 = vector.broadcast %mul3A_2234 : i32 to vector<16xi32>
    %mul3A_2236 = arith.muli %add3A_2233, %mul3A_2235 : vector<16xi32>
    %add3A_2237 = arith.addi %mul3A_2236, %select_n3A_2201 : vector<16xi32>
    %swap3A_2238 = arith.constant 528 : index
    %swap3A_2239 = tpu.vector_load %arg6[%swap3A_2238] {strides = array<i32>} : memref<576xi32, #tpu.memory_space<vmem>>, vector<16xi32>,
    %swap3A_2240 = vector.shape_cast %swap3A_2239 : vector<16xi32> to vector<16xi32>
    %swap3A_2241 = vector.shape_cast %add3A_2237 : vector<16xi32> to vector<16xi32>
    tpu.vector_store %arg6[%swap3A_2238], %swap3A_2241 {strides = array<i32>} : memref<576xi32, #tpu.memory_space<vmem>>, vector<16xi32>,
    %add3A_2242 = arith.constant 544 : i32
    %add3A_2243 = arith.addi %add3A_4, %add3A_2242 : i32
    %add3A_2244 = vector.broadcast %add3A_2243 : i32 to vector<16xi32>
    %add3A_2245 = arith.addi %add3A_2244, %iota3A : vector<16xi32>
    %jit3A_2246 = arith.constant 2 : i32
    %eq3A_2247 = arith.constant 0 : i32
    %eq3A_2248 = arith.cmpi eq, %jit3A_2246, %eq3A_2247 : i32
    %jit3A_2249 = arith.constant 1 : i32
    %select_n3A_2250 = arith.select %eq3A_2248, %jit3A_2249, %jit3A_2246 : i32
    %rem3A_2251 = vector.broadcast %select_n3A_2250 : i32 to vector<16xi32>
    %rem3A_2252 = arith.remsi %add3A_2245, %rem3A_2251 : vector<16xi32>
    %ne3A_2253 = arith.constant 0 : i32
    %ne3A_2254 = vector.broadcast %ne3A_2253 : i32 to vector<16xi32>
    %ne3A_2255 = arith.cmpi ne, %rem3A_2252, %ne3A_2254 : vector<16xi32>
    %lt3A_2256 = arith.constant 0 : i32
    %lt3A_2257 = vector.broadcast %lt3A_2256 : i32 to vector<16xi32>
    %lt3A_2258 = arith.cmpi slt, %rem3A_2252, %lt3A_2257 : vector<16xi32>
    %lt3A_2259 = arith.constant 0 : i32
    %lt3A_2260 = arith.cmpi slt, %select_n3A_2250, %lt3A_2259 : i32
    %ne3A_2261 = vector.broadcast %lt3A_2260 : i1 to vector<16xi1>
    %ne3A_2262 = vector.broadcast %ne3A_2261 : vector<16xi1> to vector<16xi1>
    %ne3A_2263 = arith.xori %lt3A_2258, %ne3A_2262 : vector<16xi1>
    %and3A_2264 = arith.andi %ne3A_2263, %ne3A_2255 : vector<16xi1>
    %add3A_2265 = vector.broadcast %select_n3A_2250 : i32 to vector<16xi32>
    %add3A_2266 = arith.addi %rem3A_2252, %add3A_2265 : vector<16xi32>
    %select_n3A_2267 = arith.select %and3A_2264, %add3A_2266, %rem3A_2252 : vector<16xi1>, vector<16xi32>
    %div3A_2268 = arith.constant 2 : i32
    %div3A_2269 = vector.broadcast %div3A_2268 : i32 to vector<16xi32>
    %div3A_2270 = arith.divsi %add3A_2245, %div3A_2269 : vector<16xi32>
    %jit3A_2271 = arith.constant 9 : i32
    %eq3A_2272 = arith.constant 0 : i32
    %eq3A_2273 = arith.cmpi eq, %jit3A_2271, %eq3A_2272 : i32
    %jit3A_2274 = arith.constant 1 : i32
    %select_n3A_2275 = arith.select %eq3A_2273, %jit3A_2274, %jit3A_2271 : i32
    %rem3A_2276 = vector.broadcast %select_n3A_2275 : i32 to vector<16xi32>
    %rem3A_2277 = arith.remsi %div3A_2270, %rem3A_2276 : vector<16xi32>
    %ne3A_2278 = arith.constant 0 : i32
    %ne3A_2279 = vector.broadcast %ne3A_2278 : i32 to vector<16xi32>
    %ne3A_2280 = arith.cmpi ne, %rem3A_2277, %ne3A_2279 : vector<16xi32>
    %lt3A_2281 = arith.constant 0 : i32
    %lt3A_2282 = vector.broadcast %lt3A_2281 : i32 to vector<16xi32>
    %lt3A_2283 = arith.cmpi slt, %rem3A_2277, %lt3A_2282 : vector<16xi32>
    %lt3A_2284 = arith.constant 0 : i32
    %lt3A_2285 = arith.cmpi slt, %select_n3A_2275, %lt3A_2284 : i32
    %ne3A_2286 = vector.broadcast %lt3A_2285 : i1 to vector<16xi1>
    %ne3A_2287 = vector.broadcast %ne3A_2286 : vector<16xi1> to vector<16xi1>
    %ne3A_2288 = arith.xori %lt3A_2283, %ne3A_2287 : vector<16xi1>
    %and3A_2289 = arith.andi %ne3A_2288, %ne3A_2280 : vector<16xi1>
    %add3A_2290 = vector.broadcast %select_n3A_2275 : i32 to vector<16xi32>
    %add3A_2291 = arith.addi %rem3A_2277, %add3A_2290 : vector<16xi32>
    %select_n3A_2292 = arith.select %and3A_2289, %add3A_2291, %rem3A_2277 : vector<16xi1>, vector<16xi32>
    %get3A_2293 = arith.constant 544 : index
    %get3A_2294 = tpu.vector_load %arg5[%get3A_2293] {strides = array<i32>} : memref<576xi32, #tpu.memory_space<vmem>>, vector<16xi32>,
    %get3A_2295 = vector.shape_cast %get3A_2294 : vector<16xi32> to vector<16xi32>
    %mul3A_2296 = arith.constant 9 : i32
    %mul3A_2297 = vector.broadcast %mul3A_2296 : i32 to vector<16xi32>
    %mul3A_2298 = arith.muli %get3A_2295, %mul3A_2297 : vector<16xi32>
    %add3A_2299 = arith.addi %mul3A_2298, %select_n3A_2292 : vector<16xi32>
    %mul3A_2300 = arith.constant 2 : i32
    %mul3A_2301 = vector.broadcast %mul3A_2300 : i32 to vector<16xi32>
    %mul3A_2302 = arith.muli %add3A_2299, %mul3A_2301 : vector<16xi32>
    %add3A_2303 = arith.addi %mul3A_2302, %select_n3A_2267 : vector<16xi32>
    %swap3A_2304 = arith.constant 544 : index
    %swap3A_2305 = tpu.vector_load %arg6[%swap3A_2304] {strides = array<i32>} : memref<576xi32, #tpu.memory_space<vmem>>, vector<16xi32>,
    %swap3A_2306 = vector.shape_cast %swap3A_2305 : vector<16xi32> to vector<16xi32>
    %swap3A_2307 = vector.shape_cast %add3A_2303 : vector<16xi32> to vector<16xi32>
    tpu.vector_store %arg6[%swap3A_2304], %swap3A_2307 {strides = array<i32>} : memref<576xi32, #tpu.memory_space<vmem>>, vector<16xi32>,
    %add3A_2308 = arith.constant 560 : i32
    %add3A_2309 = arith.addi %add3A_4, %add3A_2308 : i32
    %add3A_2310 = vector.broadcast %add3A_2309 : i32 to vector<16xi32>
    %add3A_2311 = arith.addi %add3A_2310, %iota3A : vector<16xi32>
    %jit3A_2312 = arith.constant 2 : i32
    %eq3A_2313 = arith.constant 0 : i32
    %eq3A_2314 = arith.cmpi eq, %jit3A_2312, %eq3A_2313 : i32
    %jit3A_2315 = arith.constant 1 : i32
    %select_n3A_2316 = arith.select %eq3A_2314, %jit3A_2315, %jit3A_2312 : i32
    %rem3A_2317 = vector.broadcast %select_n3A_2316 : i32 to vector<16xi32>
    %rem3A_2318 = arith.remsi %add3A_2311, %rem3A_2317 : vector<16xi32>
    %ne3A_2319 = arith.constant 0 : i32
    %ne3A_2320 = vector.broadcast %ne3A_2319 : i32 to vector<16xi32>
    %ne3A_2321 = arith.cmpi ne, %rem3A_2318, %ne3A_2320 : vector<16xi32>
    %lt3A_2322 = arith.constant 0 : i32
    %lt3A_2323 = vector.broadcast %lt3A_2322 : i32 to vector<16xi32>
    %lt3A_2324 = arith.cmpi slt, %rem3A_2318, %lt3A_2323 : vector<16xi32>
    %lt3A_2325 = arith.constant 0 : i32
    %lt3A_2326 = arith.cmpi slt, %select_n3A_2316, %lt3A_2325 : i32
    %ne3A_2327 = vector.broadcast %lt3A_2326 : i1 to vector<16xi1>
    %ne3A_2328 = vector.broadcast %ne3A_2327 : vector<16xi1> to vector<16xi1>
    %ne3A_2329 = arith.xori %lt3A_2324, %ne3A_2328 : vector<16xi1>
    %and3A_2330 = arith.andi %ne3A_2329, %ne3A_2321 : vector<16xi1>
    %add3A_2331 = vector.broadcast %select_n3A_2316 : i32 to vector<16xi32>
    %add3A_2332 = arith.addi %rem3A_2318, %add3A_2331 : vector<16xi32>
    %select_n3A_2333 = arith.select %and3A_2330, %add3A_2332, %rem3A_2318 : vector<16xi1>, vector<16xi32>
    %div3A_2334 = arith.constant 2 : i32
    %div3A_2335 = vector.broadcast %div3A_2334 : i32 to vector<16xi32>
    %div3A_2336 = arith.divsi %add3A_2311, %div3A_2335 : vector<16xi32>
    %jit3A_2337 = arith.constant 9 : i32
    %eq3A_2338 = arith.constant 0 : i32
    %eq3A_2339 = arith.cmpi eq, %jit3A_2337, %eq3A_2338 : i32
    %jit3A_2340 = arith.constant 1 : i32
    %select_n3A_2341 = arith.select %eq3A_2339, %jit3A_2340, %jit3A_2337 : i32
    %rem3A_2342 = vector.broadcast %select_n3A_2341 : i32 to vector<16xi32>
    %rem3A_2343 = arith.remsi %div3A_2336, %rem3A_2342 : vector<16xi32>
    %ne3A_2344 = arith.constant 0 : i32
    %ne3A_2345 = vector.broadcast %ne3A_2344 : i32 to vector<16xi32>
    %ne3A_2346 = arith.cmpi ne, %rem3A_2343, %ne3A_2345 : vector<16xi32>
    %lt3A_2347 = arith.constant 0 : i32
    %lt3A_2348 = vector.broadcast %lt3A_2347 : i32 to vector<16xi32>
    %lt3A_2349 = arith.cmpi slt, %rem3A_2343, %lt3A_2348 : vector<16xi32>
    %lt3A_2350 = arith.constant 0 : i32
    %lt3A_2351 = arith.cmpi slt, %select_n3A_2341, %lt3A_2350 : i32
    %ne3A_2352 = vector.broadcast %lt3A_2351 : i1 to vector<16xi1>
    %ne3A_2353 = vector.broadcast %ne3A_2352 : vector<16xi1> to vector<16xi1>
    %ne3A_2354 = arith.xori %lt3A_2349, %ne3A_2353 : vector<16xi1>
    %and3A_2355 = arith.andi %ne3A_2354, %ne3A_2346 : vector<16xi1>
    %add3A_2356 = vector.broadcast %select_n3A_2341 : i32 to vector<16xi32>
    %add3A_2357 = arith.addi %rem3A_2343, %add3A_2356 : vector<16xi32>
    %select_n3A_2358 = arith.select %and3A_2355, %add3A_2357, %rem3A_2343 : vector<16xi1>, vector<16xi32>
    %get3A_2359 = arith.constant 560 : index
    %get3A_2360 = tpu.vector_load %arg5[%get3A_2359] {strides = array<i32>} : memref<576xi32, #tpu.memory_space<vmem>>, vector<16xi32>,
    %get3A_2361 = vector.shape_cast %get3A_2360 : vector<16xi32> to vector<16xi32>
    %mul3A_2362 = arith.constant 9 : i32
    %mul3A_2363 = vector.broadcast %mul3A_2362 : i32 to vector<16xi32>
    %mul3A_2364 = arith.muli %get3A_2361, %mul3A_2363 : vector<16xi32>
    %add3A_2365 = arith.addi %mul3A_2364, %select_n3A_2358 : vector<16xi32>
    %mul3A_2366 = arith.constant 2 : i32
    %mul3A_2367 = vector.broadcast %mul3A_2366 : i32 to vector<16xi32>
    %mul3A_2368 = arith.muli %add3A_2365, %mul3A_2367 : vector<16xi32>
    %add3A_2369 = arith.addi %mul3A_2368, %select_n3A_2333 : vector<16xi32>
    %swap3A_2370 = arith.constant 560 : index
    %swap3A_2371 = tpu.vector_load %arg6[%swap3A_2370] {strides = array<i32>} : memref<576xi32, #tpu.memory_space<vmem>>, vector<16xi32>,
    %swap3A_2372 = vector.shape_cast %swap3A_2371 : vector<16xi32> to vector<16xi32>
    %swap3A_2373 = vector.shape_cast %add3A_2369 : vector<16xi32> to vector<16xi32>
    tpu.vector_store %arg6[%swap3A_2370], %swap3A_2373 {strides = array<i32>} : memref<576xi32, #tpu.memory_space<vmem>>, vector<16xi32>,
    %barrier3A = arith.constant 0 : index
    tpu.barrier barrier_id(%barrier3A)
    %dma_start3A = arith.constant 0 : i32
    %dma_start3A_2374 = tpu.memref_slice %arg6[%dma_start3A] : memref<576xi32, #tpu.memory_space<vmem>> -> memref<8xi32, #tpu.memory_space<vmem>>
    %dma_start3A_2375 = arith.constant 0 : i32
    %dma_start3A_2376 = arith.constant 0 : i32
    %dma_start3A_2377 = arith.constant 0 : i32
    %dma_start3A_2378 = tpu.memref_slice %arg10[%dma_start3A_2375, %dma_start3A_2376, %dma_start3A_2377] : memref<36x32x128xf32, #tpu.memory_space<vmem_shared>> -> memref<36x32x128xf32, #tpu.memory_space<vmem_shared>>
    tpu.enqueue_indirect_dma source(%dma_start3A_2378 : memref<36x32x128xf32, #tpu.memory_space<vmem_shared>>) target(%arg7 : memref<8x32x128xf32, #tpu.memory_space<vmem>>) offsets(%dma_start3A_2374 : memref<8xi32, #tpu.memory_space<vmem>>) semaphore(%arg11 : memref<!tpu.dma_semaphore, #tpu.memory_space<semaphore_mem>>)
    %dma_start3A_2379 = arith.constant 8 : i32
    %dma_start3A_2380 = tpu.memref_slice %arg6[%dma_start3A_2379] : memref<576xi32, #tpu.memory_space<vmem>> -> memref<8xi32, #tpu.memory_space<vmem>>
    %dma_start3A_2381 = arith.constant 0 : i32
    %dma_start3A_2382 = arith.constant 0 : i32
    %dma_start3A_2383 = arith.constant 0 : i32
    %dma_start3A_2384 = tpu.memref_slice %arg10[%dma_start3A_2381, %dma_start3A_2382, %dma_start3A_2383] : memref<36x32x128xf32, #tpu.memory_space<vmem_shared>> -> memref<36x32x128xf32, #tpu.memory_space<vmem_shared>>
    tpu.enqueue_indirect_dma source(%dma_start3A_2384 : memref<36x32x128xf32, #tpu.memory_space<vmem_shared>>) target(%arg8 : memref<8x32x128xf32, #tpu.memory_space<vmem>>) offsets(%dma_start3A_2380 : memref<8xi32, #tpu.memory_space<vmem>>) semaphore(%arg12 : memref<!tpu.dma_semaphore, #tpu.memory_space<semaphore_mem>>)
    %dma_start3A_2385 = arith.constant 16 : i32
    %dma_start3A_2386 = tpu.memref_slice %arg6[%dma_start3A_2385] : memref<576xi32, #tpu.memory_space<vmem>> -> memref<8xi32, #tpu.memory_space<vmem>>
    %dma_start3A_2387 = arith.constant 0 : i32
    %dma_start3A_2388 = arith.constant 0 : i32
    %dma_start3A_2389 = arith.constant 0 : i32
    %dma_start3A_2390 = tpu.memref_slice %arg10[%dma_start3A_2387, %dma_start3A_2388, %dma_start3A_2389] : memref<36x32x128xf32, #tpu.memory_space<vmem_shared>> -> memref<36x32x128xf32, #tpu.memory_space<vmem_shared>>
    tpu.enqueue_indirect_dma source(%dma_start3A_2390 : memref<36x32x128xf32, #tpu.memory_space<vmem_shared>>) target(%arg9 : memref<8x32x128xf32, #tpu.memory_space<vmem>>) offsets(%dma_start3A_2386 : memref<8xi32, #tpu.memory_space<vmem>>) semaphore(%arg13 : memref<!tpu.dma_semaphore, #tpu.memory_space<semaphore_mem>>)
    %scan3A = arith.constant 0 : i32
    %scan3A_2391 = arith.constant 0 : i32
    %scan3A_2392 = arith.constant 23 : i32
    %scan3A_2393 = arith.addi %scan3A_2391, %scan3A_2392 : i32
    %scan3A_2394 = arith.constant 1 : i32
    scf.for %scan3A_2455 = %scan3A_2391 to %scan3A_2393 step %scan3A_2394  : i32 {
      %mul3A_2456 = arith.constant 3 : i32
      %mul3A_2457 = arith.muli %scan3A_2455, %mul3A_2456 : i32
      %dma_wait3A_2458 = arith.constant 0 : i32
      %dma_wait3A_2459 = tpu.memref_slice %arg6[%dma_wait3A_2458] : memref<576xi32, #tpu.memory_space<vmem>> -> memref<8xi32, #tpu.memory_space<vmem>>
      %dma_wait3A_2460 = arith.constant 0 : i32
      %dma_wait3A_2461 = arith.constant 0 : i32
      %dma_wait3A_2462 = arith.constant 0 : i32
      %dma_wait3A_2463 = tpu.memref_slice %arg10[%dma_wait3A_2460, %dma_wait3A_2461, %dma_wait3A_2462] : memref<36x32x128xf32, #tpu.memory_space<vmem_shared>> -> memref<36x32x128xf32, #tpu.memory_space<vmem_shared>>
      tpu.wait_indirect_dma semaphore(%arg11 : memref<!tpu.dma_semaphore, #tpu.memory_space<semaphore_mem>>) src(%dma_wait3A_2463 : memref<36x32x128xf32, #tpu.memory_space<vmem_shared>>) dst(%arg7 : memref<8x32x128xf32, #tpu.memory_space<vmem>>)
      %mul3A_2464 = arith.constant 8 : i32
      %mul3A_2465 = arith.muli %mul3A_2457, %mul3A_2464 : i32
      %add3A_2466 = arith.addi %add3A_4, %mul3A_2465 : i32
      %dma_start3A_2467 = arith.constant 0 : i32
      %dma_start3A_2468 = arith.constant 0 : i32
      %dma_start3A_2469 = tpu.memref_slice %arg4[%add3A_2466, %dma_start3A_2467, %dma_start3A_2468] : memref<18432x32x128xf32, #tpu.memory_space<hbm>> -> memref<8x32x128xf32, #tpu.memory_space<hbm>>
      %dma_start3A_2470 = arith.constant 0 : i32
      %dma_start3A_2471 = arith.constant 0 : i32
      %dma_start3A_2472 = tpu.memref_slice %arg4[%add3A_2466, %dma_start3A_2470, %dma_start3A_2471] : memref<18432x32x128xf32, #tpu.memory_space<hbm>> -> memref<8x32x128xf32, #tpu.memory_space<hbm>>
      tpu.enqueue_dma source(%arg7 : memref<8x32x128xf32, #tpu.memory_space<vmem>>) target(%dma_start3A_2472 : memref<8x32x128xf32, #tpu.memory_space<hbm>>) target_semaphore(%arg14 : memref<!tpu.dma_semaphore, #tpu.memory_space<semaphore_mem>>)
      %dma_wait3A_2473 = arith.constant 0 : i32
      %dma_wait3A_2474 = tpu.memref_slice %arg6[%dma_wait3A_2473] : memref<576xi32, #tpu.memory_space<vmem>> -> memref<8xi32, #tpu.memory_space<vmem>>
      %dma_wait3A_2475 = arith.constant 0 : i32
      %dma_wait3A_2476 = arith.constant 0 : i32
      %dma_wait3A_2477 = arith.constant 0 : i32
      %dma_wait3A_2478 = tpu.memref_slice %arg10[%dma_wait3A_2475, %dma_wait3A_2476, %dma_wait3A_2477] : memref<36x32x128xf32, #tpu.memory_space<vmem_shared>> -> memref<36x32x128xf32, #tpu.memory_space<vmem_shared>>
      tpu.wait_indirect_dma semaphore(%arg12 : memref<!tpu.dma_semaphore, #tpu.memory_space<semaphore_mem>>) src(%dma_wait3A_2478 : memref<36x32x128xf32, #tpu.memory_space<vmem_shared>>) dst(%arg8 : memref<8x32x128xf32, #tpu.memory_space<vmem>>)
      %add3A_2479 = arith.constant 1 : i32
      %add3A_2480 = arith.addi %mul3A_2457, %add3A_2479 : i32
      %mul3A_2481 = arith.constant 8 : i32
      %mul3A_2482 = arith.muli %add3A_2480, %mul3A_2481 : i32
      %add3A_2483 = arith.addi %add3A_4, %mul3A_2482 : i32
      %dma_start3A_2484 = arith.constant 0 : i32
      %dma_start3A_2485 = arith.constant 0 : i32
      %dma_start3A_2486 = tpu.memref_slice %arg4[%add3A_2483, %dma_start3A_2484, %dma_start3A_2485] : memref<18432x32x128xf32, #tpu.memory_space<hbm>> -> memref<8x32x128xf32, #tpu.memory_space<hbm>>
      %dma_start3A_2487 = arith.constant 0 : i32
      %dma_start3A_2488 = arith.constant 0 : i32
      %dma_start3A_2489 = tpu.memref_slice %arg4[%add3A_2483, %dma_start3A_2487, %dma_start3A_2488] : memref<18432x32x128xf32, #tpu.memory_space<hbm>> -> memref<8x32x128xf32, #tpu.memory_space<hbm>>
      tpu.enqueue_dma source(%arg8 : memref<8x32x128xf32, #tpu.memory_space<vmem>>) target(%dma_start3A_2489 : memref<8x32x128xf32, #tpu.memory_space<hbm>>) target_semaphore(%arg15 : memref<!tpu.dma_semaphore, #tpu.memory_space<semaphore_mem>>)
      %dma_wait3A_2490 = arith.constant 0 : i32
      %dma_wait3A_2491 = tpu.memref_slice %arg6[%dma_wait3A_2490] : memref<576xi32, #tpu.memory_space<vmem>> -> memref<8xi32, #tpu.memory_space<vmem>>
      %dma_wait3A_2492 = arith.constant 0 : i32
      %dma_wait3A_2493 = arith.constant 0 : i32
      %dma_wait3A_2494 = arith.constant 0 : i32
      %dma_wait3A_2495 = tpu.memref_slice %arg10[%dma_wait3A_2492, %dma_wait3A_2493, %dma_wait3A_2494] : memref<36x32x128xf32, #tpu.memory_space<vmem_shared>> -> memref<36x32x128xf32, #tpu.memory_space<vmem_shared>>
      tpu.wait_indirect_dma semaphore(%arg13 : memref<!tpu.dma_semaphore, #tpu.memory_space<semaphore_mem>>) src(%dma_wait3A_2495 : memref<36x32x128xf32, #tpu.memory_space<vmem_shared>>) dst(%arg9 : memref<8x32x128xf32, #tpu.memory_space<vmem>>)
      %add3A_2496 = arith.constant 2 : i32
      %add3A_2497 = arith.addi %mul3A_2457, %add3A_2496 : i32
      %mul3A_2498 = arith.constant 8 : i32
      %mul3A_2499 = arith.muli %add3A_2497, %mul3A_2498 : i32
      %add3A_2500 = arith.addi %add3A_4, %mul3A_2499 : i32
      %dma_start3A_2501 = arith.constant 0 : i32
      %dma_start3A_2502 = arith.constant 0 : i32
      %dma_start3A_2503 = tpu.memref_slice %arg4[%add3A_2500, %dma_start3A_2501, %dma_start3A_2502] : memref<18432x32x128xf32, #tpu.memory_space<hbm>> -> memref<8x32x128xf32, #tpu.memory_space<hbm>>
      %dma_start3A_2504 = arith.constant 0 : i32
      %dma_start3A_2505 = arith.constant 0 : i32
      %dma_start3A_2506 = tpu.memref_slice %arg4[%add3A_2500, %dma_start3A_2504, %dma_start3A_2505] : memref<18432x32x128xf32, #tpu.memory_space<hbm>> -> memref<8x32x128xf32, #tpu.memory_space<hbm>>
      tpu.enqueue_dma source(%arg9 : memref<8x32x128xf32, #tpu.memory_space<vmem>>) target(%dma_start3A_2506 : memref<8x32x128xf32, #tpu.memory_space<hbm>>) target_semaphore(%arg16 : memref<!tpu.dma_semaphore, #tpu.memory_space<semaphore_mem>>)
      %dma_wait3A_2507 = arith.constant 0 : i32
      %dma_wait3A_2508 = arith.constant 0 : i32
      %dma_wait3A_2509 = tpu.memref_slice %arg4[%add3A_4, %dma_wait3A_2507, %dma_wait3A_2508] : memref<18432x32x128xf32, #tpu.memory_space<hbm>> -> memref<8x32x128xf32, #tpu.memory_space<hbm>>
      %dma_wait3A_2510 = arith.constant 0 : i32
      %dma_wait3A_2511 = arith.constant 0 : i32
      %dma_wait3A_2512 = tpu.memref_slice %arg4[%add3A_4, %dma_wait3A_2510, %dma_wait3A_2511] : memref<18432x32x128xf32, #tpu.memory_space<hbm>> -> memref<8x32x128xf32, #tpu.memory_space<hbm>>
      tpu.wait_dma2 semaphore(%arg14 : memref<!tpu.dma_semaphore, #tpu.memory_space<semaphore_mem>>) src(%arg7 : memref<8x32x128xf32, #tpu.memory_space<vmem>>) dst(%dma_wait3A_2512 : memref<8x32x128xf32, #tpu.memory_space<hbm>>)
      %add3A_2513 = arith.constant 3 : i32
      %add3A_2514 = arith.addi %mul3A_2457, %add3A_2513 : i32
      %mul3A_2515 = arith.constant 8 : i32
      %mul3A_2516 = arith.muli %add3A_2514, %mul3A_2515 : i32
      %dma_start3A_2517 = tpu.memref_slice %arg6[%mul3A_2516] : memref<576xi32, #tpu.memory_space<vmem>> -> memref<8xi32, #tpu.memory_space<vmem>>
      %dma_start3A_2518 = arith.constant 0 : i32
      %dma_start3A_2519 = arith.constant 0 : i32
      %dma_start3A_2520 = arith.constant 0 : i32
      %dma_start3A_2521 = tpu.memref_slice %arg10[%dma_start3A_2518, %dma_start3A_2519, %dma_start3A_2520] : memref<36x32x128xf32, #tpu.memory_space<vmem_shared>> -> memref<36x32x128xf32, #tpu.memory_space<vmem_shared>>
      tpu.enqueue_indirect_dma source(%dma_start3A_2521 : memref<36x32x128xf32, #tpu.memory_space<vmem_shared>>) target(%arg7 : memref<8x32x128xf32, #tpu.memory_space<vmem>>) offsets(%dma_start3A_2517 : memref<8xi32, #tpu.memory_space<vmem>>) semaphore(%arg11 : memref<!tpu.dma_semaphore, #tpu.memory_space<semaphore_mem>>)
      %dma_wait3A_2522 = arith.constant 0 : i32
      %dma_wait3A_2523 = arith.constant 0 : i32
      %dma_wait3A_2524 = tpu.memref_slice %arg4[%add3A_4, %dma_wait3A_2522, %dma_wait3A_2523] : memref<18432x32x128xf32, #tpu.memory_space<hbm>> -> memref<8x32x128xf32, #tpu.memory_space<hbm>>
      %dma_wait3A_2525 = arith.constant 0 : i32
      %dma_wait3A_2526 = arith.constant 0 : i32
      %dma_wait3A_2527 = tpu.memref_slice %arg4[%add3A_4, %dma_wait3A_2525, %dma_wait3A_2526] : memref<18432x32x128xf32, #tpu.memory_space<hbm>> -> memref<8x32x128xf32, #tpu.memory_space<hbm>>
      tpu.wait_dma2 semaphore(%arg15 : memref<!tpu.dma_semaphore, #tpu.memory_space<semaphore_mem>>) src(%arg8 : memref<8x32x128xf32, #tpu.memory_space<vmem>>) dst(%dma_wait3A_2527 : memref<8x32x128xf32, #tpu.memory_space<hbm>>)
      %add3A_2528 = arith.constant 4 : i32
      %add3A_2529 = arith.addi %mul3A_2457, %add3A_2528 : i32
      %mul3A_2530 = arith.constant 8 : i32
      %mul3A_2531 = arith.muli %add3A_2529, %mul3A_2530 : i32
      %dma_start3A_2532 = tpu.memref_slice %arg6[%mul3A_2531] : memref<576xi32, #tpu.memory_space<vmem>> -> memref<8xi32, #tpu.memory_space<vmem>>
      %dma_start3A_2533 = arith.constant 0 : i32
      %dma_start3A_2534 = arith.constant 0 : i32
      %dma_start3A_2535 = arith.constant 0 : i32
      %dma_start3A_2536 = tpu.memref_slice %arg10[%dma_start3A_2533, %dma_start3A_2534, %dma_start3A_2535] : memref<36x32x128xf32, #tpu.memory_space<vmem_shared>> -> memref<36x32x128xf32, #tpu.memory_space<vmem_shared>>
      tpu.enqueue_indirect_dma source(%dma_start3A_2536 : memref<36x32x128xf32, #tpu.memory_space<vmem_shared>>) target(%arg8 : memref<8x32x128xf32, #tpu.memory_space<vmem>>) offsets(%dma_start3A_2532 : memref<8xi32, #tpu.memory_space<vmem>>) semaphore(%arg12 : memref<!tpu.dma_semaphore, #tpu.memory_space<semaphore_mem>>)
      %dma_wait3A_2537 = arith.constant 0 : i32
      %dma_wait3A_2538 = arith.constant 0 : i32
      %dma_wait3A_2539 = tpu.memref_slice %arg4[%add3A_4, %dma_wait3A_2537, %dma_wait3A_2538] : memref<18432x32x128xf32, #tpu.memory_space<hbm>> -> memref<8x32x128xf32, #tpu.memory_space<hbm>>
      %dma_wait3A_2540 = arith.constant 0 : i32
      %dma_wait3A_2541 = arith.constant 0 : i32
      %dma_wait3A_2542 = tpu.memref_slice %arg4[%add3A_4, %dma_wait3A_2540, %dma_wait3A_2541] : memref<18432x32x128xf32, #tpu.memory_space<hbm>> -> memref<8x32x128xf32, #tpu.memory_space<hbm>>
      tpu.wait_dma2 semaphore(%arg16 : memref<!tpu.dma_semaphore, #tpu.memory_space<semaphore_mem>>) src(%arg9 : memref<8x32x128xf32, #tpu.memory_space<vmem>>) dst(%dma_wait3A_2542 : memref<8x32x128xf32, #tpu.memory_space<hbm>>)
      %add3A_2543 = arith.constant 5 : i32
      %add3A_2544 = arith.addi %mul3A_2457, %add3A_2543 : i32
      %mul3A_2545 = arith.constant 8 : i32
      %mul3A_2546 = arith.muli %add3A_2544, %mul3A_2545 : i32
      %dma_start3A_2547 = tpu.memref_slice %arg6[%mul3A_2546] : memref<576xi32, #tpu.memory_space<vmem>> -> memref<8xi32, #tpu.memory_space<vmem>>
      %dma_start3A_2548 = arith.constant 0 : i32
      %dma_start3A_2549 = arith.constant 0 : i32
      %dma_start3A_2550 = arith.constant 0 : i32
      %dma_start3A_2551 = tpu.memref_slice %arg10[%dma_start3A_2548, %dma_start3A_2549, %dma_start3A_2550] : memref<36x32x128xf32, #tpu.memory_space<vmem_shared>> -> memref<36x32x128xf32, #tpu.memory_space<vmem_shared>>
      tpu.enqueue_indirect_dma source(%dma_start3A_2551 : memref<36x32x128xf32, #tpu.memory_space<vmem_shared>>) target(%arg9 : memref<8x32x128xf32, #tpu.memory_space<vmem>>) offsets(%dma_start3A_2547 : memref<8xi32, #tpu.memory_space<vmem>>) semaphore(%arg13 : memref<!tpu.dma_semaphore, #tpu.memory_space<semaphore_mem>>)
    }
    %scan3A_2395 = arith.constant 23 : i32
    %dma_wait3A = arith.constant 0 : i32
    %dma_wait3A_2396 = tpu.memref_slice %arg6[%dma_wait3A] : memref<576xi32, #tpu.memory_space<vmem>> -> memref<8xi32, #tpu.memory_space<vmem>>
    %dma_wait3A_2397 = arith.constant 0 : i32
    %dma_wait3A_2398 = arith.constant 0 : i32
    %dma_wait3A_2399 = arith.constant 0 : i32
    %dma_wait3A_2400 = tpu.memref_slice %arg10[%dma_wait3A_2397, %dma_wait3A_2398, %dma_wait3A_2399] : memref<36x32x128xf32, #tpu.memory_space<vmem_shared>> -> memref<36x32x128xf32, #tpu.memory_space<vmem_shared>>
    tpu.wait_indirect_dma semaphore(%arg11 : memref<!tpu.dma_semaphore, #tpu.memory_space<semaphore_mem>>) src(%dma_wait3A_2400 : memref<36x32x128xf32, #tpu.memory_space<vmem_shared>>) dst(%arg7 : memref<8x32x128xf32, #tpu.memory_space<vmem>>)
    %add3A_2401 = arith.constant 552 : i32
    %add3A_2402 = arith.addi %add3A_4, %add3A_2401 : i32
    %dma_start3A_2403 = arith.constant 0 : i32
    %dma_start3A_2404 = arith.constant 0 : i32
    %dma_start3A_2405 = tpu.memref_slice %arg4[%add3A_2402, %dma_start3A_2403, %dma_start3A_2404] : memref<18432x32x128xf32, #tpu.memory_space<hbm>> -> memref<8x32x128xf32, #tpu.memory_space<hbm>>
    %dma_start3A_2406 = arith.constant 0 : i32
    %dma_start3A_2407 = arith.constant 0 : i32
    %dma_start3A_2408 = tpu.memref_slice %arg4[%add3A_2402, %dma_start3A_2406, %dma_start3A_2407] : memref<18432x32x128xf32, #tpu.memory_space<hbm>> -> memref<8x32x128xf32, #tpu.memory_space<hbm>>
    tpu.enqueue_dma source(%arg7 : memref<8x32x128xf32, #tpu.memory_space<vmem>>) target(%dma_start3A_2408 : memref<8x32x128xf32, #tpu.memory_space<hbm>>) target_semaphore(%arg14 : memref<!tpu.dma_semaphore, #tpu.memory_space<semaphore_mem>>)
    %dma_wait3A_2409 = arith.constant 0 : i32
    %dma_wait3A_2410 = tpu.memref_slice %arg6[%dma_wait3A_2409] : memref<576xi32, #tpu.memory_space<vmem>> -> memref<8xi32, #tpu.memory_space<vmem>>
    %dma_wait3A_2411 = arith.constant 0 : i32
    %dma_wait3A_2412 = arith.constant 0 : i32
    %dma_wait3A_2413 = arith.constant 0 : i32
    %dma_wait3A_2414 = tpu.memref_slice %arg10[%dma_wait3A_2411, %dma_wait3A_2412, %dma_wait3A_2413] : memref<36x32x128xf32, #tpu.memory_space<vmem_shared>> -> memref<36x32x128xf32, #tpu.memory_space<vmem_shared>>
    tpu.wait_indirect_dma semaphore(%arg12 : memref<!tpu.dma_semaphore, #tpu.memory_space<semaphore_mem>>) src(%dma_wait3A_2414 : memref<36x32x128xf32, #tpu.memory_space<vmem_shared>>) dst(%arg8 : memref<8x32x128xf32, #tpu.memory_space<vmem>>)
    %add3A_2415 = arith.constant 560 : i32
    %add3A_2416 = arith.addi %add3A_4, %add3A_2415 : i32
    %dma_start3A_2417 = arith.constant 0 : i32
    %dma_start3A_2418 = arith.constant 0 : i32
    %dma_start3A_2419 = tpu.memref_slice %arg4[%add3A_2416, %dma_start3A_2417, %dma_start3A_2418] : memref<18432x32x128xf32, #tpu.memory_space<hbm>> -> memref<8x32x128xf32, #tpu.memory_space<hbm>>
    %dma_start3A_2420 = arith.constant 0 : i32
    %dma_start3A_2421 = arith.constant 0 : i32
    %dma_start3A_2422 = tpu.memref_slice %arg4[%add3A_2416, %dma_start3A_2420, %dma_start3A_2421] : memref<18432x32x128xf32, #tpu.memory_space<hbm>> -> memref<8x32x128xf32, #tpu.memory_space<hbm>>
    tpu.enqueue_dma source(%arg8 : memref<8x32x128xf32, #tpu.memory_space<vmem>>) target(%dma_start3A_2422 : memref<8x32x128xf32, #tpu.memory_space<hbm>>) target_semaphore(%arg15 : memref<!tpu.dma_semaphore, #tpu.memory_space<semaphore_mem>>)
    %dma_wait3A_2423 = arith.constant 0 : i32
    %dma_wait3A_2424 = tpu.memref_slice %arg6[%dma_wait3A_2423] : memref<576xi32, #tpu.memory_space<vmem>> -> memref<8xi32, #tpu.memory_space<vmem>>
    %dma_wait3A_2425 = arith.constant 0 : i32
    %dma_wait3A_2426 = arith.constant 0 : i32
    %dma_wait3A_2427 = arith.constant 0 : i32
    %dma_wait3A_2428 = tpu.memref_slice %arg10[%dma_wait3A_2425, %dma_wait3A_2426, %dma_wait3A_2427] : memref<36x32x128xf32, #tpu.memory_space<vmem_shared>> -> memref<36x32x128xf32, #tpu.memory_space<vmem_shared>>
    tpu.wait_indirect_dma semaphore(%arg13 : memref<!tpu.dma_semaphore, #tpu.memory_space<semaphore_mem>>) src(%dma_wait3A_2428 : memref<36x32x128xf32, #tpu.memory_space<vmem_shared>>) dst(%arg9 : memref<8x32x128xf32, #tpu.memory_space<vmem>>)
    %add3A_2429 = arith.constant 568 : i32
    %add3A_2430 = arith.addi %add3A_4, %add3A_2429 : i32
    %dma_start3A_2431 = arith.constant 0 : i32
    %dma_start3A_2432 = arith.constant 0 : i32
    %dma_start3A_2433 = tpu.memref_slice %arg4[%add3A_2430, %dma_start3A_2431, %dma_start3A_2432] : memref<18432x32x128xf32, #tpu.memory_space<hbm>> -> memref<8x32x128xf32, #tpu.memory_space<hbm>>
    %dma_start3A_2434 = arith.constant 0 : i32
    %dma_start3A_2435 = arith.constant 0 : i32
    %dma_start3A_2436 = tpu.memref_slice %arg4[%add3A_2430, %dma_start3A_2434, %dma_start3A_2435] : memref<18432x32x128xf32, #tpu.memory_space<hbm>> -> memref<8x32x128xf32, #tpu.memory_space<hbm>>
    tpu.enqueue_dma source(%arg9 : memref<8x32x128xf32, #tpu.memory_space<vmem>>) target(%dma_start3A_2436 : memref<8x32x128xf32, #tpu.memory_space<hbm>>) target_semaphore(%arg16 : memref<!tpu.dma_semaphore, #tpu.memory_space<semaphore_mem>>)
    %dma_wait3A_2437 = arith.constant 0 : i32
    %dma_wait3A_2438 = arith.constant 0 : i32
    %dma_wait3A_2439 = tpu.memref_slice %arg4[%add3A_4, %dma_wait3A_2437, %dma_wait3A_2438] : memref<18432x32x128xf32, #tpu.memory_space<hbm>> -> memref<8x32x128xf32, #tpu.memory_space<hbm>>
    %dma_wait3A_2440 = arith.constant 0 : i32
    %dma_wait3A_2441 = arith.constant 0 : i32
    %dma_wait3A_2442 = tpu.memref_slice %arg4[%add3A_4, %dma_wait3A_2440, %dma_wait3A_2441] : memref<18432x32x128xf32, #tpu.memory_space<hbm>> -> memref<8x32x128xf32, #tpu.memory_space<hbm>>
    tpu.wait_dma2 semaphore(%arg14 : memref<!tpu.dma_semaphore, #tpu.memory_space<semaphore_mem>>) src(%arg7 : memref<8x32x128xf32, #tpu.memory_space<vmem>>) dst(%dma_wait3A_2442 : memref<8x32x128xf32, #tpu.memory_space<hbm>>)
    %dma_wait3A_2443 = arith.constant 0 : i32
    %dma_wait3A_2444 = arith.constant 0 : i32
    %dma_wait3A_2445 = tpu.memref_slice %arg4[%add3A_4, %dma_wait3A_2443, %dma_wait3A_2444] : memref<18432x32x128xf32, #tpu.memory_space<hbm>> -> memref<8x32x128xf32, #tpu.memory_space<hbm>>
    %dma_wait3A_2446 = arith.constant 0 : i32
    %dma_wait3A_2447 = arith.constant 0 : i32
    %dma_wait3A_2448 = tpu.memref_slice %arg4[%add3A_4, %dma_wait3A_2446, %dma_wait3A_2447] : memref<18432x32x128xf32, #tpu.memory_space<hbm>> -> memref<8x32x128xf32, #tpu.memory_space<hbm>>
    tpu.wait_dma2 semaphore(%arg15 : memref<!tpu.dma_semaphore, #tpu.memory_space<semaphore_mem>>) src(%arg8 : memref<8x32x128xf32, #tpu.memory_space<vmem>>) dst(%dma_wait3A_2448 : memref<8x32x128xf32, #tpu.memory_space<hbm>>)
    %dma_wait3A_2449 = arith.constant 0 : i32
    %dma_wait3A_2450 = arith.constant 0 : i32
    %dma_wait3A_2451 = tpu.memref_slice %arg4[%add3A_4, %dma_wait3A_2449, %dma_wait3A_2450] : memref<18432x32x128xf32, #tpu.memory_space<hbm>> -> memref<8x32x128xf32, #tpu.memory_space<hbm>>
    %dma_wait3A_2452 = arith.constant 0 : i32
    %dma_wait3A_2453 = arith.constant 0 : i32
    %dma_wait3A_2454 = tpu.memref_slice %arg4[%add3A_4, %dma_wait3A_2452, %dma_wait3A_2453] : memref<18432x32x128xf32, #tpu.memory_space<hbm>> -> memref<8x32x128xf32, #tpu.memory_space<hbm>>
    tpu.wait_dma2 semaphore(%arg16 : memref<!tpu.dma_semaphore, #tpu.memory_space<semaphore_mem>>) src(%arg9 : memref<8x32x128xf32, #tpu.memory_space<vmem>>) dst(%dma_wait3A_2454 : memref<8x32x128xf32, #tpu.memory_space<hbm>>)
    return
  }
}

module attributes {stable_mosaic.version = 14 : i64} {
  func.func @_fuse_body(%arg0: memref<9x8192xf32, #tpu.memory_space<vmem>>, %arg1: memref<9x8192xf32, #tpu.memory_space<vmem>>, %arg2: memref<9x1024xf32, #tpu.memory_space<vmem>>, %arg3: memref<18x8x1024xf32, #tpu.memory_space<vmem>>) attributes {dimension_semantics = [], scalar_prefetch = 0 : i64, scratch_operands = 0 : i64, tpu.core_type = #tpu.core_type<tc>} {
    %get3A = arith.constant 0 : index
    %get3A_0 = arith.constant 0 : index
    %get3A_1 = vector.load %arg2[%get3A, %get3A_0] : memref<9x1024xf32, #tpu.memory_space<vmem>>, vector<9x1024xf32>
    %broadcast_in_dim3A = vector.shape_cast %get3A_1 : vector<9x1024xf32> to vector<9x1x1024xf32>
    %broadcast_in_dim3A_2 = vector.shape_cast %broadcast_in_dim3A : vector<9x1x1024xf32> to vector<9x1x1024xf32>
    %broadcast_in_dim3A_3 = vector.broadcast %broadcast_in_dim3A_2 : vector<9x1x1024xf32> to vector<9x8x1024xf32>
    %get3A_4 = arith.constant 0 : index
    %get3A_5 = arith.constant 0 : index
    %get3A_6 = vector.load %arg1[%get3A_4, %get3A_5] : memref<9x8192xf32, #tpu.memory_space<vmem>>, vector<9x8192xf32>
    %reshape3A = vector.shape_cast %get3A_6 : vector<9x8192xf32> to vector<9x8x1024xf32>
    %add3A = arith.addf %reshape3A, %broadcast_in_dim3A_3 : vector<9x8x1024xf32>
    %swap3A = arith.constant 0 : index
    %swap3A_7 = arith.constant 0 : index
    %swap3A_8 = arith.constant 0 : index
    %swap3A_9 = vector.load %arg3[%swap3A, %swap3A_7, %swap3A_8] : memref<18x8x1024xf32, #tpu.memory_space<vmem>>, vector<9x8x1024xf32>
    tpu.vector_store %arg3[%swap3A, %swap3A_7, %swap3A_8], %add3A {strides = array<i32>} : memref<18x8x1024xf32, #tpu.memory_space<vmem>>, vector<9x8x1024xf32>,
    %get3A_10 = arith.constant 0 : index
    %get3A_11 = arith.constant 0 : index
    %get3A_12 = vector.load %arg0[%get3A_10, %get3A_11] : memref<9x8192xf32, #tpu.memory_space<vmem>>, vector<9x8192xf32>
    %reshape3A_13 = vector.shape_cast %get3A_12 : vector<9x8192xf32> to vector<9x8x1024xf32>
    %add3A_14 = arith.addf %reshape3A_13, %broadcast_in_dim3A_3 : vector<9x8x1024xf32>
    %swap3A_15 = arith.constant 9 : index
    %swap3A_16 = arith.constant 0 : index
    %swap3A_17 = arith.constant 0 : index
    %swap3A_18 = vector.load %arg3[%swap3A_15, %swap3A_16, %swap3A_17] : memref<18x8x1024xf32, #tpu.memory_space<vmem>>, vector<9x8x1024xf32>
    tpu.vector_store %arg3[%swap3A_15, %swap3A_16, %swap3A_17], %add3A_14 {strides = array<i32>} : memref<18x8x1024xf32, #tpu.memory_space<vmem>>, vector<9x8x1024xf32>,
    return
  }
}

</mosaic_0001>

<sc_bundles>
// kernel: kernel.4.cloned.1.call-start
scs
__scs_entry_jumppad:
0x0: {  	(pc) =	sbr.rel $0x88, $3  }
0x1: {  	(tag) =	ssettag $0x0;
	lr =	simm.s32 $0x1  }
0x2: {  	[smem:$0x3F9D] =	sst lr;
	_ =	strace $0xD0000000  }
0x3: {  	_ = 	snop  }
0x4: {  	_ = 	snop  }
0x5: {  	_ = 	snop  }
0x6: {  	_ = 	snop  }
0x7: {  	_ = 	snop  }
__scs_overlays_trampoline_lowered:
0x8: {  	[smem:$0x3FAC] =	sst s0  }
0x9: {  	[smem:$0x3FAD] =	sst s1  }
0xa: {  	[smem:$0x3FAE] =	sst s2  }
0xb: {  	[smem:$0x3FAF] =	sst s3  }
0xc: {  	[smem:$0x3FB0] =	sst s4  }
0xd: {  	[smem:$0x3FB1] =	sst s5  }
0xe: {  	[smem:$0x3FB2] =	sst s6  }
0xf: {  	[smem:$0x3FB3] =	sst s7  }
0x10: {  	[smem:$0x3FB4] =	sst s8  }
0x11: {  	[smem:$0x3FB5] =	sst s9;
	s0 =	simm.s32 @!p0 $0x0  }
0x12: {  	s1 =	sld [smem:$0x3F9B];
	s0 =	simm.s32 @p0 $0x1  }
0x13: {  	[smem:$0x3FB6] =	sst s0;
	s0 =	simm.s32 @!p1 $0x0  }
0x14: {  	s2 =	sld [smem:$0x3F9A];
	s0 =	simm.s32 @p1 $0x1  }
0x15: {  	[smem:$0x3FB7] =	sst s0;
	s0 =	simm.s32 @!p2 $0x0  }
0x16: {  	s3 =	sld [smem:$0x3FDB];
	s0 =	simm.s32 @p2 $0x1  }
0x17: {  	s4 =	simm.s32 $0x1BF5;
	[smem:$0x3FB9] =	sst s0  }
0x18: {  	s0 =	sld [smem:$0x3F9C];
	_ =	swait.ge [sflag:s4], $0x0  }
0x19: {  	s7 =	sld [smem:$0x3F9D]  }
0x1a: {  	s8 =	sadd.s32 $0xFFFFE003, lr  }
0x1b: {  	s9 =	sadd.s32 $0xFFFFFEF7, lr;
	s5 =	simm.s32 $0xFFFFFFFF;
	p2 =	slt.u32 s8, $0xFFFFF086  }
0x1c: {  	p1 =	slt.u32 s9, $0xF7A;
	s5 =	simm.s32 @!p2 $0x0  }
0x1d: {  	s5 =	simm.s32 @p1 $0x1;
	p0 =	seq.s32 s7, s2  }
0x1e: {  	s7 =	smul.u32 @!p0 $0xF7A, s2;
	p2 =	seq.s32 @!p0 s5, $0x0  }
0x1f: {  	s9 =	smul.u32 $0xF7A, s1;
	s8 =	simm.s32 @!p0 $0x1BF5;
	p2 =	por !p2, p0  }
0x20: {  	[sflag:s8] =	ssyncset.s32 @!p0 $0xFFFFF086;
	s6 =	sadd.s32 @!p0 s3, s7;
	s7 =	simm.s32 @!p0 $0x108  }
0x21: {  	s3 =	sadd.s32 s3, s9;
	s6 =	sadd.s32 @!p0 $0x88, s6;
	s7 =	simm.s32 @p2 $0x1082  }
0x22: {  	[simem:s7], [sflag:s8] =	dma.local @!p0 [hbm:s6], $0xF7A  }
0x23: {  	s9 =	sor.u32 $0xD0000000, s2;
	s6 =	simm.s32 $0x108;
	_ =	swait.ge @!p0 [sflag:s8], $0x0  }
0x24: {  	s3 =	sadd.s32 $0x88, s3;
	s6 =	simm.s32 @!p1 $0x1082;
	[sflag:s4] =	ssyncset.s32 $0xFFFFF086  }
0x25: {  	[simem:s6], [sflag:s4] =	dma.local [hbm:s3], $0xF7A  }
0x26: {  	[smem:$0x3F9D] =	sst s1;
	(tag) =	ssettag s2;
	_ =	strace s9  }
0x27: {  	s1 =	sld [smem:$0x3FAD]  }
0x28: {  	s2 =	sld [smem:$0x3FAE]  }
0x29: {  	s4 =	sld [smem:$0x3FB0]  }
0x2a: {  	p0 =	seq.s32 s5, $0x0;
	s5 =	sld [smem:$0x3FB1]  }
0x2b: {  	s6 =	sld [smem:$0x3FB2]  }
0x2c: {  	s7 =	sld [smem:$0x3FB3]  }
0x2d: {  	s3 =	simm.s32 $0x108;
	s8 =	sld [smem:$0x3FB4]  }
0x2e: {  	s3 =	simm.s32 @!p0 $0x1082;
	s9 =	sld [smem:$0x3FB5]  }
0x2f: {  	lr =	sadd.s32 s0, s3;
	s0 =	sld [smem:$0x3FAC]  }
0x30: {  	s3 =	sld [smem:$0x3FAF]  }
0x31: {  	[smem:$0x3FB8] =	sst s10  }
0x32: {  	s10 =	sld [smem:$0x3FB6];
	_ =	sdelay $0x3  }
0x33: {  	p0 =	seq.s32 s10, $0x1;
	s10 =	sld [smem:$0x3FB8];
	_ =	sdelay $0x3  }
0x34: {  	[smem:$0x3FB8] =	sst s10  }
0x35: {  	s10 =	sld [smem:$0x3FB7];
	_ =	sdelay $0x3  }
0x36: {  	p1 =	seq.s32 s10, $0x1;
	s10 =	sld [smem:$0x3FB8];
	_ =	sdelay $0x3  }
0x37: {  	[smem:$0x3FB8] =	sst s10  }
0x38: {  	s10 =	sld [smem:$0x3FB9]  }
0x39: {  	_ = 	snop;
	(pc) =	sbr.ind lr, $3  }
0x3a: {  	_ = 	snop  }
0x3b: {  	_ = 	snop  }
0x3c: {  	p2 =	seq.s32 s10, $0x1;
	s10 =	sld [smem:$0x3FB8]  }
0x3d: {  	_ =	shalt  }
0x3e: {  	_ =	shalt  }
0x3f: {  	_ =	shalt  }
0x40: {  	_ =	shalt  }
0x41: {  	_ =	shalt  }
0x42: {  	_ =	shalt  }
0x43: {  	_ =	shalt  }
0x44: {  	_ =	shalt  }
0x45: {  	_ =	shalt  }
0x46: {  	_ =	shalt  }
0x47: {  	_ =	shalt  }
0x48: {  	_ =	shalt  }
0x49: {  	_ =	shalt  }
0x4a: {  	_ =	shalt  }
0x4b: {  	_ =	shalt  }
0x4c: {  	_ =	shalt  }
0x4d: {  	_ =	shalt  }
0x4e: {  	_ =	shalt  }
0x4f: {  	_ =	shalt  }
0x50: {  	_ =	shalt  }
0x51: {  	_ =	shalt  }
0x52: {  	_ =	shalt  }
0x53: {  	_ =	shalt  }
0x54: {  	_ =	shalt  }
0x55: {  	_ =	shalt  }
0x56: {  	_ =	shalt  }
0x57: {  	_ =	shalt  }
0x58: {  	_ =	shalt  }
0x59: {  	_ =	shalt  }
0x5a: {  	_ =	shalt  }
0x5b: {  	_ =	shalt  }
0x5c: {  	_ =	shalt  }
0x5d: {  	_ =	shalt  }
0x5e: {  	_ =	shalt  }
0x5f: {  	_ =	shalt  }
0x60: {  	_ =	shalt  }
0x61: {  	_ =	shalt  }
0x62: {  	_ =	shalt  }
0x63: {  	_ =	shalt  }
0x64: {  	_ =	shalt  }
0x65: {  	_ =	shalt  }
0x66: {  	_ =	shalt  }
0x67: {  	_ =	shalt  }
0x68: {  	_ =	shalt  }
0x69: {  	_ =	shalt  }
0x6a: {  	_ =	shalt  }
0x6b: {  	_ =	shalt  }
0x6c: {  	_ =	shalt  }
0x6d: {  	_ =	shalt  }
0x6e: {  	_ =	shalt  }
0x6f: {  	_ =	shalt  }
0x70: {  	_ =	shalt  }
0x71: {  	_ =	shalt  }
0x72: {  	_ =	shalt  }
0x73: {  	_ =	shalt  }
0x74: {  	_ =	shalt  }
0x75: {  	_ =	shalt  }
0x76: {  	_ =	shalt  }
0x77: {  	_ =	shalt  }
0x78: {  	_ =	shalt  }
0x79: {  	_ =	shalt  }
0x7a: {  	_ =	shalt  }
0x7b: {  	_ =	shalt  }
0x7c: {  	_ =	shalt  }
0x7d: {  	_ =	shalt  }
0x7e: {  	_ =	shalt  }
0x7f: {  	_ =	shalt  }
0x80: {  	_ =	shalt  }
0x81: {  	_ =	shalt  }
0x82: {  	_ =	shalt  }
0x83: {  	_ =	shalt  }
0x84: {  	_ =	shalt  }
0x85: {  	_ =	shalt  }
0x86: {  	_ =	shalt  }
0x87: {  	_ =	shalt  }
.Lfunc_end0:
.L_simem_size_0:
called_computation_lowered:
.L_overlay_start_0:
0x88: {  	s2 =	sld [smem:$0x3FD9]  }
0x89: {  	s3 =	sld [smem:$0x3FFE];
	_ =	sdelay $0x1  }
0x8a: {  	s1 =	srdreg.scid  }
0x8b: {  	s0 =	sand.u32 $0x1, s1  }
0x8c: {  	s17 =	sshll.u32 s0, $0xA;
	s2 =	sadd.s32 s3, s2  }
0x8d: {  	s2 =	sadd.s32 s2, s17  }
0x8e: {  	[smem:$0x3FC4] =	sst s2  }
0x8f: {  	_ = 	snop  }
0x90: {  	s2 =	sld [smem:$0x3FD0];
	(tm) =	ssettm $0x1  }
0x91: {  	s18 =	sld [smem:$0x3FFB];
	_ =	sdelay $0x3  }
0x92: {  	_ =	strace s18  }
0x93: {  	s3 =	sld [smem:$0x3FFC];
	_ =	sdelay $0x3  }
0x94: {  	_ =	strace s3  }
0x95: {  	s3 =	sld [smem:$0x3FFD];
	_ =	sdelay $0x3  }
0x96: {  	_ =	strace s3  }
0x97: {  	_ =	strace $0x8FFFFFFF  }
0x98: {  	s19 =	sld [smem:$0x3FDB];
	_ =	sdelay $0x1  }
0x99: {  	s4 =	simm.s32 $_scs_section_size  }
0x9a: {  	s5 =	simm.s32 $_size__tile_overlayer_lowered;
	s6 =	simm.s32 $_tile_overlayer_lowered  }
0x9b: {  	s22 =	simm.s32 $0x1BFF;
	s21 =	sshll.u32 s6, $0x1;
	s3 =	sadd.s32 s4, s19  }
0x9c: {  	s7 =	simm.s32 $0x0;
	s20 =	sshll.u32 s5, $0x1;
	s5 =	sadd.s32 s21, s3  }
0x9d: {  	[timem:s7], [sflag:s22] =	dma.local [hbm:s5], s20  }
0x9e: {  	_ =	swait.ge [sflag:s22], s20  }
0x9f: {  	s4 =	ssub.s32 $0x0, s20;
	[sflag:s22] =	ssyncset.done $0x0  }
0xa0: {  	[sflag:s22] =	ssyncadd.s32 s4;
	_ =	sdelay $0x1  }
0xa1: {  	s23 =	simm.s32 $0x1B8B  }
0xa2: {  	_ =	swait.ge [sflag:s23], $0x1  }
0xa3: {  	[sflag:s23] =	ssyncset.done $0x0  }
0xa4: {  	s25 =	simm.s32 $0x1B8E;
	s24 =	sld [smem:$0x3FFE];
	[sflag:s23] =	ssyncadd.s32 $0xFFFFFFFF  }
0xa5: {  	s26 =	simm.s32 $execute0_lowered;
	[smem:$0x3FD2] =	sst s25  }
0xa6: {  	s5 =	sshll.u32 s26, $0x1;
	_ =	strace $0x80000046;
	[dreg:$0x1] =	wrdreg $0xFFFFFFFF  }
0xa7: {  	s28 =	simm.s32 $_size_execute0_lowered;
	s3 =	sadd.s32 s3, s5;
	[dreg:$0x0] =	wrdreg $0x0  }
0xa8: {  	s5 =	sshll.u32 s28, $0x1;
	[dreg:$0x2] =	wrdreg s3  }
0xa9: {  	[dreg:$0x3] =	wrdreg s5  }
0xaa: {  	[dreg:$0x4] =	wrdreg $0xC0  }
0xab: {  	_ =	task [dreg:s7], $0x5FFFF  }
0xac: {  	[dreg:$0x1] =	wrdreg $0xFFFFFFFF  }
0xad: {  	[dreg:$0x0] =	wrdreg $0x60  }
0xae: {  	[dreg:$0x2] =	wrdreg s2  }
0xaf: {  	[dreg:$0x3] =	wrdreg s24  }
0xb0: {  	[dreg:$0x4] =	wrdreg $0x185000  }
0xb1: {  	[dreg:$0x5] =	wrdreg $0x9  }
0xb2: {  	_ =	task.clear_ibuf [dreg:s7], $0x6FFFF;
	_ =	strace $0x90000046  }
0xb3: {  	s29 =	simm.s32 $0x9;
	_ =	strace $0x80000048  }
0xb4: {  	_ =	swait.ge [sflag:s29], $0x1  }
0xb5: {  	[sflag:s29] =	ssyncadd.s32 $0xFFFFFFFF  }
0xb6: {  	_ =	strace $0x90000048  }
0xb7: {  	_ =	sfence  }
0xb8: {  	s30 =	sld [smem:$0x0];
	_ =	sdelay $0x2  }
0xb9: {  	s31 =	sshll.u32 s1, $0xD;
	s1 =	sshrl.u32 s1, $0x2  }
0xba: {  	s3 =	sand.u32 $0x4000, s31;
	s1 =	sadd.s32 s1, s30  }
0xbb: {  	s0 =	sor.u32 s3, s0;
	s1 =	sshll.u32 s1, $0x11  }
0xbc: {  	s0 =	sor.u32 s1, s0  }
0xbd: {  	s0 =	sadd.s32 $0x8F2B, s0  }
0xbe: {  	[sflag:s0] =	ssyncadd.remote.s32 $0x1  }
0xbf: {  	_ =	sfence.sel $0xFFFF  }
0xc0: {  	[dreg:$0x0] =	wrdreg $0xFFFFFFFF;
	(pc) =	sbr.abs _section_cstart, $3  }
0xc1: {  	[dreg:$0x1] =	wrdreg $0xFFFFFFFF  }
0xc2: {  	_ =	task.clear_ibuf [dreg:s7], $0x2FFFF;
	_ =	strace $0x9FFFFFFF  }
0xc3: {  	(tm) =	ssettm $0x7FFFFFFF  }
tec
execute0_lowered:
.L_overlay_start_1:
0x0: {  	(tag) =	ssettag $0x1  }
0x1: {  	s0 =	srdreg.scid;
	s10 =	stileid.u32  }
0x2: {  	s9 =	sand.u32 $0x1, s0;
	s14 =	sshll.u32 s10, $0x1  }
0x3: {  	s6 =	sor.u32 s9, s14  }
0x4: {  	s5 =	smul.u32 $0x240, s6  }
0x5: {  	v0 =	vlaneseq.u32  }
0x6: {  	v1 =	vor.u32 s5, v0;
	s15 =	sor.u32 $0x10, s5  }
0x7: {  	s16 =	sor.u32 $0x20, s5;
	v1 =	vshrl.u32 v1, $0x1;
	v2 =	vor.u32 s15, v0  }
0x8: {  	s17 =	sor.u32 $0x30, s5;
	v4 =	vor.u32 s16, v0;
	v3 =	vmulhi.u32 $0x38E38E39, v1;
	v2 =	vshrl.u32 v2, $0x1  }
0x9: {  	s18 =	sadd.s32 $0x40, s5;
	v6 =	vor.u32 s17, v0;
	v4 =	vshrl.u32 v4, $0x1;
	v5 =	vmulhi.u32 $0x38E38E39, v2  }
0xa: {  	s22 =	sadd.s32 $0x80, s5;
	v8 =	vor.u32 s18, v0;
	v6 =	vshrl.u32 v6, $0x1;
	v7 =	vmulhi.u32 $0x38E38E39, v4  }
0xb: {  	s23 =	sadd.s32 $0x90, s5;
	v11 =	vor.u32 s22, v0;
	v8 =	vshrl.u32 v8, $0x1;
	v9 =	vmulhi.u32 $0x38E38E39, v6  }
0xc: {  	s29 =	sadd.s32 $0xD0, s5;
	v13 =	vor.u32 s23, v0;
	v11 =	vshrl.u32 v11, $0x1;
	v10 =	vmulhi.u32 $0x38E38E39, v8  }
0xd: {  	s30 =	sadd.s32 $0xE0, s5;
	v16 =	vor.u32 s29, v0;
	v13 =	vshrl.u32 v13, $0x1;
	v14 =	vmulhi.u32 $0x38E38E39, v11  }
0xe: {  	s3 =	sadd.s32 $0x120, s5;
	v18 =	vor.u32 s30, v0;
	v16 =	vshrl.u32 v16, $0x1;
	v15 =	vmulhi.u32 $0x38E38E39, v13  }
0xf: {  	s4 =	sadd.s32 $0x130, s5;
	v21 =	vor.u32 s3, v0;
	v18 =	vshrl.u32 v18, $0x1;
	v19 =	vmulhi.u32 $0x38E38E39, v16  }
0x10: {  	s12 =	sadd.s32 $0x170, s5;
	v23 =	vor.u32 s4, v0;
	v21 =	vshrl.u32 v21, $0x1;
	v20 =	vmulhi.u32 $0x38E38E39, v18  }
0x11: {  	s13 =	sadd.s32 $0x180, s5;
	v26 =	vor.u32 s12, v0;
	v23 =	vshrl.u32 v23, $0x1;
	v24 =	vmulhi.u32 $0x38E38E39, v21  }
0x12: {  	v28 =	vor.u32 s13, v0;
	s17 =	sadd.s32 $0x1C0, s5;
	v26 =	vshrl.u32 v26, $0x1;
	v25 =	vmulhi.u32 $0x38E38E39, v23  }
0x13: {  	s18 =	sadd.s32 $0x1D0, s5;
	v28 =	vshrl.u32 v28, $0x1;
	v31 =	vor.u32 s17, v0;
	v29 =	vmulhi.u32 $0x38E38E39, v26  }
0x14: {  	s13 =	sadd.s32 $0x230, s5;
	v33 =	vor.u32 s18, v0;
	v30 =	vmulhi.u32 $0x38E38E39, v28;
	v31 =	vshrl.u32 v31, $0x1  }
0x15: {  	v40 =	vor.u32 s13, v0;
	v33 =	vshrl.u32 v33, $0x1;
	v34 =	vmulhi.u32 $0x38E38E39, v31  }
0x16: {  	v40 =	vshrl.u32 v40, $0x1;
	v3 =	vshrl.u32 v3, $0x1;
	v35 =	vmulhi.u32 $0x38E38E39, v33  }
0x17: {  	v42 =	vmulhi.u32 $0x38E38E39, v40;
	v3 =	vmul.u32 $0x9, v3;
	v5 =	vshrl.u32 v5, $0x1  }
0x18: {  	v7 =	vshrl.u32 v7, $0x1;
	v9 =	vshrl.u32 v9, $0x1;
	v5 =	vmul.u32 $0x9, v5  }
0x19: {  	v10 =	vshrl.u32 v10, $0x1;
	v7 =	vmul.u32 $0x9, v7;
	v9 =	vmul.u32 $0x9, v9  }
0x1a: {  	s19 =	sadd.s32 $0x50, s5;
	v1 =	vsub.s32 v1, v3;
	v2 =	vsub.s32 v2, v5;
	v5 =	vmul.u32 $0x9, v10  }
0x1b: {  	s20 =	sadd.s32 $0x60, s5;
	s21 =	sadd.s32 $0x70, s5;
	v3 =	vsub.s32 v4, v7;
	v4 =	vsub.s32 v6, v9;
	v6 =	vor.u32 s19, v0  }
0x1c: {  	v7 =	vor.u32 s20, v0;
	v9 =	vor.u32 s21, v0;
	v6 =	vshrl.u32 v6, $0x1  }
0x1d: {  	v7 =	vshrl.u32 v7, $0x1;
	v5 =	vsub.s32 v8, v5;
	v8 =	vmulhi.u32 $0x38E38E39, v6  }
0x1e: {  	v9 =	vshrl.u32 v9, $0x1;
	v10 =	vmulhi.u32 $0x38E38E39, v7  }
0x1f: {  	v12 =	vmulhi.u32 $0x38E38E39, v9  }
0x20: {  	v14 =	vshrl.u32 v14, $0x1;
	v8 =	vshrl.u32 v8, $0x1;
	v10 =	vshrl.u32 v10, $0x1  }
0x21: {  	v12 =	vshrl.u32 v12, $0x1;
	v8 =	vmul.u32 $0x9, v8;
	v10 =	vmul.u32 $0x9, v10  }
0x22: {  	v15 =	vshrl.u32 v15, $0x1;
	v14 =	vmul.u32 $0x9, v14;
	v12 =	vmul.u32 $0x9, v12  }
0x23: {  	s24 =	sadd.s32 $0xA0, s5;
	v6 =	vsub.s32 v6, v8;
	v7 =	vsub.s32 v7, v10;
	v10 =	vmul.u32 $0x9, v15  }
0x24: {  	s25 =	sadd.s32 $0xB0, s5;
	s26 =	sadd.s32 $0xC0, s5;
	v8 =	vsub.s32 v9, v12;
	v9 =	vsub.s32 v11, v14;
	v11 =	vor.u32 s24, v0  }
0x25: {  	v12 =	vor.u32 s25, v0;
	v14 =	vor.u32 s26, v0;
	v11 =	vshrl.u32 v11, $0x1  }
0x26: {  	v12 =	vshrl.u32 v12, $0x1;
	v10 =	vsub.s32 v13, v10;
	v13 =	vmulhi.u32 $0x38E38E39, v11  }
0x27: {  	v14 =	vshrl.u32 v14, $0x1;
	v15 =	vmulhi.u32 $0x38E38E39, v12  }
0x28: {  	v17 =	vmulhi.u32 $0x38E38E39, v14  }
0x29: {  	v19 =	vshrl.u32 v19, $0x1;
	v13 =	vshrl.u32 v13, $0x1;
	v15 =	vshrl.u32 v15, $0x1  }
0x2a: {  	v17 =	vshrl.u32 v17, $0x1;
	v13 =	vmul.u32 $0x9, v13;
	v15 =	vmul.u32 $0x9, v15  }
0x2b: {  	v20 =	vshrl.u32 v20, $0x1;
	v19 =	vmul.u32 $0x9, v19;
	v17 =	vmul.u32 $0x9, v17  }
0x2c: {  	s31 =	sadd.s32 $0xF0, s5;
	v11 =	vsub.s32 v11, v13;
	v12 =	vsub.s32 v12, v15;
	v15 =	vmul.u32 $0x9, v20  }
0x2d: {  	s1 =	sadd.s32 $0x100, s5;
	s2 =	sadd.s32 $0x110, s5;
	v13 =	vsub.s32 v14, v17;
	v14 =	vsub.s32 v16, v19;
	v16 =	vor.u32 s31, v0  }
0x2e: {  	v17 =	vor.u32 s1, v0;
	v19 =	vor.u32 s2, v0;
	v16 =	vshrl.u32 v16, $0x1  }
0x2f: {  	s22 =	sadd.s32 $0x200, s5;
	v17 =	vshrl.u32 v17, $0x1;
	v15 =	vsub.s32 v18, v15;
	v18 =	vmulhi.u32 $0x38E38E39, v16  }
0x30: {  	v62 =	vor.u32 s22, v0;
	v19 =	vshrl.u32 v19, $0x1;
	v20 =	vmulhi.u32 $0x38E38E39, v17  }
0x31: {  	v24 =	vshrl.u32 v24, $0x1;
	v25 =	vshrl.u32 v25, $0x1;
	v22 =	vmulhi.u32 $0x38E38E39, v19  }
0x32: {  	v29 =	vshrl.u32 v29, $0x1;
	v18 =	vshrl.u32 v18, $0x1;
	v20 =	vshrl.u32 v20, $0x1  }
0x33: {  	v22 =	vshrl.u32 v22, $0x1;
	v18 =	vmul.u32 $0x9, v18;
	v20 =	vmul.u32 $0x9, v20  }
0x34: {  	v30 =	vshrl.u32 v30, $0x1;
	v24 =	vmul.u32 $0x9, v24;
	v22 =	vmul.u32 $0x9, v22  }
0x35: {  	s7 =	sadd.s32 $0x140, s5;
	v16 =	vsub.s32 v16, v18;
	v17 =	vsub.s32 v17, v20;
	v20 =	vmul.u32 $0x9, v25  }
0x36: {  	s8 =	sadd.s32 $0x150, s5;
	s11 =	sadd.s32 $0x160, s5;
	v18 =	vsub.s32 v19, v22;
	v19 =	vsub.s32 v21, v24;
	v21 =	vor.u32 s7, v0  }
0x37: {  	v22 =	vor.u32 s8, v0;
	v24 =	vor.u32 s11, v0;
	v21 =	vshrl.u32 v21, $0x1  }
0x38: {  	v22 =	vshrl.u32 v22, $0x1;
	v20 =	vsub.s32 v23, v20;
	v23 =	vmulhi.u32 $0x38E38E39, v21  }
0x39: {  	v29 =	vmul.u32 $0x9, v29;
	v24 =	vshrl.u32 v24, $0x1;
	v25 =	vmulhi.u32 $0x38E38E39, v22  }
0x3a: {  	v34 =	vshrl.u32 v34, $0x1;
	v35 =	vshrl.u32 v35, $0x1;
	v27 =	vmulhi.u32 $0x38E38E39, v24  }
0x3b: {  	v42 =	vshrl.u32 v42, $0x1;
	v23 =	vshrl.u32 v23, $0x1;
	v25 =	vshrl.u32 v25, $0x1  }
0x3c: {  	s21 =	sadd.s32 $0x1F0, s5;
	v27 =	vshrl.u32 v27, $0x1;
	v23 =	vmul.u32 $0x9, v23;
	v25 =	vmul.u32 $0x9, v25  }
0x3d: {  	v34 =	vmul.u32 $0x9, v34;
	v60 =	vor.u32 s21, v0;
	v27 =	vmul.u32 $0x9, v27  }
0x3e: {  	s14 =	sadd.s32 $0x190, s5;
	v21 =	vsub.s32 v21, v23;
	v22 =	vsub.s32 v22, v25;
	v25 =	vmul.u32 $0x9, v30  }
0x3f: {  	s16 =	sadd.s32 $0x1B0, s5;
	s24 =	sadd.s32 $0x220, s5;
	v23 =	vsub.s32 v24, v27;
	v24 =	vsub.s32 v26, v29;
	v26 =	vor.u32 s14, v0  }
0x40: {  	s28 =	simm.s32 $0x0;
	s6 =	smul.u32 $0x240000, s6;
	v38 =	vor.u32 s24, v0;
	v29 =	vor.u32 s16, v0;
	v26 =	vshrl.u32 v26, $0x1  }
0x41: {  	p0 =	sne.s32 s10, $0x0;
	s15 =	sadd.s32 $0x1A0, s5;
	s12 =	smul.u32 $0x480, s10;
	v29 =	vshrl.u32 v29, $0x1;
	v25 =	vsub.s32 v28, v25;
	v28 =	vmulhi.u32 $0x38E38E39, v26  }
0x42: {  	s6 =	sshrl.u32 s6, $0x3;
	s23 =	smul.u32 $0x240, s9;
	v38 =	vshrl.u32 v38, $0x1;
	s11 =	sadd.s32 $0x210, s5;
	v27 =	vor.u32 s15, v0;
	v32 =	vmulhi.u32 $0x38E38E39, v29  }
0x43: {  	s3 =	simm.s32 $0x0;
	s4 =	ssub.s32 $0x2, s9;
	s30 =	smul.u32 $0x90000, s10;
	v41 =	vmulhi.u32 $0x38E38E39, v38;
	v36 =	vor.u32 s11, v0;
	v27 =	vshrl.u32 v27, $0x1  }
0x44: {  	[smem:$0x7FF] =	sst s3;
	s17 =	simm.s32 $0x288;
	s18 =	simm.s32 $0x8500;
	v30 =	vmulhi.u32 $0x38E38E39, v27;
	v28 =	vshrl.u32 v28, $0x1;
	v32 =	vshrl.u32 v32, $0x1  }
0x45: {  	s22 =	simm.s32 $0x2;
	s19 =	sshrl.u32 s5, $0x3;
	s20 =	sadd.s32 $0x1E0, s5;
	v36 =	vshrl.u32 v36, $0x1;
	v28 =	vmul.u32 $0x9, v28;
	v32 =	vmul.u32 $0x9, v32  }
0x46: {  	s21 =	simm.s32 $0x1;
	s25 =	sshll.u32 s13, $0x9;
	s26 =	sadd.s32 s23, s12;
	v41 =	vshrl.u32 v41, $0x1;
	v39 =	vmulhi.u32 $0x38E38E39, v36;
	v30 =	vshrl.u32 v30, $0x1  }
0x47: {  	s13 =	simm.s32 $0x7;
	s23 =	simm.s32 $0x3;
	s29 =	sshll.u32 s26, $0x9;
	v30 =	vmul.u32 $0x9, v30;
	v26 =	vsub.s32 v26, v28;
	v28 =	vsub.s32 v29, v32  }
0x48: {  	s24 =	simm.s32 $0x4;
	s26 =	simm.s32 $0x6;
	s1 =	rddreg [dreg:$0x1];
	v29 =	vsub.s32 v31, v34;
	v31 =	vor.u32 s20, v0;
	v32 =	vshrl.u32 v60, $0x1  }
0x49: {  	s2 =	rddreg [dreg:$0x2];
	_ =	strace $0x80000047;
	s31 =	smul.u32 $0x48000, s9;
	v27 =	vsub.s32 v27, v30;
	v31 =	vshrl.u32 v31, $0x1;
	v63 =	vmulhi.u32 $0x38E38E39, v32  }
0x4a: {  	s0 =	sadd.s32 s19, s1;
	s1 =	sadd.s32 $0x1400, s1;
	s7 =	sshrl.u32 s4, $0x1;
	v30 =	vmul.u32 $0x9, v35;
	v34 =	vshrl.u32 v62, $0x1;
	v61 =	vmulhi.u32 $0x38E38E39, v31  }
0x4b: {  	v41 =	vmul.u32 $0x9, v41;
	s12 =	sshrl.u32 @!p0 s2, $0x3;
	s19 =	simm.s32 $0x290;
	s8 =	ssub.s32 s4, s7;
	v39 =	vshrl.u32 v39, $0x1;
	v37 =	vmulhi.u32 $0x38E38E39, v34  }
0x4c: {  	s4 =	sadd.s32 $0xA00, s0;
	s0 =	sadd.s32 s29, s1;
	s8 =	smax.u32 s8, $0x1;
	v30 =	vsub.s32 v33, v30;
	v35 =	vshrl.u32 v63, $0x1;
	v33 =	vshrl.u32 v61, $0x1  }
0x4d: {  	s9 =	sadd.s32 $0x2000, s0;
	s10 =	sadd.s32 $0x1000, s0;
	s14 =	sadd.s32 s1, s6;
	v37 =	vshrl.u32 v37, $0x1;
	v35 =	vmul.u32 $0x9, v35;
	v33 =	vmul.u32 $0x9, v33  }
0x4e: {  	v42 =	vmul.u32 $0x9, v42;
	v39 =	vmul.u32 $0x9, v39;
	s6 =	sadd.s32 s1, s25;
	s1 =	sadd.s32 s30, s1;
	s16 =	simm.s32 $0x500;
	v37 =	vmul.u32 $0x9, v37  }
0x4f: {  	s25 =	simm.s32 $0x5;
	s5 =	sadd.s32 $0x45000, s14;
	s7 =	sadd.s32 $0x47000, s14;
	v32 =	vsub.s32 v32, v35;
	v35 =	vsub.s32 v38, v41;
	v31 =	vsub.s32 v31, v33  }
0x50: {  	s11 =	sadd.s32 s31, s1;
	s14 =	simm.s32 $0x8;
	s20 =	simm.s32 $0x10500;
	v33 =	vsub.s32 v34, v37;
	v34 =	vsub.s32 v36, v39;
	v36 =	vsub.s32 v40, v42  }
.LBB2_1:
0x51: {  	s0 =	simm.s32 @!p0 $0x1C07;
	s1 =	rddreg [dreg:$0x0]  }
0x52: {  	[spmem:s12], [sflag:s0] =	dma.local @!p0 [hbm:s1], $0x4800  }
0x53: {  	s0 =	simm.s32 @!p0 $0x7  }
0x54: {  	_ =	swait.ge @!p0 [sflag:s0], $0x4800  }
0x55: {  	[sflag:s0] =	ssyncset.done @!p0 $0x0  }
0x56: {  	[sflag:s0] =	ssyncadd.s32 @!p0 $0xFFFFB800  }
0x57: {  	[tilespmem:s3], [sflag:$0x7] =	stream.linear.gather [hbm4b:s4+s3], $0x240, $0x38;
	[tilespmem:$0x1A900] =	vst v63  }
0x58: {  	_ =	swait.ge [sflag:s13], $0x240  }
0x59: {  	[sflag:s13] =	ssyncset.done $0x0  }
0x5a: {  	[sflag:s13] =	ssyncadd.s32 $0xFFFFFDC0  }
0x5b: {  	v37 =	vld [tilespmem:$0x0]  }
0x5c: {  	v38 =	vld [tilespmem:$0x10]  }
0x5d: {  	v39 =	vld [tilespmem:$0x20]  }
0x5e: {  	v40 =	vld [tilespmem:$0x30]  }
0x5f: {  	v41 =	vld [tilespmem:$0x40]  }
0x60: {  	v42 =	vld [tilespmem:$0x50]  }
0x61: {  	v44 =	vld [tilespmem:$0x60]  }
0x62: {  	v45 =	vld [tilespmem:$0x70]  }
0x63: {  	v46 =	vld [tilespmem:$0x80]  }
0x64: {  	v47 =	vld [tilespmem:$0x90]  }
0x65: {  	v48 =	vld [tilespmem:$0xA0]  }
0x66: {  	v49 =	vld [tilespmem:$0xB0]  }
0x67: {  	v50 =	vld [tilespmem:$0xC0]  }
0x68: {  	v51 =	vld [tilespmem:$0xD0]  }
0x69: {  	v52 =	vld [tilespmem:$0xE0]  }
0x6a: {  	v53 =	vld [tilespmem:$0xF0];
	v37 =	vmul.u32 $0x9, v37  }
0x6b: {  	v38 =	vmul.u32 $0x9, v38;
	v39 =	vmul.u32 $0x9, v39;
	v40 =	vmul.u32 $0x9, v40  }
0x6c: {  	v41 =	vmul.u32 $0x9, v41;
	v42 =	vmul.u32 $0x9, v42;
	v44 =	vmul.u32 $0x9, v44  }
0x6d: {  	v45 =	vmul.u32 $0x9, v45;
	v46 =	vmul.u32 $0x9, v46;
	v47 =	vmul.u32 $0x9, v47  }
0x6e: {  	v48 =	vmul.u32 $0x9, v48;
	v49 =	vmul.u32 $0x9, v49;
	v59 =	vmul.u32 $0x9, v50  }
0x6f: {  	v62 =	vmul.u32 $0x9, v51;
	v63 =	vmul.u32 $0x9, v52;
	v56 =	vmul.u32 $0x9, v53  }
0x70: {  	v37 =	vadd.s32 v1, v37;
	v38 =	vadd.s32 v2, v38;
	v39 =	vadd.s32 v3, v39  }
0x71: {  	v40 =	vadd.s32 v4, v40;
	v41 =	vadd.s32 v5, v41;
	v42 =	vadd.s32 v6, v42  }
0x72: {  	v44 =	vadd.s32 v7, v44;
	v45 =	vadd.s32 v8, v45;
	v46 =	vadd.s32 v9, v46  }
0x73: {  	v47 =	vadd.s32 v10, v47;
	v48 =	vadd.s32 v11, v48;
	v58 =	vadd.s32 v12, v49  }
0x74: {  	v61 =	vadd.s32 v13, v59;
	v59 =	vadd.s32 v15, v63;
	v43 =	vshll.u32 v37, $0x1  }
0x75: {  	v37 =	vand.u32 $0x1, v0;
	v38 =	vshll.u32 v38, $0x1;
	v39 =	vshll.u32 v39, $0x1  }
0x76: {  	v40 =	vshll.u32 v40, $0x1;
	v41 =	vshll.u32 v41, $0x1;
	v42 =	vshll.u32 v42, $0x1  }
0x77: {  	v44 =	vshll.u32 v44, $0x1;
	v45 =	vshll.u32 v45, $0x1;
	v43 =	vor.u32 v37, v43  }
0x78: {  	v50 =	vld [tilespmem:$0x100];
	v46 =	vshll.u32 v46, $0x1;
	v47 =	vshll.u32 v47, $0x1;
	v38 =	vor.u32 v37, v38;
	[tilespmem:$0x280] =	vst v43  }
0x79: {  	v49 =	vld [tilespmem:$0x140];
	v57 =	vshll.u32 v48, $0x1;
	v60 =	vshll.u32 v58, $0x1;
	v39 =	vor.u32 v37, v39;
	[tilespmem:$0x290] =	vst v38  }
0x7a: {  	v48 =	vld [tilespmem:$0x110];
	v58 =	vadd.s32 v14, v62;
	v40 =	vor.u32 v37, v40;
	v41 =	vor.u32 v37, v41;
	[tilespmem:$0x2A0] =	vst v39  }
0x7b: {  	v42 =	vor.u32 v37, v42;
	v44 =	vor.u32 v37, v44;
	v43 =	vor.u32 v37, v57;
	[tilespmem:$0x2B0] =	vst v40;
	v57 =	vld [tilespmem:$0x120]  }
0x7c: {  	v45 =	vor.u32 v37, v45;
	v46 =	vor.u32 v37, v46;
	v40 =	vor.u32 v37, v60;
	[tilespmem:$0x2C0] =	vst v41;
	v60 =	vld [tilespmem:$0x130]  }
0x7d: {  	v38 =	vor.u32 v37, v47;
	v39 =	vshll.u32 v61, $0x1;
	v41 =	vshll.u32 v58, $0x1;
	[tilespmem:$0x2F0] =	vst v45;
	v45 =	vld [tilespmem:$0x150]  }
0x7e: {  	v61 =	vshll.u32 v59, $0x1;
	v47 =	vadd.s32 v16, v56;
	v63 =	vmul.u32 $0x9, v50;
	v56 =	vld [tilespmem:$0x160]  }
0x7f: {  	[tilespmem:$0x2D0] =	vst v42;
	v39 =	vor.u32 v37, v39;
	v62 =	vshll.u32 v47, $0x1;
	v47 =	vld [tilespmem:$0x1C0];
	v48 =	vmul.u32 $0x9, v48  }
0x80: {  	[tilespmem:$0x2E0] =	vst v44;
	v41 =	vor.u32 v37, v41;
	v42 =	vor.u32 v37, v61;
	v44 =	vor.u32 v37, v62  }
0x81: {  	[tilespmem:$0x300] =	vst v46;
	v53 =	vadd.s32 v17, v63;
	v52 =	vmul.u32 $0x9, v49;
	v54 =	vadd.s32 v18, v48  }
0x82: {  	v46 =	vld [tilespmem:$0x190];
	[tilespmem:$0x310] =	vst v38;
	v55 =	vmul.u32 $0x9, v57;
	v57 =	vshll.u32 v53, $0x1;
	v59 =	vmul.u32 $0x9, v60  }
0x83: {  	[tilespmem:$0x320] =	vst v43;
	v60 =	vld [tilespmem:$0x170];
	v45 =	vmul.u32 $0x9, v45;
	v56 =	vmul.u32 $0x9, v56;
	v58 =	vshll.u32 v54, $0x1  }
0x84: {  	[tilespmem:$0x330] =	vst v40;
	v53 =	vld [tilespmem:$0x180];
	v38 =	vor.u32 v37, v57;
	v50 =	vmul.u32 $0x9, v47;
	v43 =	vor.u32 v37, v58  }
0x85: {  	[tilespmem:$0x340] =	vst v39;
	v57 =	vld [tilespmem:$0x1A0];
	v61 =	vadd.s32 v19, v55;
	v63 =	vadd.s32 v20, v59;
	v55 =	vadd.s32 v21, v52  }
0x86: {  	[tilespmem:$0x350] =	vst v41;
	v58 =	vadd.s32 v22, v45;
	v62 =	vshll.u32 v61, $0x1;
	v54 =	vshll.u32 v63, $0x1  }
0x87: {  	[tilespmem:$0x360] =	vst v42;
	v41 =	vshll.u32 v55, $0x1;
	v42 =	vshll.u32 v58, $0x1;
	v61 =	vadd.s32 v23, v56  }
0x88: {  	[tilespmem:$0x370] =	vst v44;
	v55 =	vmul.u32 $0x9, v46;
	v39 =	vor.u32 v37, v62;
	v59 =	vmul.u32 $0x9, v60;
	v60 =	vld [tilespmem:$0x1B0]  }
0x89: {  	[tilespmem:$0x380] =	vst v38;
	v40 =	vor.u32 v37, v54;
	v41 =	vor.u32 v37, v41;
	v51 =	vmul.u32 $0x9, v53;
	v53 =	vld [tilespmem:$0x1D0]  }
0x8a: {  	[tilespmem:$0x390] =	vst v43;
	v62 =	vshll.u32 v61, $0x1;
	v42 =	vor.u32 v37, v42;
	v56 =	vmul.u32 $0x9, v57  }
0x8b: {  	v38 =	vor.u32 v37, v62;
	[tilespmem:$0x3A0] =	vst v39;
	v62 =	vld [tilespmem:$0x1F0];
	v63 =	vadd.s32 v24, v59;
	v54 =	vadd.s32 v25, v51  }
0x8c: {  	[tilespmem:$0x3B0] =	vst v40;
	v59 =	vld [tilespmem:$0x1E0];
	v52 =	vshll.u32 v63, $0x1;
	v39 =	vshll.u32 v54, $0x1;
	v61 =	vadd.s32 v27, v56  }
0x8d: {  	[tilespmem:$0x3C0] =	vst v41;
	v57 =	vor.u32 v37, v52;
	v39 =	vor.u32 v37, v39;
	v63 =	vshll.u32 v61, $0x1  }
0x8e: {  	[tilespmem:$0x3D0] =	vst v42;
	v51 =	vld [tilespmem:$0x200];
	v58 =	vmul.u32 $0x9, v60;
	v60 =	vadd.s32 v26, v55;
	v44 =	vmul.u32 $0x9, v53  }
0x8f: {  	[tilespmem:$0x3E0] =	vst v38;
	v54 =	vld [tilespmem:$0x210];
	v53 =	vor.u32 v37, v63;
	v55 =	vadd.s32 v29, v50;
	v41 =	vshll.u32 v60, $0x1  }
0x90: {  	v61 =	vld [tilespmem:$0x230];
	[tilespmem:$0x400] =	vst v39;
	v39 =	vshll.u32 v55, $0x1;
	v60 =	vmul.u32 $0x9, v62;
	v43 =	vadd.s32 v28, v58  }
0x91: {  	[tilespmem:$0x3F0] =	vst v57;
	v52 =	vor.u32 v37, v41;
	v56 =	vadd.s32 v30, v44;
	v57 =	vmul.u32 $0x9, v59;
	v58 =	vld [tilespmem:$0x220]  }
0x92: {  	[tilespmem:$0x420] =	vst v53;
	v39 =	vor.u32 v37, v39;
	v49 =	vshll.u32 v43, $0x1;
	v59 =	vshll.u32 v56, $0x1  }
0x93: {  	[tilespmem:$0x410] =	vst v52;
	v48 =	vadd.s32 v32, v60;
	v38 =	vor.u32 v37, v49;
	v40 =	vor.u32 v37, v59  }
0x94: {  	[tilespmem:$0x440] =	vst v39;
	v62 =	vadd.s32 v31, v57;
	v49 =	vmul.u32 $0x9, v51;
	v50 =	vshll.u32 v48, $0x1  }
0x95: {  	v51 =	vmul.u32 $0x9, v54;
	v56 =	vmul.u32 $0x9, v61;
	[tilespmem:$0x430] =	vst v38;
	v63 =	vshll.u32 v62, $0x1  }
0x96: {  	[tilespmem:$0x450] =	vst v40;
	v39 =	vor.u32 v37, v50;
	v52 =	vadd.s32 v33, v49;
	v53 =	vmul.u32 $0x9, v58  }
0x97: {  	v38 =	vor.u32 v37, v63;
	v55 =	vadd.s32 v34, v51;
	[tilespmem:$0x470] =	vst v39;
	v54 =	vshll.u32 v52, $0x1  }
0x98: {  	[tilespmem:$0x460] =	vst v38;
	v57 =	vshll.u32 v55, $0x1;
	v38 =	vor.u32 v37, v54;
	v58 =	vadd.s32 v35, v53  }
0x99: {  	v61 =	vadd.s32 v36, v56;
	v59 =	vor.u32 v37, v57;
	[tilespmem:$0x480] =	vst v38;
	v60 =	vshll.u32 v58, $0x1  }
0x9a: {  	v63 =	vshll.u32 v61, $0x1;
	[tilespmem:$0x490] =	vst v59;
	v62 =	vor.u32 v37, v60  }
0x9b: {  	v37 =	vor.u32 v37, v63;
	[tilespmem:$0x4A0] =	vst v62  }
0x9c: {  	[tilespmem:$0x4B0] =	vst v37  }
0x9d: {  	s15 =	simm.s32 $0x280;
	[bflag:$0x0] =	sbarrier.arrive $0xFFFF  }
0x9e: {  	[tilespmem:s16], [sflag:$0x1] =	stream.indirect.gather [spmem:s2], $0x1000, s15, s14, $0xb8;
	[tilespmem:$0x1A900] =	vst v63  }
0x9f: {  	_ = 	snop  }
0xa0: {  	[tilespmem:s18], [sflag:$0x2] =	stream.indirect.gather [spmem:s2], $0x1000, s17, s14, $0xb8;
	[tilespmem:$0x1A900] =	vst v63  }
0xa1: {  	_ = 	snop  }
0xa2: {  	[tilespmem:s20], [sflag:$0x3] =	stream.indirect.gather [spmem:s2], $0x1000, s19, s14, $0xb8;
	[tilespmem:$0x1A900] =	vst v63  }
0xa3: {  	_ =	swait.ge [sflag:s21], $0x8000  }
0xa4: {  	[sflag:s21] =	ssyncset.done $0x0  }
0xa5: {  	[sflag:s21] =	ssyncadd.s32 $0xFFFF8000  }
0xa6: {  	[hbm4b:s11+s3] =	stream.linear.scatter [tilespmem:s16], [sflag:$0x4], $0x8000, $0x38;
	[tilespmem:$0x1A900] =	vst v63  }
0xa7: {  	_ =	swait.ge [sflag:s22], $0x8000  }
0xa8: {  	[sflag:s22] =	ssyncset.done $0x0  }
0xa9: {  	[sflag:s22] =	ssyncadd.s32 $0xFFFF8000  }
0xaa: {  	[hbm4b:s10+s3] =	stream.linear.scatter [tilespmem:s18], [sflag:$0x5], $0x8000, $0x38;
	[tilespmem:$0x1A900] =	vst v63  }
0xab: {  	_ =	swait.ge [sflag:s23], $0x8000  }
0xac: {  	[sflag:s23] =	ssyncset.done $0x0  }
0xad: {  	[sflag:s23] =	ssyncadd.s32 $0xFFFF8000  }
0xae: {  	[hbm4b:s9+s3] =	stream.linear.scatter [tilespmem:s20], [sflag:$0x6], $0x8000, $0x38;
	[tilespmem:$0x1A900] =	vst v63  }
0xaf: {  	_ =	swait.ge [sflag:s24], $0x8000  }
0xb0: {  	[sflag:s24] =	ssyncset.done $0x0  }
0xb1: {  	s1 =	simm.s32 $0x298;
	[sflag:s24] =	ssyncadd.s32 $0xFFFF8000  }
0xb2: {  	[tilespmem:s16], [sflag:$0x1] =	stream.indirect.gather [spmem:s2], $0x1000, s1, s14, $0xb8;
	[tilespmem:$0x1A900] =	vst v63  }
0xb3: {  	_ =	swait.ge [sflag:s25], $0x8000  }
0xb4: {  	[sflag:s25] =	ssyncset.done $0x0  }
0xb5: {  	s15 =	simm.s32 $0x2A0;
	[sflag:s25] =	ssyncadd.s32 $0xFFFF8000  }
0xb6: {  	[tilespmem:s18], [sflag:$0x2] =	stream.indirect.gather [spmem:s2], $0x1000, s15, s14, $0xb8;
	[tilespmem:$0x1A900] =	vst v63  }
0xb7: {  	s29 =	simm.s32 $0x60;
	_ =	swait.ge [sflag:s26], $0x8000  }
0xb8: {  	s30 =	sadd.s32 $0x3000, s10;
	s31 =	sadd.s32 $0x3000, s11;
	[sflag:s26] =	ssyncset.done $0x0  }
0xb9: {  	s0 =	simm.s32 $0x2A8;
	s1 =	sadd.s32 $0x3000, s9;
	[sflag:s26] =	ssyncadd.s32 $0xFFFF8000  }
.LBB2_2:
0xba: {  	[tilespmem:s20], [sflag:$0x3] =	stream.indirect.gather [spmem:s2], $0x1000, s0, s14, $0xb8;
	[tilespmem:$0x1A900] =	vst v63  }
0xbb: {  	s0 =	smov.u32 s29  }
0xbc: {  	p1 =	sne.s32 s29, $0x840;
	s29 =	sadd.s32 $0x60, s29;
	_ =	swait.ge [sflag:s21], $0x8000  }
0xbd: {  	[sflag:s21] =	ssyncset.done $0x0  }
0xbe: {  	[sflag:s21] =	ssyncadd.s32 $0xFFFF8000  }
0xbf: {  	[hbm4b:s31+s3] =	stream.linear.scatter [tilespmem:s16], [sflag:$0x4], $0x8000, $0x38;
	[tilespmem:$0x1A900] =	vst v63  }
0xc0: {  	_ =	swait.ge [sflag:s22], $0x8000  }
0xc1: {  	[sflag:s22] =	ssyncset.done $0x0  }
0xc2: {  	[sflag:s22] =	ssyncadd.s32 $0xFFFF8000  }
0xc3: {  	[hbm4b:s30+s3] =	stream.linear.scatter [tilespmem:s18], [sflag:$0x5], $0x8000, $0x38;
	[tilespmem:$0x1A900] =	vst v63  }
0xc4: {  	_ =	swait.ge [sflag:s23], $0x8000  }
0xc5: {  	[sflag:s23] =	ssyncset.done $0x0  }
0xc6: {  	[sflag:s23] =	ssyncadd.s32 $0xFFFF8000  }
0xc7: {  	[hbm4b:s1+s3] =	stream.linear.scatter [tilespmem:s20], [sflag:$0x6], $0x8000, $0x38;
	[tilespmem:$0x1A900] =	vst v63  }
0xc8: {  	_ =	swait.ge [sflag:s24], $0x8000  }
0xc9: {  	s0 =	sshra.s32 s0, $0x2;
	[sflag:s24] =	ssyncset.done $0x0  }
0xca: {  	s15 =	sadd.s32 $0x298, s0;
	[sflag:s24] =	ssyncadd.s32 $0xFFFF8000  }
0xcb: {  	[tilespmem:s16], [sflag:$0x1] =	stream.indirect.gather [spmem:s2], $0x1000, s15, s14, $0xb8;
	[tilespmem:$0x1A900] =	vst v63  }
0xcc: {  	_ =	swait.ge [sflag:s25], $0x8000  }
0xcd: {  	[sflag:s25] =	ssyncset.done $0x0  }
.Ltmp0:
0xce: {  	s15 =	sadd.s32 $0x2A0, s0;
	[sflag:s25] =	ssyncadd.s32 $0xFFFF8000;
	(pc) =	sbr.rel @p1 .LBB2_2-.Ltmp0, $4  }
0xcf: {  	[tilespmem:s18], [sflag:$0x2] =	stream.indirect.gather [spmem:s2], $0x1000, s15, s14, $0xb8;
	[tilespmem:$0x1A900] =	vst v63  }
0xd0: {  	_ =	swait.ge [sflag:s26], $0x8000  }
0xd1: {  	s31 =	sadd.s32 $0x3000, s31;
	s30 =	sadd.s32 $0x3000, s30;
	[sflag:s26] =	ssyncset.done $0x0  }
0xd2: {  	s1 =	sadd.s32 $0x3000, s1;
	s0 =	sadd.s32 $0x2A8, s0;
	[sflag:s26] =	ssyncadd.s32 $0xFFFF8000  }
0xd3: {  	[tilespmem:s20], [sflag:$0x3] =	stream.indirect.gather [spmem:s2], $0x1000, s0, s14, $0xb8;
	[tilespmem:$0x1A900] =	vst v63  }
0xd4: {  	_ =	swait.ge [sflag:s21], $0x8000  }
0xd5: {  	[sflag:s21] =	ssyncset.done $0x0  }
0xd6: {  	[sflag:s21] =	ssyncadd.s32 $0xFFFF8000  }
0xd7: {  	[hbm4b:s5+s3] =	stream.linear.scatter [tilespmem:s16], [sflag:$0x4], $0x8000, $0x38;
	[tilespmem:$0x1A900] =	vst v63  }
0xd8: {  	_ =	swait.ge [sflag:s22], $0x8000  }
0xd9: {  	[sflag:s22] =	ssyncset.done $0x0  }
0xda: {  	[sflag:s22] =	ssyncadd.s32 $0xFFFF8000  }
0xdb: {  	[hbm4b:s6+s3] =	stream.linear.scatter [tilespmem:s18], [sflag:$0x5], $0x8000, $0x38;
	[tilespmem:$0x1A900] =	vst v63  }
0xdc: {  	_ =	swait.ge [sflag:s23], $0x8000  }
0xdd: {  	[sflag:s23] =	ssyncset.done $0x0  }
0xde: {  	[sflag:s23] =	ssyncadd.s32 $0xFFFF8000  }
0xdf: {  	[hbm4b:s7+s3] =	stream.linear.scatter [tilespmem:s20], [sflag:$0x6], $0x8000, $0x38;
	[tilespmem:$0x1A900] =	vst v63  }
0xe0: {  	_ =	swait.ge [sflag:s24], $0x8000  }
0xe1: {  	[sflag:s24] =	ssyncset.done $0x0  }
0xe2: {  	s28 =	sadd.s32 $0x1, s28;
	[sflag:s24] =	ssyncadd.s32 $0xFFFF8000  }
0xe3: {  	p1 =	sne.s32 s28, s8;
	_ =	swait.ge [sflag:s25], $0x8000  }
.Ltmp1:
0xe4: {  	[sflag:s25] =	ssyncset.done $0x0;
	(pc) =	sbr.rel @p1 .LBB2_1-.Ltmp1, $4  }
0xe5: {  	[sflag:s25] =	ssyncadd.s32 $0xFFFF8000  }
0xe6: {  	_ =	swait.ge [sflag:s26], $0x8000  }
0xe7: {  	[sflag:s26] =	ssyncset.done $0x0  }
0xe8: {  	[sflag:s26] =	ssyncadd.s32 $0xFFFF8000  }
0xe9: {  	_ =	sfence.sel $0x180000  }
0xea: {  	[bflag:$0x0] =	sbarrier.arrive $0xFFFF  }
0xeb: {  	_ =	strace $0x90000047  }
0xec: {  	[bflag:$0x2] =	sbarrier.arrive $0xFFFF  }
0xed: {  	s0 =	rddreg [dreg:$0x3]  }
0xee: {  	s0 =	sadd.s32 @!p0 $0x100000, s0  }
0xef: {  	[sflag:s0] =	ssyncadd.tile.s32 @!p0 $0x1;
	_ =	shalt  }
.Lfunc_end2:
_tile_overlayer_lowered:
.L_overlay_start_2:
0xf0: {  	(tag) =	ssettag $0x2  }
0xf1: {  	s0 =	rddreg [dreg:$0x0];
	s2 =	stileid.u32  }
0xf2: {  	s1 =	rddreg [dreg:$0x1];
	p0 =	sne.s32 s2, $0x0  }
0xf3: {  	s3 =	rddreg [dreg:$0x2];
	[bflag:$0x3] =	sbarrier.arrive $0xFFFF;
	s2 =	simm.s32 @!p0 $0x1C07  }
0xf4: {  	[timem:s3], [sflag:s2] =	dma.local @!p0 [hbm:s0], s1  }
0xf5: {  	s0 =	simm.s32 @!p0 $0x7  }
0xf6: {  	_ =	swait.ge @!p0 [sflag:s0], s1  }
0xf7: {  	s1 =	ssub.s32 @!p0 $0x0, s1;
	[sflag:s0] =	ssyncset.done @!p0 $0x0  }
0xf8: {  	[sflag:s0] =	ssyncadd.s32 @!p0 s1  }
0xf9: {  	[bflag:$0x3] =	sbarrier.arrive $0xFFFF  }
0xfa: {  	_ =	shalt  }

</sc_bundles>
